<compile_context>
chip_gen: v7x
topology: tpu7x:2x2x1
jax: 0.10.2.dev20260603
libtpu: 0.0.44.dev20260713+nightly
codegen_flags: <defaults>
</compile_context>

<pallas_src>
import functools

import jax
import jax.numpy as jnp
from jax import lax
from jax.experimental import pallas as pl
from jax.experimental.pallas import tpu as pltpu
from jax.experimental.pallas import tpu_sc as plsc

N = 10000
D = 128
E = 320000
NC = 2
NS = 16
NW = NC * NS
L = 16

N_PAD = 10240
ROWS_PER_TILE = N_PAD // NS
CHUNK = 128
E_TILE = 10240
CHUNKS = E_TILE // CHUNK
E_PAD = NW * E_TILE
TOTAL_CHUNKS = E_PAD // CHUNK
PAD_IDX = N
NBUF = 2
C0_CHUNKS = 152
C1_CHUNKS = 8

_mesh = plsc.VectorSubcoreMesh(core_axis_name="c", subcore_axis_name="s")
_sc_params = pltpu.CompilerParams(needs_layout_passes=False)



@functools.partial(
    pl.kernel,
    out_type=jax.ShapeDtypeStruct((NW, N_PAD), jnp.float32),
    mesh=_mesh,
    scratch_types=[
        pltpu.VMEM((CHUNKS, CHUNK), jnp.int32),
        pltpu.VMEM((N_PAD,), jnp.float32),
    ],
    compiler_params=_sc_params,
)
def _deg_kernel(dst_hbm, out_hbm, dst_v, deg_v):
    c = lax.axis_index("c")
    s = lax.axis_index("s")
    wid = s * NC + c

    zeros16 = jnp.zeros((L,), jnp.float32)

    def zero_body(i, _):
        deg_v[pl.ds(i * L, L)] = zeros16
        return 0

    lax.fori_loop(0, N_PAD // L, zero_body, 0)

    pltpu.sync_copy(dst_hbm.at[wid], dst_v)

    ones16 = jnp.ones((L,), jnp.float32)

    def chunk_body(j, _):
        for k in range(CHUNK // L):
            idx = dst_v[j, pl.ds(k * L, L)]
            plsc.addupdate_scatter(deg_v, [idx], ones16)
        return 0

    lax.fori_loop(0, CHUNKS, chunk_body, 0)

    pltpu.sync_copy(deg_v, out_hbm.at[wid])


@functools.partial(
    pl.kernel,
    out_type=jax.ShapeDtypeStruct((NW, ROWS_PER_TILE, D), jnp.float32),
    mesh=_mesh,
    scratch_types=[
        [pltpu.VMEM((CHUNK,), jnp.int32)] * NBUF,
        [pltpu.VMEM((CHUNK,), jnp.int32)] * NBUF,
        [pltpu.VMEM((CHUNK, D), jnp.float32)] * NBUF,
        pltpu.VMEM_SHARED((N_PAD, D), jnp.float32),
        [pltpu.SemaphoreType.DMA] * NBUF,
        [pltpu.SemaphoreType.DMA] * NBUF,
        [pltpu.SemaphoreType.DMA] * NBUF,
        [pltpu.SemaphoreType.DMA] * NBUF,
    ],
    compiler_params=_sc_params,
)
def _agg_kernel(g_hbm, src_hbm, dst_hbm, out_hbm, sidx, didx, bufs,
                acc, isems, dsems, gsems, ssems):
    c = lax.axis_index("c")
    s = lax.axis_index("s")
    owid = c * NS + s
    n = jnp.where(c == 0, C0_CHUNKS, C1_CHUNKS)
    base = jnp.where(c == 0, s * C0_CHUNKS,
                     NS * C0_CHUNKS + s * C1_CHUNKS)

    zeros16 = jnp.zeros((L,), jnp.float32)

    def zbuf_body(i, _):
        for k in range(D // L):
            bufs[0][i, pl.ds(k * L, L)] = zeros16
        return 0

    lax.fori_loop(0, CHUNK, zbuf_body, 0)

    def zacc_body(t, _):
        pltpu.sync_copy(
            bufs[0], acc.at[pl.ds(s * ROWS_PER_TILE + t * CHUNK, CHUNK)])
        return 0

    lax.fori_loop(0, ROWS_PER_TILE // CHUNK, zacc_body, 0)

    plsc.subcore_barrier()

    for b in range(NBUF):
        pltpu.async_copy(src_hbm.at[base + b], sidx[b], isems[b])
        pltpu.async_copy(dst_hbm.at[base + b], didx[b], dsems[b])
    for b in range(NBUF):
        pltpu.make_async_copy(src_hbm.at[base + b], sidx[b],
                              isems[b]).wait()
        pltpu.async_copy(g_hbm.at[sidx[b]], bufs[b], gsems[b])

    def step(jj, _):
        for b in range(NBUF):
            k = jj * NBUF + b
            j = base + k
            pltpu.make_async_copy(g_hbm.at[sidx[b]], bufs[b],
                                  gsems[b]).wait()
            pltpu.make_async_copy(dst_hbm.at[j], didx[b], dsems[b]).wait()
            pltpu.async_copy(bufs[b], acc.at[didx[b]], ssems[b], add=True)
            nk = k + NBUF

            @pl.when(nk < n)
            def _():
                pltpu.async_copy(src_hbm.at[j + NBUF], sidx[b], isems[b])
                pltpu.make_async_copy(bufs[b], acc.at[didx[b]],
                                      ssems[b]).wait()
                pltpu.async_copy(dst_hbm.at[j + NBUF], didx[b], dsems[b])
                pltpu.make_async_copy(src_hbm.at[j + NBUF], sidx[b],
                                      isems[b]).wait()
                pltpu.async_copy(g_hbm.at[sidx[b]], bufs[b], gsems[b])

        return 0

    lax.fori_loop(0, n // NBUF, step, 0)

    for b in range(NBUF):
        pltpu.make_async_copy(bufs[b], acc.at[didx[b]], ssems[b]).wait()

    plsc.subcore_barrier()

    pltpu.sync_copy(acc.at[pl.ds(s * ROWS_PER_TILE, ROWS_PER_TILE)],
                    out_hbm.at[owid])



def _deg_combine_body(degp_ref, ds_ref, di_ref):
    deg = jnp.sum(degp_ref[...], axis=0, keepdims=True) + 1.0
    ds_ref[...] = lax.rsqrt(deg)
    di_ref[...] = 1.0 / deg


_deg_combine = pl.pallas_call(
    _deg_combine_body,
    out_shape=[jax.ShapeDtypeStruct((1, N_PAD), jnp.float32)] * 2,
)

BLK = 512
GRID = N_PAD // BLK

_row_spec = pl.BlockSpec((BLK, D), lambda i: (i, 0))
_col_spec = pl.BlockSpec((BLK, 1), lambda i: (i, 0))
_w_spec = pl.BlockSpec((D, D), lambda i: (0, 0))
_b_spec = pl.BlockSpec((1, D), lambda i: (0, 0))


def _mm1_body(x_ref, w_ref, ds_ref, h_ref, g_ref):
    h = jnp.dot(x_ref[...], w_ref[...], preferred_element_type=jnp.float32,
                precision=lax.Precision.HIGHEST)
    h_ref[...] = h
    g_ref[...] = h * ds_ref[...]


_mm1 = pl.pallas_call(
    _mm1_body,
    grid=(GRID,),
    in_specs=[_row_spec, _w_spec, _col_spec],
    out_specs=[_row_spec, _row_spec],
    out_shape=[jax.ShapeDtypeStruct((N_PAD, D), jnp.float32)] * 2,
)


def _comb_body(a0_ref, a1_ref, h_ref, ds_ref, di_ref, b_ref, w_ref,
               hn_ref, gn_ref):
    x = (a0_ref[...] + a1_ref[...]) * ds_ref[...] \
        + h_ref[...] * di_ref[...] + b_ref[...]
    x = jnp.maximum(x, 0.0)
    hn = jnp.dot(x, w_ref[...], preferred_element_type=jnp.float32,
                 precision=lax.Precision.HIGHEST)
    hn_ref[...] = hn
    gn_ref[...] = hn * ds_ref[...]


_comb = pl.pallas_call(
    _comb_body,
    grid=(GRID,),
    in_specs=[_row_spec, _row_spec, _row_spec, _col_spec, _col_spec,
              _b_spec, _w_spec],
    out_specs=[_row_spec, _row_spec],
    out_shape=[jax.ShapeDtypeStruct((N_PAD, D), jnp.float32)] * 2,
)


def _final_body(a0_ref, a1_ref, h_ref, ds_ref, di_ref, b_ref, o_ref):
    o_ref[...] = (a0_ref[...] + a1_ref[...]) * ds_ref[...] \
        + h_ref[...] * di_ref[...] + b_ref[...]


_final = pl.pallas_call(
    _final_body,
    grid=(GRID,),
    in_specs=[_row_spec, _row_spec, _row_spec, _col_spec, _col_spec, _b_spec],
    out_specs=_row_spec,
    out_shape=jax.ShapeDtypeStruct((N_PAD, D), jnp.float32),
)



def kernel(x, edge_index, W1, b1, W2, b2, W3, b3):
    src = edge_index[0].astype(jnp.int32)
    dst = edge_index[1].astype(jnp.int32)
    pad = jnp.full((E_PAD - E,), PAD_IDX, jnp.int32)
    srcp = jnp.concatenate([src, pad]).reshape(TOTAL_CHUNKS, CHUNK)
    dstp = jnp.concatenate([dst, pad]).reshape(TOTAL_CHUNKS, CHUNK)
    dstp_slab = dstp.reshape(NW, CHUNKS, CHUNK)

    x_pad = jnp.zeros((N_PAD, D), jnp.float32).at[:N].set(x)
    b1r = b1.reshape(1, D)
    b2r = b2.reshape(1, D)
    b3r = b3.reshape(1, D)

    degp = _deg_kernel(dstp_slab)
    ds, di = _deg_combine(degp)
    ds_col = ds.reshape(N_PAD, 1)
    di_col = di.reshape(N_PAD, 1)

    h1, g1 = _mm1(x_pad, W1, ds_col)
    agg = _agg_kernel(g1, srcp, dstp).reshape(NC, N_PAD, D)
    h2, g2 = _comb(agg[0], agg[1], h1, ds_col, di_col, b1r, W2)
    agg = _agg_kernel(g2, srcp, dstp).reshape(NC, N_PAD, D)
    h3, g3 = _comb(agg[0], agg[1], h2, ds_col, di_col, b2r, W3)
    agg = _agg_kernel(g3, srcp, dstp).reshape(NC, N_PAD, D)
    out = _final(agg[0], agg[1], h3, ds_col, di_col, b3r)
    return out[:N]

# --- scband reference (transcript-rebuilt; emitter-appended) ---
"""Pipeline reference for scband-baseline-gcn-82188494176331 (READ-ONLY COPY).

The authoritative reference and input builder live on the scoring server;
editing this copy changes nothing except your own understanding.
"""

import jax, jax.numpy as jnp
import numpy as np

N_NODES = 10000
D_IN = 128
D_HID = 128
D_OUT = 128
N_EDGES = 320000


def _glorot(key, shape):
    fan_in, fan_out = shape[0], shape[1]
    limit = np.sqrt(6.0 / (fan_in + fan_out))
    return jax.random.uniform(key, shape, dtype=jnp.float32, minval=-limit, maxval=limit)


def setup_inputs(seed: int = 0) -> dict:
    key = jax.random.key(seed)
    ks = jax.random.split(key, 8)
    x = jax.random.normal(ks[0], (N_NODES, D_IN), dtype=jnp.float32)
    edge_index = jax.random.randint(ks[1], (2, N_EDGES), 0, N_NODES, dtype=jnp.int64)
    W1 = _glorot(ks[2], (D_IN, D_HID))
    b1 = jnp.zeros((D_HID,), dtype=jnp.float32)
    W2 = _glorot(ks[3], (D_HID, D_HID))
    b2 = jnp.zeros((D_HID,), dtype=jnp.float32)
    W3 = _glorot(ks[4], (D_HID, D_OUT))
    b3 = jnp.zeros((D_OUT,), dtype=jnp.float32)
    return {"x": x, "edge_index": edge_index, "W1": W1, "b1": b1, "W2": W2, "b2": b2, "W3": W3, "b3": b3}


def _gcn_conv(x, src, dst, norm, W, b):
    # PyG GCNConv: h = x @ W; out[dst] += norm * h[src]; out += b
    h = x @ W
    msg = h[src] * norm[:, None]
    out = jnp.zeros((x.shape[0], W.shape[1]), dtype=x.dtype).at[dst].add(msg)
    return out + b


def reference(x, edge_index, W1, b1, W2, b2, W3, b3):
    N = x.shape[0]
    loop = jnp.arange(N, dtype=edge_index.dtype)
    src = jnp.concatenate([edge_index[0], loop])
    dst = jnp.concatenate([edge_index[1], loop])
    # symmetric GCN normalization with self-loops (edge_weight = 1)
    deg = jnp.zeros((N,), dtype=x.dtype).at[dst].add(1.0)
    deg_inv_sqrt = jnp.where(deg > 0, deg ** -0.5, 0.0)
    norm = deg_inv_sqrt[src] * deg_inv_sqrt[dst]
    # layer 1 + relu (dropout is identity in eval mode)
    h = _gcn_conv(x, src, dst, norm, W1, b1)
    h = jax.nn.relu(h)
    # layer 2 + relu
    h = _gcn_conv(h, src, dst, norm, W2, b2)
    h = jax.nn.relu(h)
    # layer 3 (no activation); batch=None -> no pooling
    out = _gcn_conv(h, src, dst, norm, W3, b3)
    return out

if __name__ == "__main__":
    import jax
    _d = setup_inputs()
    print(jax.jit(kernel)(*tuple(_d.values())))

</pallas_src>

<mosaic_0001>
#map = affine_map<(d0, d1) -> (0, 0, 0)>
#map1 = affine_map<(d0, d1) -> (0, 0)>
module attributes {stable_mosaic.version = 14 : i64} {
  func.func @_deg_kernel(%arg0: i32, %arg1: i32, %arg2: memref<32x80x128xi32, #tpu.memory_space<hbm>>, %arg3: memref<32x10240xf32, #tpu.memory_space<hbm>>, %arg4: memref<80x128xi32, #tpu.memory_space<vmem>>, %arg5: memref<10240xf32, #tpu.memory_space<vmem>>) attributes {dimension_semantics = [#tpu.dimension_semantics<core_parallel>, #tpu.dimension_semantics<subcore_parallel>], iteration_bounds = array<i64: 2, 16>, scalar_prefetch = 0 : i64, scratch_operands = 2 : i64, tpu.core_type = #tpu.core_type<sc_vector_subcore>, window_params = [{transform_indices = #map}, {transform_indices = #map1}]} {
    %mul3A = arith.constant 2 : i32
    %mul3A_0 = arith.muli %arg1, %mul3A : i32
    %add3A = arith.addi %mul3A_0, %arg0 : i32
    %broadcast_in_dim3A = arith.constant 0.000000e+00 : f32
    %broadcast_in_dim3A_1 = vector.broadcast %broadcast_in_dim3A : f32 to vector<16xf32>
    %scan3A = arith.constant 0 : i32
    %scan3A_2 = arith.constant 0 : i32
    %scan3A_3 = arith.constant 640 : i32
    %scan3A_4 = arith.addi %scan3A_2, %scan3A_3 : i32
    %scan3A_5 = arith.constant 1 : i32
    %scan3A_6 = scf.for %scan3A_17 = %scan3A_2 to %scan3A_4 step %scan3A_5 iter_args(%scan3A_18 = %scan3A) -> (i32)  : i32 {
      %mul3A_19 = arith.constant 16 : i32
      %mul3A_20 = arith.muli %scan3A_17, %mul3A_19 : i32
      %swap3A = arith.index_cast %mul3A_20 : i32 to index
      %swap3A_21 = tpu.vector_load %arg5[%swap3A] {strides = array<i32>} : memref<10240xf32, #tpu.memory_space<vmem>>, vector<16xf32>,
      tpu.vector_store %arg5[%swap3A], %broadcast_in_dim3A_1 {strides = array<i32>} : memref<10240xf32, #tpu.memory_space<vmem>>, vector<16xf32>,
      %scan3A_22 = arith.constant 0 : i32
      scf.yield %scan3A_22 : i32
    }
    %scan3A_7 = arith.constant 640 : i32
    "tpu.region"() ({
      %run_scoped3A = tpu.sem_alloc : memref<!tpu.dma_semaphore, #tpu.memory_space<semaphore_mem>>
      %dma_start3A = arith.constant 0 : i32
      %dma_start3A_17 = arith.constant 0 : i32
      %dma_start3A_18 = tpu.memref_slice %arg2[%add3A, %dma_start3A, %dma_start3A_17] : memref<32x80x128xi32, #tpu.memory_space<hbm>> -> memref<1x80x128xi32, #tpu.memory_space<hbm>>
      %dma_start3A_19 = tpu.memref_squeeze %dma_start3A_18 : memref<1x80x128xi32, #tpu.memory_space<hbm>> -> memref<80x128xi32, #tpu.memory_space<hbm>>
      %dma_start3A_20 = arith.constant 0 : i32
      %dma_start3A_21 = arith.constant 0 : i32
      %dma_start3A_22 = tpu.memref_slice %arg2[%add3A, %dma_start3A_20, %dma_start3A_21] : memref<32x80x128xi32, #tpu.memory_space<hbm>> -> memref<1x80x128xi32, #tpu.memory_space<hbm>>
      %dma_start3A_23 = tpu.memref_squeeze %dma_start3A_22 : memref<1x80x128xi32, #tpu.memory_space<hbm>> -> memref<80x128xi32, #tpu.memory_space<hbm>>
      tpu.enqueue_dma source(%dma_start3A_23 : memref<80x128xi32, #tpu.memory_space<hbm>>) target(%arg4 : memref<80x128xi32, #tpu.memory_space<vmem>>) target_semaphore(%run_scoped3A : memref<!tpu.dma_semaphore, #tpu.memory_space<semaphore_mem>>)
      %dma_wait3A = arith.constant 0 : i32
      %dma_wait3A_24 = arith.constant 0 : i32
      %dma_wait3A_25 = tpu.memref_slice %arg2[%add3A, %dma_wait3A, %dma_wait3A_24] : memref<32x80x128xi32, #tpu.memory_space<hbm>> -> memref<1x80x128xi32, #tpu.memory_space<hbm>>
      %dma_wait3A_26 = tpu.memref_squeeze %dma_wait3A_25 : memref<1x80x128xi32, #tpu.memory_space<hbm>> -> memref<80x128xi32, #tpu.memory_space<hbm>>
      %dma_wait3A_27 = arith.constant 0 : i32
      %dma_wait3A_28 = arith.constant 0 : i32
      %dma_wait3A_29 = tpu.memref_slice %arg2[%add3A, %dma_wait3A_27, %dma_wait3A_28] : memref<32x80x128xi32, #tpu.memory_space<hbm>> -> memref<1x80x128xi32, #tpu.memory_space<hbm>>
      %dma_wait3A_30 = tpu.memref_squeeze %dma_wait3A_29 : memref<1x80x128xi32, #tpu.memory_space<hbm>> -> memref<80x128xi32, #tpu.memory_space<hbm>>
      tpu.wait_dma2 semaphore(%run_scoped3A : memref<!tpu.dma_semaphore, #tpu.memory_space<semaphore_mem>>) src(%dma_wait3A_30 : memref<80x128xi32, #tpu.memory_space<hbm>>) dst(%arg4 : memref<80x128xi32, #tpu.memory_space<vmem>>)
      tpu.yield
    }) : () -> ()
    %broadcast_in_dim3A_8 = arith.constant 1.000000e+00 : f32
    %broadcast_in_dim3A_9 = vector.broadcast %broadcast_in_dim3A_8 : f32 to vector<16xf32>
    %scan3A_10 = arith.constant 0 : i32
    %scan3A_11 = arith.constant 0 : i32
    %scan3A_12 = arith.constant 80 : i32
    %scan3A_13 = arith.addi %scan3A_11, %scan3A_12 : i32
    %scan3A_14 = arith.constant 1 : i32
    %scan3A_15 = scf.for %scan3A_17 = %scan3A_11 to %scan3A_13 step %scan3A_14 iter_args(%scan3A_18 = %scan3A_10) -> (i32)  : i32 {
      %get3A = arith.index_cast %scan3A_17 : i32 to index
      %get3A_19 = arith.constant 0 : index
      %get3A_20 = tpu.vector_load %arg4[%get3A, %get3A_19] {strides = array<i32>} : memref<80x128xi32, #tpu.memory_space<vmem>>, vector<16xi32>,
      tpu.vector_store_idx %arg5[%get3A_20], %broadcast_in_dim3A_9 {add = true} : memref<10240xf32, #tpu.memory_space<vmem>>[vector<16xi32>], vector<16xf32>,
      %get3A_21 = arith.index_cast %scan3A_17 : i32 to index
      %get3A_22 = arith.constant 16 : index
      %get3A_23 = tpu.vector_load %arg4[%get3A_21, %get3A_22] {strides = array<i32>} : memref<80x128xi32, #tpu.memory_space<vmem>>, vector<16xi32>,
      tpu.vector_store_idx %arg5[%get3A_23], %broadcast_in_dim3A_9 {add = true} : memref<10240xf32, #tpu.memory_space<vmem>>[vector<16xi32>], vector<16xf32>,
      %get3A_24 = arith.index_cast %scan3A_17 : i32 to index
      %get3A_25 = arith.constant 32 : index
      %get3A_26 = tpu.vector_load %arg4[%get3A_24, %get3A_25] {strides = array<i32>} : memref<80x128xi32, #tpu.memory_space<vmem>>, vector<16xi32>,
      tpu.vector_store_idx %arg5[%get3A_26], %broadcast_in_dim3A_9 {add = true} : memref<10240xf32, #tpu.memory_space<vmem>>[vector<16xi32>], vector<16xf32>,
      %get3A_27 = arith.index_cast %scan3A_17 : i32 to index
      %get3A_28 = arith.constant 48 : index
      %get3A_29 = tpu.vector_load %arg4[%get3A_27, %get3A_28] {strides = array<i32>} : memref<80x128xi32, #tpu.memory_space<vmem>>, vector<16xi32>,
      tpu.vector_store_idx %arg5[%get3A_29], %broadcast_in_dim3A_9 {add = true} : memref<10240xf32, #tpu.memory_space<vmem>>[vector<16xi32>], vector<16xf32>,
      %get3A_30 = arith.index_cast %scan3A_17 : i32 to index
      %get3A_31 = arith.constant 64 : index
      %get3A_32 = tpu.vector_load %arg4[%get3A_30, %get3A_31] {strides = array<i32>} : memref<80x128xi32, #tpu.memory_space<vmem>>, vector<16xi32>,
      tpu.vector_store_idx %arg5[%get3A_32], %broadcast_in_dim3A_9 {add = true} : memref<10240xf32, #tpu.memory_space<vmem>>[vector<16xi32>], vector<16xf32>,
      %get3A_33 = arith.index_cast %scan3A_17 : i32 to index
      %get3A_34 = arith.constant 80 : index
      %get3A_35 = tpu.vector_load %arg4[%get3A_33, %get3A_34] {strides = array<i32>} : memref<80x128xi32, #tpu.memory_space<vmem>>, vector<16xi32>,
      tpu.vector_store_idx %arg5[%get3A_35], %broadcast_in_dim3A_9 {add = true} : memref<10240xf32, #tpu.memory_space<vmem>>[vector<16xi32>], vector<16xf32>,
      %get3A_36 = arith.index_cast %scan3A_17 : i32 to index
      %get3A_37 = arith.constant 96 : index
      %get3A_38 = tpu.vector_load %arg4[%get3A_36, %get3A_37] {strides = array<i32>} : memref<80x128xi32, #tpu.memory_space<vmem>>, vector<16xi32>,
      tpu.vector_store_idx %arg5[%get3A_38], %broadcast_in_dim3A_9 {add = true} : memref<10240xf32, #tpu.memory_space<vmem>>[vector<16xi32>], vector<16xf32>,
      %get3A_39 = arith.index_cast %scan3A_17 : i32 to index
      %get3A_40 = arith.constant 112 : index
      %get3A_41 = tpu.vector_load %arg4[%get3A_39, %get3A_40] {strides = array<i32>} : memref<80x128xi32, #tpu.memory_space<vmem>>, vector<16xi32>,
      tpu.vector_store_idx %arg5[%get3A_41], %broadcast_in_dim3A_9 {add = true} : memref<10240xf32, #tpu.memory_space<vmem>>[vector<16xi32>], vector<16xf32>,
      %scan3A_42 = arith.constant 0 : i32
      scf.yield %scan3A_42 : i32
    }
    %scan3A_16 = arith.constant 80 : i32
    "tpu.region"() ({
      %run_scoped3A = tpu.sem_alloc : memref<!tpu.dma_semaphore, #tpu.memory_space<semaphore_mem>>
      %dma_start3A = arith.constant 0 : i32
      %dma_start3A_17 = tpu.memref_slice %arg3[%add3A, %dma_start3A] : memref<32x10240xf32, #tpu.memory_space<hbm>> -> memref<1x10240xf32, #tpu.memory_space<hbm>>
      %dma_start3A_18 = tpu.memref_squeeze %dma_start3A_17 : memref<1x10240xf32, #tpu.memory_space<hbm>> -> memref<10240xf32, #tpu.memory_space<hbm>>
      %dma_start3A_19 = arith.constant 0 : i32
      %dma_start3A_20 = tpu.memref_slice %arg3[%add3A, %dma_start3A_19] : memref<32x10240xf32, #tpu.memory_space<hbm>> -> memref<1x10240xf32, #tpu.memory_space<hbm>>
      %dma_start3A_21 = tpu.memref_squeeze %dma_start3A_20 : memref<1x10240xf32, #tpu.memory_space<hbm>> -> memref<10240xf32, #tpu.memory_space<hbm>>
      tpu.enqueue_dma source(%arg5 : memref<10240xf32, #tpu.memory_space<vmem>>) target(%dma_start3A_21 : memref<10240xf32, #tpu.memory_space<hbm>>) target_semaphore(%run_scoped3A : memref<!tpu.dma_semaphore, #tpu.memory_space<semaphore_mem>>)
      %dma_wait3A = arith.constant 0 : i32
      %dma_wait3A_22 = tpu.memref_slice %arg3[%add3A, %dma_wait3A] : memref<32x10240xf32, #tpu.memory_space<hbm>> -> memref<1x10240xf32, #tpu.memory_space<hbm>>
      %dma_wait3A_23 = tpu.memref_squeeze %dma_wait3A_22 : memref<1x10240xf32, #tpu.memory_space<hbm>> -> memref<10240xf32, #tpu.memory_space<hbm>>
      %dma_wait3A_24 = arith.constant 0 : i32
      %dma_wait3A_25 = tpu.memref_slice %arg3[%add3A, %dma_wait3A_24] : memref<32x10240xf32, #tpu.memory_space<hbm>> -> memref<1x10240xf32, #tpu.memory_space<hbm>>
      %dma_wait3A_26 = tpu.memref_squeeze %dma_wait3A_25 : memref<1x10240xf32, #tpu.memory_space<hbm>> -> memref<10240xf32, #tpu.memory_space<hbm>>
      tpu.wait_dma2 semaphore(%run_scoped3A : memref<!tpu.dma_semaphore, #tpu.memory_space<semaphore_mem>>) src(%arg5 : memref<10240xf32, #tpu.memory_space<vmem>>) dst(%dma_wait3A_26 : memref<10240xf32, #tpu.memory_space<hbm>>)
      tpu.yield
    }) : () -> ()
    return
  }
}

#map = affine_map<(d0, d1) -> (0, 0)>
#map1 = affine_map<(d0, d1) -> (0, 0, 0)>
module attributes {stable_mosaic.version = 14 : i64} {
  func.func @_agg_kernel(%arg0: i32, %arg1: i32, %arg2: memref<10240x128xf32, #tpu.memory_space<hbm>>, %arg3: memref<2560x128xi32, #tpu.memory_space<hbm>>, %arg4: memref<2560x128xi32, #tpu.memory_space<hbm>>, %arg5: memref<32x640x128xf32, #tpu.memory_space<hbm>>, %arg6: memref<128xi32, #tpu.memory_space<vmem>>, %arg7: memref<128xi32, #tpu.memory_space<vmem>>, %arg8: memref<128xi32, #tpu.memory_space<vmem>>, %arg9: memref<128xi32, #tpu.memory_space<vmem>>, %arg10: memref<128x128xf32, #tpu.memory_space<vmem>>, %arg11: memref<128x128xf32, #tpu.memory_space<vmem>>, %arg12: memref<10240x128xf32, #tpu.memory_space<vmem_shared>>, %arg13: memref<!tpu.dma_semaphore, #tpu.memory_space<semaphore_mem>>, %arg14: memref<!tpu.dma_semaphore, #tpu.memory_space<semaphore_mem>>, %arg15: memref<!tpu.dma_semaphore, #tpu.memory_space<semaphore_mem>>, %arg16: memref<!tpu.dma_semaphore, #tpu.memory_space<semaphore_mem>>, %arg17: memref<!tpu.dma_semaphore, #tpu.memory_space<semaphore_mem>>, %arg18: memref<!tpu.dma_semaphore, #tpu.memory_space<semaphore_mem>>, %arg19: memref<!tpu.dma_semaphore, #tpu.memory_space<semaphore_mem>>, %arg20: memref<!tpu.dma_semaphore, #tpu.memory_space<semaphore_mem>>) attributes {dimension_semantics = [#tpu.dimension_semantics<core_parallel>, #tpu.dimension_semantics<subcore_parallel>], iteration_bounds = array<i64: 2, 16>, scalar_prefetch = 0 : i64, scratch_operands = 15 : i64, tpu.core_type = #tpu.core_type<sc_vector_subcore>, window_params = [{transform_indices = #map}, {transform_indices = #map}, {transform_indices = #map}, {transform_indices = #map1}]} {
    %mul3A = arith.constant 16 : i32
    %mul3A_0 = arith.muli %arg0, %mul3A : i32
    %add3A = arith.addi %mul3A_0, %arg1 : i32
    %eq3A = arith.constant 0 : i32
    %eq3A_1 = arith.cmpi eq, %arg0, %eq3A : i32
    %jit3A = arith.constant 152 : i32
    %jit3A_2 = arith.constant 8 : i32
    %select_n3A = arith.select %eq3A_1, %jit3A, %jit3A_2 : i32
    %eq3A_3 = arith.constant 0 : i32
    %eq3A_4 = arith.cmpi eq, %arg0, %eq3A_3 : i32
    %mul3A_5 = arith.constant 152 : i32
    %mul3A_6 = arith.muli %arg1, %mul3A_5 : i32
    %mul3A_7 = arith.constant 8 : i32
    %mul3A_8 = arith.muli %arg1, %mul3A_7 : i32
    %add3A_9 = arith.constant 2432 : i32
    %add3A_10 = arith.addi %add3A_9, %mul3A_8 : i32
    %select_n3A_11 = arith.select %eq3A_4, %mul3A_6, %add3A_10 : i32
    %broadcast_in_dim3A = arith.constant 0.000000e+00 : f32
    %broadcast_in_dim3A_12 = vector.broadcast %broadcast_in_dim3A : f32 to vector<16xf32>
    %scan3A = arith.constant 0 : i32
    %scan3A_13 = arith.constant 0 : i32
    %scan3A_14 = arith.constant 128 : i32
    %scan3A_15 = arith.addi %scan3A_13, %scan3A_14 : i32
    %scan3A_16 = arith.constant 1 : i32
    %scan3A_17 = scf.for %scan3A_116 = %scan3A_13 to %scan3A_15 step %scan3A_16 iter_args(%scan3A_117 = %scan3A) -> (i32)  : i32 {
      %swap3A = arith.index_cast %scan3A_116 : i32 to index
      %swap3A_118 = arith.constant 0 : index
      %swap3A_119 = tpu.vector_load %arg10[%swap3A, %swap3A_118] {strides = array<i32>} : memref<128x128xf32, #tpu.memory_space<vmem>>, vector<16xf32>,
      tpu.vector_store %arg10[%swap3A, %swap3A_118], %broadcast_in_dim3A_12 {strides = array<i32>} : memref<128x128xf32, #tpu.memory_space<vmem>>, vector<16xf32>,
      %swap3A_120 = arith.index_cast %scan3A_116 : i32 to index
      %swap3A_121 = arith.constant 16 : index
      %swap3A_122 = tpu.vector_load %arg10[%swap3A_120, %swap3A_121] {strides = array<i32>} : memref<128x128xf32, #tpu.memory_space<vmem>>, vector<16xf32>,
      tpu.vector_store %arg10[%swap3A_120, %swap3A_121], %broadcast_in_dim3A_12 {strides = array<i32>} : memref<128x128xf32, #tpu.memory_space<vmem>>, vector<16xf32>,
      %swap3A_123 = arith.index_cast %scan3A_116 : i32 to index
      %swap3A_124 = arith.constant 32 : index
      %swap3A_125 = tpu.vector_load %arg10[%swap3A_123, %swap3A_124] {strides = array<i32>} : memref<128x128xf32, #tpu.memory_space<vmem>>, vector<16xf32>,
      tpu.vector_store %arg10[%swap3A_123, %swap3A_124], %broadcast_in_dim3A_12 {strides = array<i32>} : memref<128x128xf32, #tpu.memory_space<vmem>>, vector<16xf32>,
      %swap3A_126 = arith.index_cast %scan3A_116 : i32 to index
      %swap3A_127 = arith.constant 48 : index
      %swap3A_128 = tpu.vector_load %arg10[%swap3A_126, %swap3A_127] {strides = array<i32>} : memref<128x128xf32, #tpu.memory_space<vmem>>, vector<16xf32>,
      tpu.vector_store %arg10[%swap3A_126, %swap3A_127], %broadcast_in_dim3A_12 {strides = array<i32>} : memref<128x128xf32, #tpu.memory_space<vmem>>, vector<16xf32>,
      %swap3A_129 = arith.index_cast %scan3A_116 : i32 to index
      %swap3A_130 = arith.constant 64 : index
      %swap3A_131 = tpu.vector_load %arg10[%swap3A_129, %swap3A_130] {strides = array<i32>} : memref<128x128xf32, #tpu.memory_space<vmem>>, vector<16xf32>,
      tpu.vector_store %arg10[%swap3A_129, %swap3A_130], %broadcast_in_dim3A_12 {strides = array<i32>} : memref<128x128xf32, #tpu.memory_space<vmem>>, vector<16xf32>,
      %swap3A_132 = arith.index_cast %scan3A_116 : i32 to index
      %swap3A_133 = arith.constant 80 : index
      %swap3A_134 = tpu.vector_load %arg10[%swap3A_132, %swap3A_133] {strides = array<i32>} : memref<128x128xf32, #tpu.memory_space<vmem>>, vector<16xf32>,
      tpu.vector_store %arg10[%swap3A_132, %swap3A_133], %broadcast_in_dim3A_12 {strides = array<i32>} : memref<128x128xf32, #tpu.memory_space<vmem>>, vector<16xf32>,
      %swap3A_135 = arith.index_cast %scan3A_116 : i32 to index
      %swap3A_136 = arith.constant 96 : index
      %swap3A_137 = tpu.vector_load %arg10[%swap3A_135, %swap3A_136] {strides = array<i32>} : memref<128x128xf32, #tpu.memory_space<vmem>>, vector<16xf32>,
      tpu.vector_store %arg10[%swap3A_135, %swap3A_136], %broadcast_in_dim3A_12 {strides = array<i32>} : memref<128x128xf32, #tpu.memory_space<vmem>>, vector<16xf32>,
      %swap3A_138 = arith.index_cast %scan3A_116 : i32 to index
      %swap3A_139 = arith.constant 112 : index
      %swap3A_140 = tpu.vector_load %arg10[%swap3A_138, %swap3A_139] {strides = array<i32>} : memref<128x128xf32, #tpu.memory_space<vmem>>, vector<16xf32>,
      tpu.vector_store %arg10[%swap3A_138, %swap3A_139], %broadcast_in_dim3A_12 {strides = array<i32>} : memref<128x128xf32, #tpu.memory_space<vmem>>, vector<16xf32>,
      %scan3A_141 = arith.constant 0 : i32
      scf.yield %scan3A_141 : i32
    }
    %scan3A_18 = arith.constant 128 : i32
    %scan3A_19 = arith.constant 0 : i32
    %scan3A_20 = arith.constant 0 : i32
    %scan3A_21 = arith.constant 5 : i32
    %scan3A_22 = arith.addi %scan3A_20, %scan3A_21 : i32
    %scan3A_23 = arith.constant 1 : i32
    %scan3A_24 = scf.for %scan3A_116 = %scan3A_20 to %scan3A_22 step %scan3A_23 iter_args(%scan3A_117 = %scan3A_19) -> (i32)  : i32 {
      %mul3A_118 = arith.constant 640 : i32
      %mul3A_119 = arith.muli %arg1, %mul3A_118 : i32
      %mul3A_120 = arith.constant 128 : i32
      %mul3A_121 = arith.muli %scan3A_116, %mul3A_120 : i32
      %add3A_122 = arith.addi %mul3A_119, %mul3A_121 : i32
      "tpu.region"() ({
        %run_scoped3A = tpu.sem_alloc : memref<!tpu.dma_semaphore, #tpu.memory_space<semaphore_mem>>
        %dma_start3A_124 = arith.constant 0 : i32
        %dma_start3A_125 = tpu.memref_slice %arg12[%add3A_122, %dma_start3A_124] : memref<10240x128xf32, #tpu.memory_space<vmem_shared>> -> memref<128x128xf32, #tpu.memory_space<vmem_shared>>
        %dma_start3A_126 = arith.constant 0 : i32
        %dma_start3A_127 = tpu.memref_slice %arg12[%add3A_122, %dma_start3A_126] : memref<10240x128xf32, #tpu.memory_space<vmem_shared>> -> memref<128x128xf32, #tpu.memory_space<vmem_shared>>
        tpu.enqueue_dma source(%arg10 : memref<128x128xf32, #tpu.memory_space<vmem>>) target(%dma_start3A_127 : memref<128x128xf32, #tpu.memory_space<vmem_shared>>) target_semaphore(%run_scoped3A : memref<!tpu.dma_semaphore, #tpu.memory_space<semaphore_mem>>)
        %dma_wait3A_128 = arith.constant 0 : i32
        %dma_wait3A_129 = tpu.memref_slice %arg12[%add3A_122, %dma_wait3A_128] : memref<10240x128xf32, #tpu.memory_space<vmem_shared>> -> memref<128x128xf32, #tpu.memory_space<vmem_shared>>
        %dma_wait3A_130 = arith.constant 0 : i32
        %dma_wait3A_131 = tpu.memref_slice %arg12[%add3A_122, %dma_wait3A_130] : memref<10240x128xf32, #tpu.memory_space<vmem_shared>> -> memref<128x128xf32, #tpu.memory_space<vmem_shared>>
        tpu.wait_dma2 semaphore(%run_scoped3A : memref<!tpu.dma_semaphore, #tpu.memory_space<semaphore_mem>>) src(%arg10 : memref<128x128xf32, #tpu.memory_space<vmem>>) dst(%dma_wait3A_131 : memref<128x128xf32, #tpu.memory_space<vmem_shared>>)
        tpu.yield
      }) : () -> ()
      %scan3A_123 = arith.constant 0 : i32
      scf.yield %scan3A_123 : i32
    }
    %scan3A_25 = arith.constant 5 : i32
    %barrier3A = arith.constant 0 : index
    tpu.barrier barrier_id(%barrier3A)
    %add3A_26 = arith.constant 0 : i32
    %add3A_27 = arith.addi %select_n3A_11, %add3A_26 : i32
    %dma_start3A = arith.constant 0 : i32
    %dma_start3A_28 = tpu.memref_slice %arg3[%add3A_27, %dma_start3A] : memref<2560x128xi32, #tpu.memory_space<hbm>> -> memref<1x128xi32, #tpu.memory_space<hbm>>
    %dma_start3A_29 = tpu.memref_squeeze %dma_start3A_28 : memref<1x128xi32, #tpu.memory_space<hbm>> -> memref<128xi32, #tpu.memory_space<hbm>>
    %dma_start3A_30 = arith.constant 0 : i32
    %dma_start3A_31 = tpu.memref_slice %arg3[%add3A_27, %dma_start3A_30] : memref<2560x128xi32, #tpu.memory_space<hbm>> -> memref<1x128xi32, #tpu.memory_space<hbm>>
    %dma_start3A_32 = tpu.memref_squeeze %dma_start3A_31 : memref<1x128xi32, #tpu.memory_space<hbm>> -> memref<128xi32, #tpu.memory_space<hbm>>
    tpu.enqueue_dma source(%dma_start3A_32 : memref<128xi32, #tpu.memory_space<hbm>>) target(%arg6 : memref<128xi32, #tpu.memory_space<vmem>>) target_semaphore(%arg13 : memref<!tpu.dma_semaphore, #tpu.memory_space<semaphore_mem>>)
    %add3A_33 = arith.constant 0 : i32
    %add3A_34 = arith.addi %select_n3A_11, %add3A_33 : i32
    %dma_start3A_35 = arith.constant 0 : i32
    %dma_start3A_36 = tpu.memref_slice %arg4[%add3A_34, %dma_start3A_35] : memref<2560x128xi32, #tpu.memory_space<hbm>> -> memref<1x128xi32, #tpu.memory_space<hbm>>
    %dma_start3A_37 = tpu.memref_squeeze %dma_start3A_36 : memref<1x128xi32, #tpu.memory_space<hbm>> -> memref<128xi32, #tpu.memory_space<hbm>>
    %dma_start3A_38 = arith.constant 0 : i32
    %dma_start3A_39 = tpu.memref_slice %arg4[%add3A_34, %dma_start3A_38] : memref<2560x128xi32, #tpu.memory_space<hbm>> -> memref<1x128xi32, #tpu.memory_space<hbm>>
    %dma_start3A_40 = tpu.memref_squeeze %dma_start3A_39 : memref<1x128xi32, #tpu.memory_space<hbm>> -> memref<128xi32, #tpu.memory_space<hbm>>
    tpu.enqueue_dma source(%dma_start3A_40 : memref<128xi32, #tpu.memory_space<hbm>>) target(%arg8 : memref<128xi32, #tpu.memory_space<vmem>>) target_semaphore(%arg15 : memref<!tpu.dma_semaphore, #tpu.memory_space<semaphore_mem>>)
    %add3A_41 = arith.constant 1 : i32
    %add3A_42 = arith.addi %select_n3A_11, %add3A_41 : i32
    %dma_start3A_43 = arith.constant 0 : i32
    %dma_start3A_44 = tpu.memref_slice %arg3[%add3A_42, %dma_start3A_43] : memref<2560x128xi32, #tpu.memory_space<hbm>> -> memref<1x128xi32, #tpu.memory_space<hbm>>
    %dma_start3A_45 = tpu.memref_squeeze %dma_start3A_44 : memref<1x128xi32, #tpu.memory_space<hbm>> -> memref<128xi32, #tpu.memory_space<hbm>>
    %dma_start3A_46 = arith.constant 0 : i32
    %dma_start3A_47 = tpu.memref_slice %arg3[%add3A_42, %dma_start3A_46] : memref<2560x128xi32, #tpu.memory_space<hbm>> -> memref<1x128xi32, #tpu.memory_space<hbm>>
    %dma_start3A_48 = tpu.memref_squeeze %dma_start3A_47 : memref<1x128xi32, #tpu.memory_space<hbm>> -> memref<128xi32, #tpu.memory_space<hbm>>
    tpu.enqueue_dma source(%dma_start3A_48 : memref<128xi32, #tpu.memory_space<hbm>>) target(%arg7 : memref<128xi32, #tpu.memory_space<vmem>>) target_semaphore(%arg14 : memref<!tpu.dma_semaphore, #tpu.memory_space<semaphore_mem>>)
    %add3A_49 = arith.constant 1 : i32
    %add3A_50 = arith.addi %select_n3A_11, %add3A_49 : i32
    %dma_start3A_51 = arith.constant 0 : i32
    %dma_start3A_52 = tpu.memref_slice %arg4[%add3A_50, %dma_start3A_51] : memref<2560x128xi32, #tpu.memory_space<hbm>> -> memref<1x128xi32, #tpu.memory_space<hbm>>
    %dma_start3A_53 = tpu.memref_squeeze %dma_start3A_52 : memref<1x128xi32, #tpu.memory_space<hbm>> -> memref<128xi32, #tpu.memory_space<hbm>>
    %dma_start3A_54 = arith.constant 0 : i32
    %dma_start3A_55 = tpu.memref_slice %arg4[%add3A_50, %dma_start3A_54] : memref<2560x128xi32, #tpu.memory_space<hbm>> -> memref<1x128xi32, #tpu.memory_space<hbm>>
    %dma_start3A_56 = tpu.memref_squeeze %dma_start3A_55 : memref<1x128xi32, #tpu.memory_space<hbm>> -> memref<128xi32, #tpu.memory_space<hbm>>
    tpu.enqueue_dma source(%dma_start3A_56 : memref<128xi32, #tpu.memory_space<hbm>>) target(%arg9 : memref<128xi32, #tpu.memory_space<vmem>>) target_semaphore(%arg16 : memref<!tpu.dma_semaphore, #tpu.memory_space<semaphore_mem>>)
    %add3A_57 = arith.constant 0 : i32
    %add3A_58 = arith.addi %select_n3A_11, %add3A_57 : i32
    %dma_wait3A = arith.constant 0 : i32
    %dma_wait3A_59 = tpu.memref_slice %arg3[%add3A_58, %dma_wait3A] : memref<2560x128xi32, #tpu.memory_space<hbm>> -> memref<1x128xi32, #tpu.memory_space<hbm>>
    %dma_wait3A_60 = tpu.memref_squeeze %dma_wait3A_59 : memref<1x128xi32, #tpu.memory_space<hbm>> -> memref<128xi32, #tpu.memory_space<hbm>>
    %dma_wait3A_61 = arith.constant 0 : i32
    %dma_wait3A_62 = tpu.memref_slice %arg3[%add3A_58, %dma_wait3A_61] : memref<2560x128xi32, #tpu.memory_space<hbm>> -> memref<1x128xi32, #tpu.memory_space<hbm>>
    %dma_wait3A_63 = tpu.memref_squeeze %dma_wait3A_62 : memref<1x128xi32, #tpu.memory_space<hbm>> -> memref<128xi32, #tpu.memory_space<hbm>>
    tpu.wait_dma2 semaphore(%arg13 : memref<!tpu.dma_semaphore, #tpu.memory_space<semaphore_mem>>) src(%dma_wait3A_63 : memref<128xi32, #tpu.memory_space<hbm>>) dst(%arg6 : memref<128xi32, #tpu.memory_space<vmem>>)
    %dma_start3A_64 = arith.constant 0 : i32
    %dma_start3A_65 = arith.constant 0 : i32
    %dma_start3A_66 = tpu.memref_slice %arg2[%dma_start3A_64, %dma_start3A_65] : memref<10240x128xf32, #tpu.memory_space<hbm>> -> memref<10240x128xf32, #tpu.memory_space<hbm>>
    tpu.enqueue_indirect_dma source(%dma_start3A_66 : memref<10240x128xf32, #tpu.memory_space<hbm>>) target(%arg10 : memref<128x128xf32, #tpu.memory_space<vmem>>) offsets(%arg6 : memref<128xi32, #tpu.memory_space<vmem>>) semaphore(%arg17 : memref<!tpu.dma_semaphore, #tpu.memory_space<semaphore_mem>>)
    %add3A_67 = arith.constant 1 : i32
    %add3A_68 = arith.addi %select_n3A_11, %add3A_67 : i32
    %dma_wait3A_69 = arith.constant 0 : i32
    %dma_wait3A_70 = tpu.memref_slice %arg3[%add3A_68, %dma_wait3A_69] : memref<2560x128xi32, #tpu.memory_space<hbm>> -> memref<1x128xi32, #tpu.memory_space<hbm>>
    %dma_wait3A_71 = tpu.memref_squeeze %dma_wait3A_70 : memref<1x128xi32, #tpu.memory_space<hbm>> -> memref<128xi32, #tpu.memory_space<hbm>>
    %dma_wait3A_72 = arith.constant 0 : i32
    %dma_wait3A_73 = tpu.memref_slice %arg3[%add3A_68, %dma_wait3A_72] : memref<2560x128xi32, #tpu.memory_space<hbm>> -> memref<1x128xi32, #tpu.memory_space<hbm>>
    %dma_wait3A_74 = tpu.memref_squeeze %dma_wait3A_73 : memref<1x128xi32, #tpu.memory_space<hbm>> -> memref<128xi32, #tpu.memory_space<hbm>>
    tpu.wait_dma2 semaphore(%arg14 : memref<!tpu.dma_semaphore, #tpu.memory_space<semaphore_mem>>) src(%dma_wait3A_74 : memref<128xi32, #tpu.memory_space<hbm>>) dst(%arg7 : memref<128xi32, #tpu.memory_space<vmem>>)
    %dma_start3A_75 = arith.constant 0 : i32
    %dma_start3A_76 = arith.constant 0 : i32
    %dma_start3A_77 = tpu.memref_slice %arg2[%dma_start3A_75, %dma_start3A_76] : memref<10240x128xf32, #tpu.memory_space<hbm>> -> memref<10240x128xf32, #tpu.memory_space<hbm>>
    tpu.enqueue_indirect_dma source(%dma_start3A_77 : memref<10240x128xf32, #tpu.memory_space<hbm>>) target(%arg11 : memref<128x128xf32, #tpu.memory_space<vmem>>) offsets(%arg7 : memref<128xi32, #tpu.memory_space<vmem>>) semaphore(%arg18 : memref<!tpu.dma_semaphore, #tpu.memory_space<semaphore_mem>>)
    %jit3A_78 = arith.constant 2 : i32
    %div3A = arith.divsi %select_n3A, %jit3A_78 : i32
    %sign3A = arith.constant 0 : i32
    %sign3A_79 = arith.cmpi sgt, %select_n3A, %sign3A : i32
    %sign3A_80 = arith.extui %sign3A_79 : i1 to i32
    %sign3A_81 = arith.constant 0 : i32
    %sign3A_82 = arith.cmpi slt, %select_n3A, %sign3A_81 : i32
    %sign3A_83 = arith.extui %sign3A_82 : i1 to i32
    %sign3A_84 = arith.subi %sign3A_80, %sign3A_83 : i32
    %sign3A_85 = arith.constant 0 : i32
    %sign3A_86 = arith.cmpi sgt, %jit3A_78, %sign3A_85 : i32
    %sign3A_87 = arith.extui %sign3A_86 : i1 to i32
    %sign3A_88 = arith.constant 0 : i32
    %sign3A_89 = arith.cmpi slt, %jit3A_78, %sign3A_88 : i32
    %sign3A_90 = arith.extui %sign3A_89 : i1 to i32
    %sign3A_91 = arith.subi %sign3A_87, %sign3A_90 : i32
    %ne3A = arith.cmpi ne, %sign3A_84, %sign3A_91 : i32
    %rem3A = arith.remsi %select_n3A, %jit3A_78 : i32
    %ne3A_92 = arith.constant 0 : i32
    %ne3A_93 = arith.cmpi ne, %rem3A, %ne3A_92 : i32
    %and3A = arith.andi %ne3A, %ne3A_93 : i1
    %sub3A = arith.constant 1 : i32
    %sub3A_94 = arith.subi %div3A, %sub3A : i32
    %select_n3A_95 = arith.select %and3A, %sub3A_94, %div3A : i32
    %while3A = arith.constant 0 : i32
    %while3A_96 = arith.constant 0 : i32
    %while3A_97 = arith.subi %select_n3A_95, %while3A : i32
    %while3A_98 = arith.addi %while3A, %while3A_97 : i32
    %while3A_99 = arith.constant 1 : i32
    %while3A_100 = arith.divsi %while3A_97, %while3A_99 : i32
    %while3A_101 = arith.muli %while3A_100, %while3A_99 : i32
    %while3A_102 = arith.addi %while3A, %while3A_101 : i32
    %while3A_103 = arith.constant 1 : i32
    %while3A_104 = scf.for %while3A_116 = %while3A to %while3A_102 step %while3A_103 iter_args(%while3A_117 = %while3A_96) -> (i32)  : i32 {
      %mul3A_118 = arith.constant 2 : i32
      %mul3A_119 = arith.muli %while3A_116, %mul3A_118 : i32
      %add3A_120 = arith.constant 0 : i32
      %add3A_121 = arith.addi %mul3A_119, %add3A_120 : i32
      %add3A_122 = arith.addi %select_n3A_11, %add3A_121 : i32
      %dma_wait3A_123 = arith.constant 0 : i32
      %dma_wait3A_124 = arith.constant 0 : i32
      %dma_wait3A_125 = tpu.memref_slice %arg2[%dma_wait3A_123, %dma_wait3A_124] : memref<10240x128xf32, #tpu.memory_space<hbm>> -> memref<10240x128xf32, #tpu.memory_space<hbm>>
      tpu.wait_indirect_dma semaphore(%arg17 : memref<!tpu.dma_semaphore, #tpu.memory_space<semaphore_mem>>) src(%dma_wait3A_125 : memref<10240x128xf32, #tpu.memory_space<hbm>>) dst(%arg10 : memref<128x128xf32, #tpu.memory_space<vmem>>)
      %dma_wait3A_126 = arith.constant 0 : i32
      %dma_wait3A_127 = tpu.memref_slice %arg4[%add3A_122, %dma_wait3A_126] : memref<2560x128xi32, #tpu.memory_space<hbm>> -> memref<1x128xi32, #tpu.memory_space<hbm>>
      %dma_wait3A_128 = tpu.memref_squeeze %dma_wait3A_127 : memref<1x128xi32, #tpu.memory_space<hbm>> -> memref<128xi32, #tpu.memory_space<hbm>>
      %dma_wait3A_129 = arith.constant 0 : i32
      %dma_wait3A_130 = tpu.memref_slice %arg4[%add3A_122, %dma_wait3A_129] : memref<2560x128xi32, #tpu.memory_space<hbm>> -> memref<1x128xi32, #tpu.memory_space<hbm>>
      %dma_wait3A_131 = tpu.memref_squeeze %dma_wait3A_130 : memref<1x128xi32, #tpu.memory_space<hbm>> -> memref<128xi32, #tpu.memory_space<hbm>>
      tpu.wait_dma2 semaphore(%arg15 : memref<!tpu.dma_semaphore, #tpu.memory_space<semaphore_mem>>) src(%dma_wait3A_131 : memref<128xi32, #tpu.memory_space<hbm>>) dst(%arg8 : memref<128xi32, #tpu.memory_space<vmem>>)
      %dma_start3A_132 = arith.constant 0 : i32
      %dma_start3A_133 = arith.constant 0 : i32
      %dma_start3A_134 = tpu.memref_slice %arg12[%dma_start3A_132, %dma_start3A_133] : memref<10240x128xf32, #tpu.memory_space<vmem_shared>> -> memref<10240x128xf32, #tpu.memory_space<vmem_shared>>
      tpu.enqueue_indirect_dma source(%arg10 : memref<128x128xf32, #tpu.memory_space<vmem>>) target(%dma_start3A_134 : memref<10240x128xf32, #tpu.memory_space<vmem_shared>>) offsets(%arg8 : memref<128xi32, #tpu.memory_space<vmem>>) semaphore(%arg19 : memref<!tpu.dma_semaphore, #tpu.memory_space<semaphore_mem>>) {add = true}
      %add3A_135 = arith.constant 2 : i32
      %add3A_136 = arith.addi %add3A_121, %add3A_135 : i32
      %lt3A = arith.cmpi slt, %add3A_136, %select_n3A : i32
      %convert_element_type3A = arith.extui %lt3A : i1 to i32
      %cond3A = arith.constant 0 : i32
      %cond3A_137 = arith.cmpi ne, %convert_element_type3A, %cond3A : i32
      scf.if %cond3A_137 {
        %add3A_162 = arith.constant 2 : i32
        %add3A_163 = arith.addi %add3A_122, %add3A_162 : i32
        %dma_start3A_164 = arith.constant 0 : i32
        %dma_start3A_165 = tpu.memref_slice %arg3[%add3A_163, %dma_start3A_164] : memref<2560x128xi32, #tpu.memory_space<hbm>> -> memref<1x128xi32, #tpu.memory_space<hbm>>
        %dma_start3A_166 = tpu.memref_squeeze %dma_start3A_165 : memref<1x128xi32, #tpu.memory_space<hbm>> -> memref<128xi32, #tpu.memory_space<hbm>>
        %dma_start3A_167 = arith.constant 0 : i32
        %dma_start3A_168 = tpu.memref_slice %arg3[%add3A_163, %dma_start3A_167] : memref<2560x128xi32, #tpu.memory_space<hbm>> -> memref<1x128xi32, #tpu.memory_space<hbm>>
        %dma_start3A_169 = tpu.memref_squeeze %dma_start3A_168 : memref<1x128xi32, #tpu.memory_space<hbm>> -> memref<128xi32, #tpu.memory_space<hbm>>
        tpu.enqueue_dma source(%dma_start3A_169 : memref<128xi32, #tpu.memory_space<hbm>>) target(%arg6 : memref<128xi32, #tpu.memory_space<vmem>>) target_semaphore(%arg13 : memref<!tpu.dma_semaphore, #tpu.memory_space<semaphore_mem>>)
        %dma_wait3A_170 = arith.constant 0 : i32
        %dma_wait3A_171 = arith.constant 0 : i32
        %dma_wait3A_172 = tpu.memref_slice %arg12[%dma_wait3A_170, %dma_wait3A_171] : memref<10240x128xf32, #tpu.memory_space<vmem_shared>> -> memref<10240x128xf32, #tpu.memory_space<vmem_shared>>
        tpu.wait_indirect_dma semaphore(%arg19 : memref<!tpu.dma_semaphore, #tpu.memory_space<semaphore_mem>>) src(%arg10 : memref<128x128xf32, #tpu.memory_space<vmem>>) dst(%dma_wait3A_172 : memref<10240x128xf32, #tpu.memory_space<vmem_shared>>)
        %add3A_173 = arith.constant 2 : i32
        %add3A_174 = arith.addi %add3A_122, %add3A_173 : i32
        %dma_start3A_175 = arith.constant 0 : i32
        %dma_start3A_176 = tpu.memref_slice %arg4[%add3A_174, %dma_start3A_175] : memref<2560x128xi32, #tpu.memory_space<hbm>> -> memref<1x128xi32, #tpu.memory_space<hbm>>
        %dma_start3A_177 = tpu.memref_squeeze %dma_start3A_176 : memref<1x128xi32, #tpu.memory_space<hbm>> -> memref<128xi32, #tpu.memory_space<hbm>>
        %dma_start3A_178 = arith.constant 0 : i32
        %dma_start3A_179 = tpu.memref_slice %arg4[%add3A_174, %dma_start3A_178] : memref<2560x128xi32, #tpu.memory_space<hbm>> -> memref<1x128xi32, #tpu.memory_space<hbm>>
        %dma_start3A_180 = tpu.memref_squeeze %dma_start3A_179 : memref<1x128xi32, #tpu.memory_space<hbm>> -> memref<128xi32, #tpu.memory_space<hbm>>
        tpu.enqueue_dma source(%dma_start3A_180 : memref<128xi32, #tpu.memory_space<hbm>>) target(%arg8 : memref<128xi32, #tpu.memory_space<vmem>>) target_semaphore(%arg15 : memref<!tpu.dma_semaphore, #tpu.memory_space<semaphore_mem>>)
        %add3A_181 = arith.constant 2 : i32
        %add3A_182 = arith.addi %add3A_122, %add3A_181 : i32
        %dma_wait3A_183 = arith.constant 0 : i32
        %dma_wait3A_184 = tpu.memref_slice %arg3[%add3A_182, %dma_wait3A_183] : memref<2560x128xi32, #tpu.memory_space<hbm>> -> memref<1x128xi32, #tpu.memory_space<hbm>>
        %dma_wait3A_185 = tpu.memref_squeeze %dma_wait3A_184 : memref<1x128xi32, #tpu.memory_space<hbm>> -> memref<128xi32, #tpu.memory_space<hbm>>
        %dma_wait3A_186 = arith.constant 0 : i32
        %dma_wait3A_187 = tpu.memref_slice %arg3[%add3A_182, %dma_wait3A_186] : memref<2560x128xi32, #tpu.memory_space<hbm>> -> memref<1x128xi32, #tpu.memory_space<hbm>>
        %dma_wait3A_188 = tpu.memref_squeeze %dma_wait3A_187 : memref<1x128xi32, #tpu.memory_space<hbm>> -> memref<128xi32, #tpu.memory_space<hbm>>
        tpu.wait_dma2 semaphore(%arg13 : memref<!tpu.dma_semaphore, #tpu.memory_space<semaphore_mem>>) src(%dma_wait3A_188 : memref<128xi32, #tpu.memory_space<hbm>>) dst(%arg6 : memref<128xi32, #tpu.memory_space<vmem>>)
        %dma_start3A_189 = arith.constant 0 : i32
        %dma_start3A_190 = arith.constant 0 : i32
        %dma_start3A_191 = tpu.memref_slice %arg2[%dma_start3A_189, %dma_start3A_190] : memref<10240x128xf32, #tpu.memory_space<hbm>> -> memref<10240x128xf32, #tpu.memory_space<hbm>>
        tpu.enqueue_indirect_dma source(%dma_start3A_191 : memref<10240x128xf32, #tpu.memory_space<hbm>>) target(%arg10 : memref<128x128xf32, #tpu.memory_space<vmem>>) offsets(%arg6 : memref<128xi32, #tpu.memory_space<vmem>>) semaphore(%arg17 : memref<!tpu.dma_semaphore, #tpu.memory_space<semaphore_mem>>)
      } else {
      }
      %mul3A_138 = arith.constant 2 : i32
      %mul3A_139 = arith.muli %while3A_116, %mul3A_138 : i32
      %add3A_140 = arith.constant 1 : i32
      %add3A_141 = arith.addi %mul3A_139, %add3A_140 : i32
      %add3A_142 = arith.addi %select_n3A_11, %add3A_141 : i32
      %dma_wait3A_143 = arith.constant 0 : i32
      %dma_wait3A_144 = arith.constant 0 : i32
      %dma_wait3A_145 = tpu.memref_slice %arg2[%dma_wait3A_143, %dma_wait3A_144] : memref<10240x128xf32, #tpu.memory_space<hbm>> -> memref<10240x128xf32, #tpu.memory_space<hbm>>
      tpu.wait_indirect_dma semaphore(%arg18 : memref<!tpu.dma_semaphore, #tpu.memory_space<semaphore_mem>>) src(%dma_wait3A_145 : memref<10240x128xf32, #tpu.memory_space<hbm>>) dst(%arg11 : memref<128x128xf32, #tpu.memory_space<vmem>>)
      %dma_wait3A_146 = arith.constant 0 : i32
      %dma_wait3A_147 = tpu.memref_slice %arg4[%add3A_142, %dma_wait3A_146] : memref<2560x128xi32, #tpu.memory_space<hbm>> -> memref<1x128xi32, #tpu.memory_space<hbm>>
      %dma_wait3A_148 = tpu.memref_squeeze %dma_wait3A_147 : memref<1x128xi32, #tpu.memory_space<hbm>> -> memref<128xi32, #tpu.memory_space<hbm>>
      %dma_wait3A_149 = arith.constant 0 : i32
      %dma_wait3A_150 = tpu.memref_slice %arg4[%add3A_142, %dma_wait3A_149] : memref<2560x128xi32, #tpu.memory_space<hbm>> -> memref<1x128xi32, #tpu.memory_space<hbm>>
      %dma_wait3A_151 = tpu.memref_squeeze %dma_wait3A_150 : memref<1x128xi32, #tpu.memory_space<hbm>> -> memref<128xi32, #tpu.memory_space<hbm>>
      tpu.wait_dma2 semaphore(%arg16 : memref<!tpu.dma_semaphore, #tpu.memory_space<semaphore_mem>>) src(%dma_wait3A_151 : memref<128xi32, #tpu.memory_space<hbm>>) dst(%arg9 : memref<128xi32, #tpu.memory_space<vmem>>)
      %dma_start3A_152 = arith.constant 0 : i32
      %dma_start3A_153 = arith.constant 0 : i32
      %dma_start3A_154 = tpu.memref_slice %arg12[%dma_start3A_152, %dma_start3A_153] : memref<10240x128xf32, #tpu.memory_space<vmem_shared>> -> memref<10240x128xf32, #tpu.memory_space<vmem_shared>>
      tpu.enqueue_indirect_dma source(%arg11 : memref<128x128xf32, #tpu.memory_space<vmem>>) target(%dma_start3A_154 : memref<10240x128xf32, #tpu.memory_space<vmem_shared>>) offsets(%arg9 : memref<128xi32, #tpu.memory_space<vmem>>) semaphore(%arg20 : memref<!tpu.dma_semaphore, #tpu.memory_space<semaphore_mem>>) {add = true}
      %add3A_155 = arith.constant 2 : i32
      %add3A_156 = arith.addi %add3A_141, %add3A_155 : i32
      %lt3A_157 = arith.cmpi slt, %add3A_156, %select_n3A : i32
      %convert_element_type3A_158 = arith.extui %lt3A_157 : i1 to i32
      %cond3A_159 = arith.constant 0 : i32
      %cond3A_160 = arith.cmpi ne, %convert_element_type3A_158, %cond3A_159 : i32
      scf.if %cond3A_160 {
        %add3A_162 = arith.constant 2 : i32
        %add3A_163 = arith.addi %add3A_142, %add3A_162 : i32
        %dma_start3A_164 = arith.constant 0 : i32
        %dma_start3A_165 = tpu.memref_slice %arg3[%add3A_163, %dma_start3A_164] : memref<2560x128xi32, #tpu.memory_space<hbm>> -> memref<1x128xi32, #tpu.memory_space<hbm>>
        %dma_start3A_166 = tpu.memref_squeeze %dma_start3A_165 : memref<1x128xi32, #tpu.memory_space<hbm>> -> memref<128xi32, #tpu.memory_space<hbm>>
        %dma_start3A_167 = arith.constant 0 : i32
        %dma_start3A_168 = tpu.memref_slice %arg3[%add3A_163, %dma_start3A_167] : memref<2560x128xi32, #tpu.memory_space<hbm>> -> memref<1x128xi32, #tpu.memory_space<hbm>>
        %dma_start3A_169 = tpu.memref_squeeze %dma_start3A_168 : memref<1x128xi32, #tpu.memory_space<hbm>> -> memref<128xi32, #tpu.memory_space<hbm>>
        tpu.enqueue_dma source(%dma_start3A_169 : memref<128xi32, #tpu.memory_space<hbm>>) target(%arg7 : memref<128xi32, #tpu.memory_space<vmem>>) target_semaphore(%arg14 : memref<!tpu.dma_semaphore, #tpu.memory_space<semaphore_mem>>)
        %dma_wait3A_170 = arith.constant 0 : i32
        %dma_wait3A_171 = arith.constant 0 : i32
        %dma_wait3A_172 = tpu.memref_slice %arg12[%dma_wait3A_170, %dma_wait3A_171] : memref<10240x128xf32, #tpu.memory_space<vmem_shared>> -> memref<10240x128xf32, #tpu.memory_space<vmem_shared>>
        tpu.wait_indirect_dma semaphore(%arg20 : memref<!tpu.dma_semaphore, #tpu.memory_space<semaphore_mem>>) src(%arg11 : memref<128x128xf32, #tpu.memory_space<vmem>>) dst(%dma_wait3A_172 : memref<10240x128xf32, #tpu.memory_space<vmem_shared>>)
        %add3A_173 = arith.constant 2 : i32
        %add3A_174 = arith.addi %add3A_142, %add3A_173 : i32
        %dma_start3A_175 = arith.constant 0 : i32
        %dma_start3A_176 = tpu.memref_slice %arg4[%add3A_174, %dma_start3A_175] : memref<2560x128xi32, #tpu.memory_space<hbm>> -> memref<1x128xi32, #tpu.memory_space<hbm>>
        %dma_start3A_177 = tpu.memref_squeeze %dma_start3A_176 : memref<1x128xi32, #tpu.memory_space<hbm>> -> memref<128xi32, #tpu.memory_space<hbm>>
        %dma_start3A_178 = arith.constant 0 : i32
        %dma_start3A_179 = tpu.memref_slice %arg4[%add3A_174, %dma_start3A_178] : memref<2560x128xi32, #tpu.memory_space<hbm>> -> memref<1x128xi32, #tpu.memory_space<hbm>>
        %dma_start3A_180 = tpu.memref_squeeze %dma_start3A_179 : memref<1x128xi32, #tpu.memory_space<hbm>> -> memref<128xi32, #tpu.memory_space<hbm>>
        tpu.enqueue_dma source(%dma_start3A_180 : memref<128xi32, #tpu.memory_space<hbm>>) target(%arg9 : memref<128xi32, #tpu.memory_space<vmem>>) target_semaphore(%arg16 : memref<!tpu.dma_semaphore, #tpu.memory_space<semaphore_mem>>)
        %add3A_181 = arith.constant 2 : i32
        %add3A_182 = arith.addi %add3A_142, %add3A_181 : i32
        %dma_wait3A_183 = arith.constant 0 : i32
        %dma_wait3A_184 = tpu.memref_slice %arg3[%add3A_182, %dma_wait3A_183] : memref<2560x128xi32, #tpu.memory_space<hbm>> -> memref<1x128xi32, #tpu.memory_space<hbm>>
        %dma_wait3A_185 = tpu.memref_squeeze %dma_wait3A_184 : memref<1x128xi32, #tpu.memory_space<hbm>> -> memref<128xi32, #tpu.memory_space<hbm>>
        %dma_wait3A_186 = arith.constant 0 : i32
        %dma_wait3A_187 = tpu.memref_slice %arg3[%add3A_182, %dma_wait3A_186] : memref<2560x128xi32, #tpu.memory_space<hbm>> -> memref<1x128xi32, #tpu.memory_space<hbm>>
        %dma_wait3A_188 = tpu.memref_squeeze %dma_wait3A_187 : memref<1x128xi32, #tpu.memory_space<hbm>> -> memref<128xi32, #tpu.memory_space<hbm>>
        tpu.wait_dma2 semaphore(%arg14 : memref<!tpu.dma_semaphore, #tpu.memory_space<semaphore_mem>>) src(%dma_wait3A_188 : memref<128xi32, #tpu.memory_space<hbm>>) dst(%arg7 : memref<128xi32, #tpu.memory_space<vmem>>)
        %dma_start3A_189 = arith.constant 0 : i32
        %dma_start3A_190 = arith.constant 0 : i32
        %dma_start3A_191 = tpu.memref_slice %arg2[%dma_start3A_189, %dma_start3A_190] : memref<10240x128xf32, #tpu.memory_space<hbm>> -> memref<10240x128xf32, #tpu.memory_space<hbm>>
        tpu.enqueue_indirect_dma source(%dma_start3A_191 : memref<10240x128xf32, #tpu.memory_space<hbm>>) target(%arg11 : memref<128x128xf32, #tpu.memory_space<vmem>>) offsets(%arg7 : memref<128xi32, #tpu.memory_space<vmem>>) semaphore(%arg18 : memref<!tpu.dma_semaphore, #tpu.memory_space<semaphore_mem>>)
      } else {
      }
      %while3A_161 = arith.constant 0 : i32
      scf.yield %while3A_161 : i32
    }
    %while3A_105 = arith.constant 1 : i32
    %while3A_106 = scf.for %while3A_116 = %while3A_102 to %while3A_98 step %while3A_105 iter_args(%while3A_117 = %while3A_104) -> (i32)  : i32 {
      %mul3A_118 = arith.constant 2 : i32
      %mul3A_119 = arith.muli %while3A_116, %mul3A_118 : i32
      %add3A_120 = arith.constant 0 : i32
      %add3A_121 = arith.addi %mul3A_119, %add3A_120 : i32
      %add3A_122 = arith.addi %select_n3A_11, %add3A_121 : i32
      %dma_wait3A_123 = arith.constant 0 : i32
      %dma_wait3A_124 = arith.constant 0 : i32
      %dma_wait3A_125 = tpu.memref_slice %arg2[%dma_wait3A_123, %dma_wait3A_124] : memref<10240x128xf32, #tpu.memory_space<hbm>> -> memref<10240x128xf32, #tpu.memory_space<hbm>>
      tpu.wait_indirect_dma semaphore(%arg17 : memref<!tpu.dma_semaphore, #tpu.memory_space<semaphore_mem>>) src(%dma_wait3A_125 : memref<10240x128xf32, #tpu.memory_space<hbm>>) dst(%arg10 : memref<128x128xf32, #tpu.memory_space<vmem>>)
      %dma_wait3A_126 = arith.constant 0 : i32
      %dma_wait3A_127 = tpu.memref_slice %arg4[%add3A_122, %dma_wait3A_126] : memref<2560x128xi32, #tpu.memory_space<hbm>> -> memref<1x128xi32, #tpu.memory_space<hbm>>
      %dma_wait3A_128 = tpu.memref_squeeze %dma_wait3A_127 : memref<1x128xi32, #tpu.memory_space<hbm>> -> memref<128xi32, #tpu.memory_space<hbm>>
      %dma_wait3A_129 = arith.constant 0 : i32
      %dma_wait3A_130 = tpu.memref_slice %arg4[%add3A_122, %dma_wait3A_129] : memref<2560x128xi32, #tpu.memory_space<hbm>> -> memref<1x128xi32, #tpu.memory_space<hbm>>
      %dma_wait3A_131 = tpu.memref_squeeze %dma_wait3A_130 : memref<1x128xi32, #tpu.memory_space<hbm>> -> memref<128xi32, #tpu.memory_space<hbm>>
      tpu.wait_dma2 semaphore(%arg15 : memref<!tpu.dma_semaphore, #tpu.memory_space<semaphore_mem>>) src(%dma_wait3A_131 : memref<128xi32, #tpu.memory_space<hbm>>) dst(%arg8 : memref<128xi32, #tpu.memory_space<vmem>>)
      %dma_start3A_132 = arith.constant 0 : i32
      %dma_start3A_133 = arith.constant 0 : i32
      %dma_start3A_134 = tpu.memref_slice %arg12[%dma_start3A_132, %dma_start3A_133] : memref<10240x128xf32, #tpu.memory_space<vmem_shared>> -> memref<10240x128xf32, #tpu.memory_space<vmem_shared>>
      tpu.enqueue_indirect_dma source(%arg10 : memref<128x128xf32, #tpu.memory_space<vmem>>) target(%dma_start3A_134 : memref<10240x128xf32, #tpu.memory_space<vmem_shared>>) offsets(%arg8 : memref<128xi32, #tpu.memory_space<vmem>>) semaphore(%arg19 : memref<!tpu.dma_semaphore, #tpu.memory_space<semaphore_mem>>) {add = true}
      %add3A_135 = arith.constant 2 : i32
      %add3A_136 = arith.addi %add3A_121, %add3A_135 : i32
      %lt3A = arith.cmpi slt, %add3A_136, %select_n3A : i32
      %convert_element_type3A = arith.extui %lt3A : i1 to i32
      %cond3A = arith.constant 0 : i32
      %cond3A_137 = arith.cmpi ne, %convert_element_type3A, %cond3A : i32
      scf.if %cond3A_137 {
        %add3A_162 = arith.constant 2 : i32
        %add3A_163 = arith.addi %add3A_122, %add3A_162 : i32
        %dma_start3A_164 = arith.constant 0 : i32
        %dma_start3A_165 = tpu.memref_slice %arg3[%add3A_163, %dma_start3A_164] : memref<2560x128xi32, #tpu.memory_space<hbm>> -> memref<1x128xi32, #tpu.memory_space<hbm>>
        %dma_start3A_166 = tpu.memref_squeeze %dma_start3A_165 : memref<1x128xi32, #tpu.memory_space<hbm>> -> memref<128xi32, #tpu.memory_space<hbm>>
        %dma_start3A_167 = arith.constant 0 : i32
        %dma_start3A_168 = tpu.memref_slice %arg3[%add3A_163, %dma_start3A_167] : memref<2560x128xi32, #tpu.memory_space<hbm>> -> memref<1x128xi32, #tpu.memory_space<hbm>>
        %dma_start3A_169 = tpu.memref_squeeze %dma_start3A_168 : memref<1x128xi32, #tpu.memory_space<hbm>> -> memref<128xi32, #tpu.memory_space<hbm>>
        tpu.enqueue_dma source(%dma_start3A_169 : memref<128xi32, #tpu.memory_space<hbm>>) target(%arg6 : memref<128xi32, #tpu.memory_space<vmem>>) target_semaphore(%arg13 : memref<!tpu.dma_semaphore, #tpu.memory_space<semaphore_mem>>)
        %dma_wait3A_170 = arith.constant 0 : i32
        %dma_wait3A_171 = arith.constant 0 : i32
        %dma_wait3A_172 = tpu.memref_slice %arg12[%dma_wait3A_170, %dma_wait3A_171] : memref<10240x128xf32, #tpu.memory_space<vmem_shared>> -> memref<10240x128xf32, #tpu.memory_space<vmem_shared>>
        tpu.wait_indirect_dma semaphore(%arg19 : memref<!tpu.dma_semaphore, #tpu.memory_space<semaphore_mem>>) src(%arg10 : memref<128x128xf32, #tpu.memory_space<vmem>>) dst(%dma_wait3A_172 : memref<10240x128xf32, #tpu.memory_space<vmem_shared>>)
        %add3A_173 = arith.constant 2 : i32
        %add3A_174 = arith.addi %add3A_122, %add3A_173 : i32
        %dma_start3A_175 = arith.constant 0 : i32
        %dma_start3A_176 = tpu.memref_slice %arg4[%add3A_174, %dma_start3A_175] : memref<2560x128xi32, #tpu.memory_space<hbm>> -> memref<1x128xi32, #tpu.memory_space<hbm>>
        %dma_start3A_177 = tpu.memref_squeeze %dma_start3A_176 : memref<1x128xi32, #tpu.memory_space<hbm>> -> memref<128xi32, #tpu.memory_space<hbm>>
        %dma_start3A_178 = arith.constant 0 : i32
        %dma_start3A_179 = tpu.memref_slice %arg4[%add3A_174, %dma_start3A_178] : memref<2560x128xi32, #tpu.memory_space<hbm>> -> memref<1x128xi32, #tpu.memory_space<hbm>>
        %dma_start3A_180 = tpu.memref_squeeze %dma_start3A_179 : memref<1x128xi32, #tpu.memory_space<hbm>> -> memref<128xi32, #tpu.memory_space<hbm>>
        tpu.enqueue_dma source(%dma_start3A_180 : memref<128xi32, #tpu.memory_space<hbm>>) target(%arg8 : memref<128xi32, #tpu.memory_space<vmem>>) target_semaphore(%arg15 : memref<!tpu.dma_semaphore, #tpu.memory_space<semaphore_mem>>)
        %add3A_181 = arith.constant 2 : i32
        %add3A_182 = arith.addi %add3A_122, %add3A_181 : i32
        %dma_wait3A_183 = arith.constant 0 : i32
        %dma_wait3A_184 = tpu.memref_slice %arg3[%add3A_182, %dma_wait3A_183] : memref<2560x128xi32, #tpu.memory_space<hbm>> -> memref<1x128xi32, #tpu.memory_space<hbm>>
        %dma_wait3A_185 = tpu.memref_squeeze %dma_wait3A_184 : memref<1x128xi32, #tpu.memory_space<hbm>> -> memref<128xi32, #tpu.memory_space<hbm>>
        %dma_wait3A_186 = arith.constant 0 : i32
        %dma_wait3A_187 = tpu.memref_slice %arg3[%add3A_182, %dma_wait3A_186] : memref<2560x128xi32, #tpu.memory_space<hbm>> -> memref<1x128xi32, #tpu.memory_space<hbm>>
        %dma_wait3A_188 = tpu.memref_squeeze %dma_wait3A_187 : memref<1x128xi32, #tpu.memory_space<hbm>> -> memref<128xi32, #tpu.memory_space<hbm>>
        tpu.wait_dma2 semaphore(%arg13 : memref<!tpu.dma_semaphore, #tpu.memory_space<semaphore_mem>>) src(%dma_wait3A_188 : memref<128xi32, #tpu.memory_space<hbm>>) dst(%arg6 : memref<128xi32, #tpu.memory_space<vmem>>)
        %dma_start3A_189 = arith.constant 0 : i32
        %dma_start3A_190 = arith.constant 0 : i32
        %dma_start3A_191 = tpu.memref_slice %arg2[%dma_start3A_189, %dma_start3A_190] : memref<10240x128xf32, #tpu.memory_space<hbm>> -> memref<10240x128xf32, #tpu.memory_space<hbm>>
        tpu.enqueue_indirect_dma source(%dma_start3A_191 : memref<10240x128xf32, #tpu.memory_space<hbm>>) target(%arg10 : memref<128x128xf32, #tpu.memory_space<vmem>>) offsets(%arg6 : memref<128xi32, #tpu.memory_space<vmem>>) semaphore(%arg17 : memref<!tpu.dma_semaphore, #tpu.memory_space<semaphore_mem>>)
      } else {
      }
      %mul3A_138 = arith.constant 2 : i32
      %mul3A_139 = arith.muli %while3A_116, %mul3A_138 : i32
      %add3A_140 = arith.constant 1 : i32
      %add3A_141 = arith.addi %mul3A_139, %add3A_140 : i32
      %add3A_142 = arith.addi %select_n3A_11, %add3A_141 : i32
      %dma_wait3A_143 = arith.constant 0 : i32
      %dma_wait3A_144 = arith.constant 0 : i32
      %dma_wait3A_145 = tpu.memref_slice %arg2[%dma_wait3A_143, %dma_wait3A_144] : memref<10240x128xf32, #tpu.memory_space<hbm>> -> memref<10240x128xf32, #tpu.memory_space<hbm>>
      tpu.wait_indirect_dma semaphore(%arg18 : memref<!tpu.dma_semaphore, #tpu.memory_space<semaphore_mem>>) src(%dma_wait3A_145 : memref<10240x128xf32, #tpu.memory_space<hbm>>) dst(%arg11 : memref<128x128xf32, #tpu.memory_space<vmem>>)
      %dma_wait3A_146 = arith.constant 0 : i32
      %dma_wait3A_147 = tpu.memref_slice %arg4[%add3A_142, %dma_wait3A_146] : memref<2560x128xi32, #tpu.memory_space<hbm>> -> memref<1x128xi32, #tpu.memory_space<hbm>>
      %dma_wait3A_148 = tpu.memref_squeeze %dma_wait3A_147 : memref<1x128xi32, #tpu.memory_space<hbm>> -> memref<128xi32, #tpu.memory_space<hbm>>
      %dma_wait3A_149 = arith.constant 0 : i32
      %dma_wait3A_150 = tpu.memref_slice %arg4[%add3A_142, %dma_wait3A_149] : memref<2560x128xi32, #tpu.memory_space<hbm>> -> memref<1x128xi32, #tpu.memory_space<hbm>>
      %dma_wait3A_151 = tpu.memref_squeeze %dma_wait3A_150 : memref<1x128xi32, #tpu.memory_space<hbm>> -> memref<128xi32, #tpu.memory_space<hbm>>
      tpu.wait_dma2 semaphore(%arg16 : memref<!tpu.dma_semaphore, #tpu.memory_space<semaphore_mem>>) src(%dma_wait3A_151 : memref<128xi32, #tpu.memory_space<hbm>>) dst(%arg9 : memref<128xi32, #tpu.memory_space<vmem>>)
      %dma_start3A_152 = arith.constant 0 : i32
      %dma_start3A_153 = arith.constant 0 : i32
      %dma_start3A_154 = tpu.memref_slice %arg12[%dma_start3A_152, %dma_start3A_153] : memref<10240x128xf32, #tpu.memory_space<vmem_shared>> -> memref<10240x128xf32, #tpu.memory_space<vmem_shared>>
      tpu.enqueue_indirect_dma source(%arg11 : memref<128x128xf32, #tpu.memory_space<vmem>>) target(%dma_start3A_154 : memref<10240x128xf32, #tpu.memory_space<vmem_shared>>) offsets(%arg9 : memref<128xi32, #tpu.memory_space<vmem>>) semaphore(%arg20 : memref<!tpu.dma_semaphore, #tpu.memory_space<semaphore_mem>>) {add = true}
      %add3A_155 = arith.constant 2 : i32
      %add3A_156 = arith.addi %add3A_141, %add3A_155 : i32
      %lt3A_157 = arith.cmpi slt, %add3A_156, %select_n3A : i32
      %convert_element_type3A_158 = arith.extui %lt3A_157 : i1 to i32
      %cond3A_159 = arith.constant 0 : i32
      %cond3A_160 = arith.cmpi ne, %convert_element_type3A_158, %cond3A_159 : i32
      scf.if %cond3A_160 {
        %add3A_162 = arith.constant 2 : i32
        %add3A_163 = arith.addi %add3A_142, %add3A_162 : i32
        %dma_start3A_164 = arith.constant 0 : i32
        %dma_start3A_165 = tpu.memref_slice %arg3[%add3A_163, %dma_start3A_164] : memref<2560x128xi32, #tpu.memory_space<hbm>> -> memref<1x128xi32, #tpu.memory_space<hbm>>
        %dma_start3A_166 = tpu.memref_squeeze %dma_start3A_165 : memref<1x128xi32, #tpu.memory_space<hbm>> -> memref<128xi32, #tpu.memory_space<hbm>>
        %dma_start3A_167 = arith.constant 0 : i32
        %dma_start3A_168 = tpu.memref_slice %arg3[%add3A_163, %dma_start3A_167] : memref<2560x128xi32, #tpu.memory_space<hbm>> -> memref<1x128xi32, #tpu.memory_space<hbm>>
        %dma_start3A_169 = tpu.memref_squeeze %dma_start3A_168 : memref<1x128xi32, #tpu.memory_space<hbm>> -> memref<128xi32, #tpu.memory_space<hbm>>
        tpu.enqueue_dma source(%dma_start3A_169 : memref<128xi32, #tpu.memory_space<hbm>>) target(%arg7 : memref<128xi32, #tpu.memory_space<vmem>>) target_semaphore(%arg14 : memref<!tpu.dma_semaphore, #tpu.memory_space<semaphore_mem>>)
        %dma_wait3A_170 = arith.constant 0 : i32
        %dma_wait3A_171 = arith.constant 0 : i32
        %dma_wait3A_172 = tpu.memref_slice %arg12[%dma_wait3A_170, %dma_wait3A_171] : memref<10240x128xf32, #tpu.memory_space<vmem_shared>> -> memref<10240x128xf32, #tpu.memory_space<vmem_shared>>
        tpu.wait_indirect_dma semaphore(%arg20 : memref<!tpu.dma_semaphore, #tpu.memory_space<semaphore_mem>>) src(%arg11 : memref<128x128xf32, #tpu.memory_space<vmem>>) dst(%dma_wait3A_172 : memref<10240x128xf32, #tpu.memory_space<vmem_shared>>)
        %add3A_173 = arith.constant 2 : i32
        %add3A_174 = arith.addi %add3A_142, %add3A_173 : i32
        %dma_start3A_175 = arith.constant 0 : i32
        %dma_start3A_176 = tpu.memref_slice %arg4[%add3A_174, %dma_start3A_175] : memref<2560x128xi32, #tpu.memory_space<hbm>> -> memref<1x128xi32, #tpu.memory_space<hbm>>
        %dma_start3A_177 = tpu.memref_squeeze %dma_start3A_176 : memref<1x128xi32, #tpu.memory_space<hbm>> -> memref<128xi32, #tpu.memory_space<hbm>>
        %dma_start3A_178 = arith.constant 0 : i32
        %dma_start3A_179 = tpu.memref_slice %arg4[%add3A_174, %dma_start3A_178] : memref<2560x128xi32, #tpu.memory_space<hbm>> -> memref<1x128xi32, #tpu.memory_space<hbm>>
        %dma_start3A_180 = tpu.memref_squeeze %dma_start3A_179 : memref<1x128xi32, #tpu.memory_space<hbm>> -> memref<128xi32, #tpu.memory_space<hbm>>
        tpu.enqueue_dma source(%dma_start3A_180 : memref<128xi32, #tpu.memory_space<hbm>>) target(%arg9 : memref<128xi32, #tpu.memory_space<vmem>>) target_semaphore(%arg16 : memref<!tpu.dma_semaphore, #tpu.memory_space<semaphore_mem>>)
        %add3A_181 = arith.constant 2 : i32
        %add3A_182 = arith.addi %add3A_142, %add3A_181 : i32
        %dma_wait3A_183 = arith.constant 0 : i32
        %dma_wait3A_184 = tpu.memref_slice %arg3[%add3A_182, %dma_wait3A_183] : memref<2560x128xi32, #tpu.memory_space<hbm>> -> memref<1x128xi32, #tpu.memory_space<hbm>>
        %dma_wait3A_185 = tpu.memref_squeeze %dma_wait3A_184 : memref<1x128xi32, #tpu.memory_space<hbm>> -> memref<128xi32, #tpu.memory_space<hbm>>
        %dma_wait3A_186 = arith.constant 0 : i32
        %dma_wait3A_187 = tpu.memref_slice %arg3[%add3A_182, %dma_wait3A_186] : memref<2560x128xi32, #tpu.memory_space<hbm>> -> memref<1x128xi32, #tpu.memory_space<hbm>>
        %dma_wait3A_188 = tpu.memref_squeeze %dma_wait3A_187 : memref<1x128xi32, #tpu.memory_space<hbm>> -> memref<128xi32, #tpu.memory_space<hbm>>
        tpu.wait_dma2 semaphore(%arg14 : memref<!tpu.dma_semaphore, #tpu.memory_space<semaphore_mem>>) src(%dma_wait3A_188 : memref<128xi32, #tpu.memory_space<hbm>>) dst(%arg7 : memref<128xi32, #tpu.memory_space<vmem>>)
        %dma_start3A_189 = arith.constant 0 : i32
        %dma_start3A_190 = arith.constant 0 : i32
        %dma_start3A_191 = tpu.memref_slice %arg2[%dma_start3A_189, %dma_start3A_190] : memref<10240x128xf32, #tpu.memory_space<hbm>> -> memref<10240x128xf32, #tpu.memory_space<hbm>>
        tpu.enqueue_indirect_dma source(%dma_start3A_191 : memref<10240x128xf32, #tpu.memory_space<hbm>>) target(%arg11 : memref<128x128xf32, #tpu.memory_space<vmem>>) offsets(%arg7 : memref<128xi32, #tpu.memory_space<vmem>>) semaphore(%arg18 : memref<!tpu.dma_semaphore, #tpu.memory_space<semaphore_mem>>)
      } else {
      }
      %while3A_161 = arith.constant 0 : i32
      scf.yield %while3A_161 : i32
    }
    %dma_wait3A_107 = arith.constant 0 : i32
    %dma_wait3A_108 = arith.constant 0 : i32
    %dma_wait3A_109 = tpu.memref_slice %arg12[%dma_wait3A_107, %dma_wait3A_108] : memref<10240x128xf32, #tpu.memory_space<vmem_shared>> -> memref<10240x128xf32, #tpu.memory_space<vmem_shared>>
    tpu.wait_indirect_dma semaphore(%arg19 : memref<!tpu.dma_semaphore, #tpu.memory_space<semaphore_mem>>) src(%arg10 : memref<128x128xf32, #tpu.memory_space<vmem>>) dst(%dma_wait3A_109 : memref<10240x128xf32, #tpu.memory_space<vmem_shared>>)
    %dma_wait3A_110 = arith.constant 0 : i32
    %dma_wait3A_111 = arith.constant 0 : i32
    %dma_wait3A_112 = tpu.memref_slice %arg12[%dma_wait3A_110, %dma_wait3A_111] : memref<10240x128xf32, #tpu.memory_space<vmem_shared>> -> memref<10240x128xf32, #tpu.memory_space<vmem_shared>>
    tpu.wait_indirect_dma semaphore(%arg20 : memref<!tpu.dma_semaphore, #tpu.memory_space<semaphore_mem>>) src(%arg11 : memref<128x128xf32, #tpu.memory_space<vmem>>) dst(%dma_wait3A_112 : memref<10240x128xf32, #tpu.memory_space<vmem_shared>>)
    %barrier3A_113 = arith.constant 0 : index
    tpu.barrier barrier_id(%barrier3A_113)
    %mul3A_114 = arith.constant 640 : i32
    %mul3A_115 = arith.muli %arg1, %mul3A_114 : i32
    "tpu.region"() ({
      %run_scoped3A = tpu.sem_alloc : memref<!tpu.dma_semaphore, #tpu.memory_space<semaphore_mem>>
      %dma_start3A_116 = arith.constant 0 : i32
      %dma_start3A_117 = arith.constant 0 : i32
      %dma_start3A_118 = tpu.memref_slice %arg5[%add3A, %dma_start3A_116, %dma_start3A_117] : memref<32x640x128xf32, #tpu.memory_space<hbm>> -> memref<1x640x128xf32, #tpu.memory_space<hbm>>
      %dma_start3A_119 = tpu.memref_squeeze %dma_start3A_118 : memref<1x640x128xf32, #tpu.memory_space<hbm>> -> memref<640x128xf32, #tpu.memory_space<hbm>>
      %dma_start3A_120 = arith.constant 0 : i32
      %dma_start3A_121 = tpu.memref_slice %arg12[%mul3A_115, %dma_start3A_120] : memref<10240x128xf32, #tpu.memory_space<vmem_shared>> -> memref<640x128xf32, #tpu.memory_space<vmem_shared>>
      tpu.enqueue_dma source(%dma_start3A_121 : memref<640x128xf32, #tpu.memory_space<vmem_shared>>) target(%dma_start3A_119 : memref<640x128xf32, #tpu.memory_space<hbm>>) target_semaphore(%run_scoped3A : memref<!tpu.dma_semaphore, #tpu.memory_space<semaphore_mem>>)
      %dma_wait3A_122 = arith.constant 0 : i32
      %dma_wait3A_123 = arith.constant 0 : i32
      %dma_wait3A_124 = tpu.memref_slice %arg5[%add3A, %dma_wait3A_122, %dma_wait3A_123] : memref<32x640x128xf32, #tpu.memory_space<hbm>> -> memref<1x640x128xf32, #tpu.memory_space<hbm>>
      %dma_wait3A_125 = tpu.memref_squeeze %dma_wait3A_124 : memref<1x640x128xf32, #tpu.memory_space<hbm>> -> memref<640x128xf32, #tpu.memory_space<hbm>>
      %dma_wait3A_126 = arith.constant 0 : i32
      %dma_wait3A_127 = tpu.memref_slice %arg12[%mul3A_115, %dma_wait3A_126] : memref<10240x128xf32, #tpu.memory_space<vmem_shared>> -> memref<640x128xf32, #tpu.memory_space<vmem_shared>>
      tpu.wait_dma2 semaphore(%run_scoped3A : memref<!tpu.dma_semaphore, #tpu.memory_space<semaphore_mem>>) src(%dma_wait3A_127 : memref<640x128xf32, #tpu.memory_space<vmem_shared>>) dst(%dma_wait3A_125 : memref<640x128xf32, #tpu.memory_space<hbm>>)
      tpu.yield
    }) : () -> ()
    return
  }
}

#map = affine_map<(d0, d1) -> (0, 0)>
#map1 = affine_map<(d0, d1) -> (0, 0, 0)>
module attributes {stable_mosaic.version = 14 : i64} {
  func.func @_agg_kernel(%arg0: i32, %arg1: i32, %arg2: memref<10240x128xf32, #tpu.memory_space<hbm>>, %arg3: memref<2560x128xi32, #tpu.memory_space<hbm>>, %arg4: memref<2560x128xi32, #tpu.memory_space<hbm>>, %arg5: memref<32x640x128xf32, #tpu.memory_space<hbm>>, %arg6: memref<128xi32, #tpu.memory_space<vmem>>, %arg7: memref<128xi32, #tpu.memory_space<vmem>>, %arg8: memref<128xi32, #tpu.memory_space<vmem>>, %arg9: memref<128xi32, #tpu.memory_space<vmem>>, %arg10: memref<128x128xf32, #tpu.memory_space<vmem>>, %arg11: memref<128x128xf32, #tpu.memory_space<vmem>>, %arg12: memref<10240x128xf32, #tpu.memory_space<vmem_shared>>, %arg13: memref<!tpu.dma_semaphore, #tpu.memory_space<semaphore_mem>>, %arg14: memref<!tpu.dma_semaphore, #tpu.memory_space<semaphore_mem>>, %arg15: memref<!tpu.dma_semaphore, #tpu.memory_space<semaphore_mem>>, %arg16: memref<!tpu.dma_semaphore, #tpu.memory_space<semaphore_mem>>, %arg17: memref<!tpu.dma_semaphore, #tpu.memory_space<semaphore_mem>>, %arg18: memref<!tpu.dma_semaphore, #tpu.memory_space<semaphore_mem>>, %arg19: memref<!tpu.dma_semaphore, #tpu.memory_space<semaphore_mem>>, %arg20: memref<!tpu.dma_semaphore, #tpu.memory_space<semaphore_mem>>) attributes {dimension_semantics = [#tpu.dimension_semantics<core_parallel>, #tpu.dimension_semantics<subcore_parallel>], iteration_bounds = array<i64: 2, 16>, scalar_prefetch = 0 : i64, scratch_operands = 15 : i64, tpu.core_type = #tpu.core_type<sc_vector_subcore>, window_params = [{transform_indices = #map}, {transform_indices = #map}, {transform_indices = #map}, {transform_indices = #map1}]} {
    %mul3A = arith.constant 16 : i32
    %mul3A_0 = arith.muli %arg0, %mul3A : i32
    %add3A = arith.addi %mul3A_0, %arg1 : i32
    %eq3A = arith.constant 0 : i32
    %eq3A_1 = arith.cmpi eq, %arg0, %eq3A : i32
    %jit3A = arith.constant 152 : i32
    %jit3A_2 = arith.constant 8 : i32
    %select_n3A = arith.select %eq3A_1, %jit3A, %jit3A_2 : i32
    %eq3A_3 = arith.constant 0 : i32
    %eq3A_4 = arith.cmpi eq, %arg0, %eq3A_3 : i32
    %mul3A_5 = arith.constant 152 : i32
    %mul3A_6 = arith.muli %arg1, %mul3A_5 : i32
    %mul3A_7 = arith.constant 8 : i32
    %mul3A_8 = arith.muli %arg1, %mul3A_7 : i32
    %add3A_9 = arith.constant 2432 : i32
    %add3A_10 = arith.addi %add3A_9, %mul3A_8 : i32
    %select_n3A_11 = arith.select %eq3A_4, %mul3A_6, %add3A_10 : i32
    %broadcast_in_dim3A = arith.constant 0.000000e+00 : f32
    %broadcast_in_dim3A_12 = vector.broadcast %broadcast_in_dim3A : f32 to vector<16xf32>
    %scan3A = arith.constant 0 : i32
    %scan3A_13 = arith.constant 0 : i32
    %scan3A_14 = arith.constant 128 : i32
    %scan3A_15 = arith.addi %scan3A_13, %scan3A_14 : i32
    %scan3A_16 = arith.constant 1 : i32
    %scan3A_17 = scf.for %scan3A_116 = %scan3A_13 to %scan3A_15 step %scan3A_16 iter_args(%scan3A_117 = %scan3A) -> (i32)  : i32 {
      %swap3A = arith.index_cast %scan3A_116 : i32 to index
      %swap3A_118 = arith.constant 0 : index
      %swap3A_119 = tpu.vector_load %arg10[%swap3A, %swap3A_118] {strides = array<i32>} : memref<128x128xf32, #tpu.memory_space<vmem>>, vector<16xf32>,
      tpu.vector_store %arg10[%swap3A, %swap3A_118], %broadcast_in_dim3A_12 {strides = array<i32>} : memref<128x128xf32, #tpu.memory_space<vmem>>, vector<16xf32>,
      %swap3A_120 = arith.index_cast %scan3A_116 : i32 to index
      %swap3A_121 = arith.constant 16 : index
      %swap3A_122 = tpu.vector_load %arg10[%swap3A_120, %swap3A_121] {strides = array<i32>} : memref<128x128xf32, #tpu.memory_space<vmem>>, vector<16xf32>,
      tpu.vector_store %arg10[%swap3A_120, %swap3A_121], %broadcast_in_dim3A_12 {strides = array<i32>} : memref<128x128xf32, #tpu.memory_space<vmem>>, vector<16xf32>,
      %swap3A_123 = arith.index_cast %scan3A_116 : i32 to index
      %swap3A_124 = arith.constant 32 : index
      %swap3A_125 = tpu.vector_load %arg10[%swap3A_123, %swap3A_124] {strides = array<i32>} : memref<128x128xf32, #tpu.memory_space<vmem>>, vector<16xf32>,
      tpu.vector_store %arg10[%swap3A_123, %swap3A_124], %broadcast_in_dim3A_12 {strides = array<i32>} : memref<128x128xf32, #tpu.memory_space<vmem>>, vector<16xf32>,
      %swap3A_126 = arith.index_cast %scan3A_116 : i32 to index
      %swap3A_127 = arith.constant 48 : index
      %swap3A_128 = tpu.vector_load %arg10[%swap3A_126, %swap3A_127] {strides = array<i32>} : memref<128x128xf32, #tpu.memory_space<vmem>>, vector<16xf32>,
      tpu.vector_store %arg10[%swap3A_126, %swap3A_127], %broadcast_in_dim3A_12 {strides = array<i32>} : memref<128x128xf32, #tpu.memory_space<vmem>>, vector<16xf32>,
      %swap3A_129 = arith.index_cast %scan3A_116 : i32 to index
      %swap3A_130 = arith.constant 64 : index
      %swap3A_131 = tpu.vector_load %arg10[%swap3A_129, %swap3A_130] {strides = array<i32>} : memref<128x128xf32, #tpu.memory_space<vmem>>, vector<16xf32>,
      tpu.vector_store %arg10[%swap3A_129, %swap3A_130], %broadcast_in_dim3A_12 {strides = array<i32>} : memref<128x128xf32, #tpu.memory_space<vmem>>, vector<16xf32>,
      %swap3A_132 = arith.index_cast %scan3A_116 : i32 to index
      %swap3A_133 = arith.constant 80 : index
      %swap3A_134 = tpu.vector_load %arg10[%swap3A_132, %swap3A_133] {strides = array<i32>} : memref<128x128xf32, #tpu.memory_space<vmem>>, vector<16xf32>,
      tpu.vector_store %arg10[%swap3A_132, %swap3A_133], %broadcast_in_dim3A_12 {strides = array<i32>} : memref<128x128xf32, #tpu.memory_space<vmem>>, vector<16xf32>,
      %swap3A_135 = arith.index_cast %scan3A_116 : i32 to index
      %swap3A_136 = arith.constant 96 : index
      %swap3A_137 = tpu.vector_load %arg10[%swap3A_135, %swap3A_136] {strides = array<i32>} : memref<128x128xf32, #tpu.memory_space<vmem>>, vector<16xf32>,
      tpu.vector_store %arg10[%swap3A_135, %swap3A_136], %broadcast_in_dim3A_12 {strides = array<i32>} : memref<128x128xf32, #tpu.memory_space<vmem>>, vector<16xf32>,
      %swap3A_138 = arith.index_cast %scan3A_116 : i32 to index
      %swap3A_139 = arith.constant 112 : index
      %swap3A_140 = tpu.vector_load %arg10[%swap3A_138, %swap3A_139] {strides = array<i32>} : memref<128x128xf32, #tpu.memory_space<vmem>>, vector<16xf32>,
      tpu.vector_store %arg10[%swap3A_138, %swap3A_139], %broadcast_in_dim3A_12 {strides = array<i32>} : memref<128x128xf32, #tpu.memory_space<vmem>>, vector<16xf32>,
      %scan3A_141 = arith.constant 0 : i32
      scf.yield %scan3A_141 : i32
    }
    %scan3A_18 = arith.constant 128 : i32
    %scan3A_19 = arith.constant 0 : i32
    %scan3A_20 = arith.constant 0 : i32
    %scan3A_21 = arith.constant 5 : i32
    %scan3A_22 = arith.addi %scan3A_20, %scan3A_21 : i32
    %scan3A_23 = arith.constant 1 : i32
    %scan3A_24 = scf.for %scan3A_116 = %scan3A_20 to %scan3A_22 step %scan3A_23 iter_args(%scan3A_117 = %scan3A_19) -> (i32)  : i32 {
      %mul3A_118 = arith.constant 640 : i32
      %mul3A_119 = arith.muli %arg1, %mul3A_118 : i32
      %mul3A_120 = arith.constant 128 : i32
      %mul3A_121 = arith.muli %scan3A_116, %mul3A_120 : i32
      %add3A_122 = arith.addi %mul3A_119, %mul3A_121 : i32
      "tpu.region"() ({
        %run_scoped3A = tpu.sem_alloc : memref<!tpu.dma_semaphore, #tpu.memory_space<semaphore_mem>>
        %dma_start3A_124 = arith.constant 0 : i32
        %dma_start3A_125 = tpu.memref_slice %arg12[%add3A_122, %dma_start3A_124] : memref<10240x128xf32, #tpu.memory_space<vmem_shared>> -> memref<128x128xf32, #tpu.memory_space<vmem_shared>>
        %dma_start3A_126 = arith.constant 0 : i32
        %dma_start3A_127 = tpu.memref_slice %arg12[%add3A_122, %dma_start3A_126] : memref<10240x128xf32, #tpu.memory_space<vmem_shared>> -> memref<128x128xf32, #tpu.memory_space<vmem_shared>>
        tpu.enqueue_dma source(%arg10 : memref<128x128xf32, #tpu.memory_space<vmem>>) target(%dma_start3A_127 : memref<128x128xf32, #tpu.memory_space<vmem_shared>>) target_semaphore(%run_scoped3A : memref<!tpu.dma_semaphore, #tpu.memory_space<semaphore_mem>>)
        %dma_wait3A_128 = arith.constant 0 : i32
        %dma_wait3A_129 = tpu.memref_slice %arg12[%add3A_122, %dma_wait3A_128] : memref<10240x128xf32, #tpu.memory_space<vmem_shared>> -> memref<128x128xf32, #tpu.memory_space<vmem_shared>>
        %dma_wait3A_130 = arith.constant 0 : i32
        %dma_wait3A_131 = tpu.memref_slice %arg12[%add3A_122, %dma_wait3A_130] : memref<10240x128xf32, #tpu.memory_space<vmem_shared>> -> memref<128x128xf32, #tpu.memory_space<vmem_shared>>
        tpu.wait_dma2 semaphore(%run_scoped3A : memref<!tpu.dma_semaphore, #tpu.memory_space<semaphore_mem>>) src(%arg10 : memref<128x128xf32, #tpu.memory_space<vmem>>) dst(%dma_wait3A_131 : memref<128x128xf32, #tpu.memory_space<vmem_shared>>)
        tpu.yield
      }) : () -> ()
      %scan3A_123 = arith.constant 0 : i32
      scf.yield %scan3A_123 : i32
    }
    %scan3A_25 = arith.constant 5 : i32
    %barrier3A = arith.constant 0 : index
    tpu.barrier barrier_id(%barrier3A)
    %add3A_26 = arith.constant 0 : i32
    %add3A_27 = arith.addi %select_n3A_11, %add3A_26 : i32
    %dma_start3A = arith.constant 0 : i32
    %dma_start3A_28 = tpu.memref_slice %arg3[%add3A_27, %dma_start3A] : memref<2560x128xi32, #tpu.memory_space<hbm>> -> memref<1x128xi32, #tpu.memory_space<hbm>>
    %dma_start3A_29 = tpu.memref_squeeze %dma_start3A_28 : memref<1x128xi32, #tpu.memory_space<hbm>> -> memref<128xi32, #tpu.memory_space<hbm>>
    %dma_start3A_30 = arith.constant 0 : i32
    %dma_start3A_31 = tpu.memref_slice %arg3[%add3A_27, %dma_start3A_30] : memref<2560x128xi32, #tpu.memory_space<hbm>> -> memref<1x128xi32, #tpu.memory_space<hbm>>
    %dma_start3A_32 = tpu.memref_squeeze %dma_start3A_31 : memref<1x128xi32, #tpu.memory_space<hbm>> -> memref<128xi32, #tpu.memory_space<hbm>>
    tpu.enqueue_dma source(%dma_start3A_32 : memref<128xi32, #tpu.memory_space<hbm>>) target(%arg6 : memref<128xi32, #tpu.memory_space<vmem>>) target_semaphore(%arg13 : memref<!tpu.dma_semaphore, #tpu.memory_space<semaphore_mem>>)
    %add3A_33 = arith.constant 0 : i32
    %add3A_34 = arith.addi %select_n3A_11, %add3A_33 : i32
    %dma_start3A_35 = arith.constant 0 : i32
    %dma_start3A_36 = tpu.memref_slice %arg4[%add3A_34, %dma_start3A_35] : memref<2560x128xi32, #tpu.memory_space<hbm>> -> memref<1x128xi32, #tpu.memory_space<hbm>>
    %dma_start3A_37 = tpu.memref_squeeze %dma_start3A_36 : memref<1x128xi32, #tpu.memory_space<hbm>> -> memref<128xi32, #tpu.memory_space<hbm>>
    %dma_start3A_38 = arith.constant 0 : i32
    %dma_start3A_39 = tpu.memref_slice %arg4[%add3A_34, %dma_start3A_38] : memref<2560x128xi32, #tpu.memory_space<hbm>> -> memref<1x128xi32, #tpu.memory_space<hbm>>
    %dma_start3A_40 = tpu.memref_squeeze %dma_start3A_39 : memref<1x128xi32, #tpu.memory_space<hbm>> -> memref<128xi32, #tpu.memory_space<hbm>>
    tpu.enqueue_dma source(%dma_start3A_40 : memref<128xi32, #tpu.memory_space<hbm>>) target(%arg8 : memref<128xi32, #tpu.memory_space<vmem>>) target_semaphore(%arg15 : memref<!tpu.dma_semaphore, #tpu.memory_space<semaphore_mem>>)
    %add3A_41 = arith.constant 1 : i32
    %add3A_42 = arith.addi %select_n3A_11, %add3A_41 : i32
    %dma_start3A_43 = arith.constant 0 : i32
    %dma_start3A_44 = tpu.memref_slice %arg3[%add3A_42, %dma_start3A_43] : memref<2560x128xi32, #tpu.memory_space<hbm>> -> memref<1x128xi32, #tpu.memory_space<hbm>>
    %dma_start3A_45 = tpu.memref_squeeze %dma_start3A_44 : memref<1x128xi32, #tpu.memory_space<hbm>> -> memref<128xi32, #tpu.memory_space<hbm>>
    %dma_start3A_46 = arith.constant 0 : i32
    %dma_start3A_47 = tpu.memref_slice %arg3[%add3A_42, %dma_start3A_46] : memref<2560x128xi32, #tpu.memory_space<hbm>> -> memref<1x128xi32, #tpu.memory_space<hbm>>
    %dma_start3A_48 = tpu.memref_squeeze %dma_start3A_47 : memref<1x128xi32, #tpu.memory_space<hbm>> -> memref<128xi32, #tpu.memory_space<hbm>>
    tpu.enqueue_dma source(%dma_start3A_48 : memref<128xi32, #tpu.memory_space<hbm>>) target(%arg7 : memref<128xi32, #tpu.memory_space<vmem>>) target_semaphore(%arg14 : memref<!tpu.dma_semaphore, #tpu.memory_space<semaphore_mem>>)
    %add3A_49 = arith.constant 1 : i32
    %add3A_50 = arith.addi %select_n3A_11, %add3A_49 : i32
    %dma_start3A_51 = arith.constant 0 : i32
    %dma_start3A_52 = tpu.memref_slice %arg4[%add3A_50, %dma_start3A_51] : memref<2560x128xi32, #tpu.memory_space<hbm>> -> memref<1x128xi32, #tpu.memory_space<hbm>>
    %dma_start3A_53 = tpu.memref_squeeze %dma_start3A_52 : memref<1x128xi32, #tpu.memory_space<hbm>> -> memref<128xi32, #tpu.memory_space<hbm>>
    %dma_start3A_54 = arith.constant 0 : i32
    %dma_start3A_55 = tpu.memref_slice %arg4[%add3A_50, %dma_start3A_54] : memref<2560x128xi32, #tpu.memory_space<hbm>> -> memref<1x128xi32, #tpu.memory_space<hbm>>
    %dma_start3A_56 = tpu.memref_squeeze %dma_start3A_55 : memref<1x128xi32, #tpu.memory_space<hbm>> -> memref<128xi32, #tpu.memory_space<hbm>>
    tpu.enqueue_dma source(%dma_start3A_56 : memref<128xi32, #tpu.memory_space<hbm>>) target(%arg9 : memref<128xi32, #tpu.memory_space<vmem>>) target_semaphore(%arg16 : memref<!tpu.dma_semaphore, #tpu.memory_space<semaphore_mem>>)
    %add3A_57 = arith.constant 0 : i32
    %add3A_58 = arith.addi %select_n3A_11, %add3A_57 : i32
    %dma_wait3A = arith.constant 0 : i32
    %dma_wait3A_59 = tpu.memref_slice %arg3[%add3A_58, %dma_wait3A] : memref<2560x128xi32, #tpu.memory_space<hbm>> -> memref<1x128xi32, #tpu.memory_space<hbm>>
    %dma_wait3A_60 = tpu.memref_squeeze %dma_wait3A_59 : memref<1x128xi32, #tpu.memory_space<hbm>> -> memref<128xi32, #tpu.memory_space<hbm>>
    %dma_wait3A_61 = arith.constant 0 : i32
    %dma_wait3A_62 = tpu.memref_slice %arg3[%add3A_58, %dma_wait3A_61] : memref<2560x128xi32, #tpu.memory_space<hbm>> -> memref<1x128xi32, #tpu.memory_space<hbm>>
    %dma_wait3A_63 = tpu.memref_squeeze %dma_wait3A_62 : memref<1x128xi32, #tpu.memory_space<hbm>> -> memref<128xi32, #tpu.memory_space<hbm>>
    tpu.wait_dma2 semaphore(%arg13 : memref<!tpu.dma_semaphore, #tpu.memory_space<semaphore_mem>>) src(%dma_wait3A_63 : memref<128xi32, #tpu.memory_space<hbm>>) dst(%arg6 : memref<128xi32, #tpu.memory_space<vmem>>)
    %dma_start3A_64 = arith.constant 0 : i32
    %dma_start3A_65 = arith.constant 0 : i32
    %dma_start3A_66 = tpu.memref_slice %arg2[%dma_start3A_64, %dma_start3A_65] : memref<10240x128xf32, #tpu.memory_space<hbm>> -> memref<10240x128xf32, #tpu.memory_space<hbm>>
    tpu.enqueue_indirect_dma source(%dma_start3A_66 : memref<10240x128xf32, #tpu.memory_space<hbm>>) target(%arg10 : memref<128x128xf32, #tpu.memory_space<vmem>>) offsets(%arg6 : memref<128xi32, #tpu.memory_space<vmem>>) semaphore(%arg17 : memref<!tpu.dma_semaphore, #tpu.memory_space<semaphore_mem>>)
    %add3A_67 = arith.constant 1 : i32
    %add3A_68 = arith.addi %select_n3A_11, %add3A_67 : i32
    %dma_wait3A_69 = arith.constant 0 : i32
    %dma_wait3A_70 = tpu.memref_slice %arg3[%add3A_68, %dma_wait3A_69] : memref<2560x128xi32, #tpu.memory_space<hbm>> -> memref<1x128xi32, #tpu.memory_space<hbm>>
    %dma_wait3A_71 = tpu.memref_squeeze %dma_wait3A_70 : memref<1x128xi32, #tpu.memory_space<hbm>> -> memref<128xi32, #tpu.memory_space<hbm>>
    %dma_wait3A_72 = arith.constant 0 : i32
    %dma_wait3A_73 = tpu.memref_slice %arg3[%add3A_68, %dma_wait3A_72] : memref<2560x128xi32, #tpu.memory_space<hbm>> -> memref<1x128xi32, #tpu.memory_space<hbm>>
    %dma_wait3A_74 = tpu.memref_squeeze %dma_wait3A_73 : memref<1x128xi32, #tpu.memory_space<hbm>> -> memref<128xi32, #tpu.memory_space<hbm>>
    tpu.wait_dma2 semaphore(%arg14 : memref<!tpu.dma_semaphore, #tpu.memory_space<semaphore_mem>>) src(%dma_wait3A_74 : memref<128xi32, #tpu.memory_space<hbm>>) dst(%arg7 : memref<128xi32, #tpu.memory_space<vmem>>)
    %dma_start3A_75 = arith.constant 0 : i32
    %dma_start3A_76 = arith.constant 0 : i32
    %dma_start3A_77 = tpu.memref_slice %arg2[%dma_start3A_75, %dma_start3A_76] : memref<10240x128xf32, #tpu.memory_space<hbm>> -> memref<10240x128xf32, #tpu.memory_space<hbm>>
    tpu.enqueue_indirect_dma source(%dma_start3A_77 : memref<10240x128xf32, #tpu.memory_space<hbm>>) target(%arg11 : memref<128x128xf32, #tpu.memory_space<vmem>>) offsets(%arg7 : memref<128xi32, #tpu.memory_space<vmem>>) semaphore(%arg18 : memref<!tpu.dma_semaphore, #tpu.memory_space<semaphore_mem>>)
    %jit3A_78 = arith.constant 2 : i32
    %div3A = arith.divsi %select_n3A, %jit3A_78 : i32
    %sign3A = arith.constant 0 : i32
    %sign3A_79 = arith.cmpi sgt, %select_n3A, %sign3A : i32
    %sign3A_80 = arith.extui %sign3A_79 : i1 to i32
    %sign3A_81 = arith.constant 0 : i32
    %sign3A_82 = arith.cmpi slt, %select_n3A, %sign3A_81 : i32
    %sign3A_83 = arith.extui %sign3A_82 : i1 to i32
    %sign3A_84 = arith.subi %sign3A_80, %sign3A_83 : i32
    %sign3A_85 = arith.constant 0 : i32
    %sign3A_86 = arith.cmpi sgt, %jit3A_78, %sign3A_85 : i32
    %sign3A_87 = arith.extui %sign3A_86 : i1 to i32
    %sign3A_88 = arith.constant 0 : i32
    %sign3A_89 = arith.cmpi slt, %jit3A_78, %sign3A_88 : i32
    %sign3A_90 = arith.extui %sign3A_89 : i1 to i32
    %sign3A_91 = arith.subi %sign3A_87, %sign3A_90 : i32
    %ne3A = arith.cmpi ne, %sign3A_84, %sign3A_91 : i32
    %rem3A = arith.remsi %select_n3A, %jit3A_78 : i32
    %ne3A_92 = arith.constant 0 : i32
    %ne3A_93 = arith.cmpi ne, %rem3A, %ne3A_92 : i32
    %and3A = arith.andi %ne3A, %ne3A_93 : i1
    %sub3A = arith.constant 1 : i32
    %sub3A_94 = arith.subi %div3A, %sub3A : i32
    %select_n3A_95 = arith.select %and3A, %sub3A_94, %div3A : i32
    %while3A = arith.constant 0 : i32
    %while3A_96 = arith.constant 0 : i32
    %while3A_97 = arith.subi %select_n3A_95, %while3A : i32
    %while3A_98 = arith.addi %while3A, %while3A_97 : i32
    %while3A_99 = arith.constant 1 : i32
    %while3A_100 = arith.divsi %while3A_97, %while3A_99 : i32
    %while3A_101 = arith.muli %while3A_100, %while3A_99 : i32
    %while3A_102 = arith.addi %while3A, %while3A_101 : i32
    %while3A_103 = arith.constant 1 : i32
    %while3A_104 = scf.for %while3A_116 = %while3A to %while3A_102 step %while3A_103 iter_args(%while3A_117 = %while3A_96) -> (i32)  : i32 {
      %mul3A_118 = arith.constant 2 : i32
      %mul3A_119 = arith.muli %while3A_116, %mul3A_118 : i32
      %add3A_120 = arith.constant 0 : i32
      %add3A_121 = arith.addi %mul3A_119, %add3A_120 : i32
      %add3A_122 = arith.addi %select_n3A_11, %add3A_121 : i32
      %dma_wait3A_123 = arith.constant 0 : i32
      %dma_wait3A_124 = arith.constant 0 : i32
      %dma_wait3A_125 = tpu.memref_slice %arg2[%dma_wait3A_123, %dma_wait3A_124] : memref<10240x128xf32, #tpu.memory_space<hbm>> -> memref<10240x128xf32, #tpu.memory_space<hbm>>
      tpu.wait_indirect_dma semaphore(%arg17 : memref<!tpu.dma_semaphore, #tpu.memory_space<semaphore_mem>>) src(%dma_wait3A_125 : memref<10240x128xf32, #tpu.memory_space<hbm>>) dst(%arg10 : memref<128x128xf32, #tpu.memory_space<vmem>>)
      %dma_wait3A_126 = arith.constant 0 : i32
      %dma_wait3A_127 = tpu.memref_slice %arg4[%add3A_122, %dma_wait3A_126] : memref<2560x128xi32, #tpu.memory_space<hbm>> -> memref<1x128xi32, #tpu.memory_space<hbm>>
      %dma_wait3A_128 = tpu.memref_squeeze %dma_wait3A_127 : memref<1x128xi32, #tpu.memory_space<hbm>> -> memref<128xi32, #tpu.memory_space<hbm>>
      %dma_wait3A_129 = arith.constant 0 : i32
      %dma_wait3A_130 = tpu.memref_slice %arg4[%add3A_122, %dma_wait3A_129] : memref<2560x128xi32, #tpu.memory_space<hbm>> -> memref<1x128xi32, #tpu.memory_space<hbm>>
      %dma_wait3A_131 = tpu.memref_squeeze %dma_wait3A_130 : memref<1x128xi32, #tpu.memory_space<hbm>> -> memref<128xi32, #tpu.memory_space<hbm>>
      tpu.wait_dma2 semaphore(%arg15 : memref<!tpu.dma_semaphore, #tpu.memory_space<semaphore_mem>>) src(%dma_wait3A_131 : memref<128xi32, #tpu.memory_space<hbm>>) dst(%arg8 : memref<128xi32, #tpu.memory_space<vmem>>)
      %dma_start3A_132 = arith.constant 0 : i32
      %dma_start3A_133 = arith.constant 0 : i32
      %dma_start3A_134 = tpu.memref_slice %arg12[%dma_start3A_132, %dma_start3A_133] : memref<10240x128xf32, #tpu.memory_space<vmem_shared>> -> memref<10240x128xf32, #tpu.memory_space<vmem_shared>>
      tpu.enqueue_indirect_dma source(%arg10 : memref<128x128xf32, #tpu.memory_space<vmem>>) target(%dma_start3A_134 : memref<10240x128xf32, #tpu.memory_space<vmem_shared>>) offsets(%arg8 : memref<128xi32, #tpu.memory_space<vmem>>) semaphore(%arg19 : memref<!tpu.dma_semaphore, #tpu.memory_space<semaphore_mem>>) {add = true}
      %add3A_135 = arith.constant 2 : i32
      %add3A_136 = arith.addi %add3A_121, %add3A_135 : i32
      %lt3A = arith.cmpi slt, %add3A_136, %select_n3A : i32
      %convert_element_type3A = arith.extui %lt3A : i1 to i32
      %cond3A = arith.constant 0 : i32
      %cond3A_137 = arith.cmpi ne, %convert_element_type3A, %cond3A : i32
      scf.if %cond3A_137 {
        %add3A_162 = arith.constant 2 : i32
        %add3A_163 = arith.addi %add3A_122, %add3A_162 : i32
        %dma_start3A_164 = arith.constant 0 : i32
        %dma_start3A_165 = tpu.memref_slice %arg3[%add3A_163, %dma_start3A_164] : memref<2560x128xi32, #tpu.memory_space<hbm>> -> memref<1x128xi32, #tpu.memory_space<hbm>>
        %dma_start3A_166 = tpu.memref_squeeze %dma_start3A_165 : memref<1x128xi32, #tpu.memory_space<hbm>> -> memref<128xi32, #tpu.memory_space<hbm>>
        %dma_start3A_167 = arith.constant 0 : i32
        %dma_start3A_168 = tpu.memref_slice %arg3[%add3A_163, %dma_start3A_167] : memref<2560x128xi32, #tpu.memory_space<hbm>> -> memref<1x128xi32, #tpu.memory_space<hbm>>
        %dma_start3A_169 = tpu.memref_squeeze %dma_start3A_168 : memref<1x128xi32, #tpu.memory_space<hbm>> -> memref<128xi32, #tpu.memory_space<hbm>>
        tpu.enqueue_dma source(%dma_start3A_169 : memref<128xi32, #tpu.memory_space<hbm>>) target(%arg6 : memref<128xi32, #tpu.memory_space<vmem>>) target_semaphore(%arg13 : memref<!tpu.dma_semaphore, #tpu.memory_space<semaphore_mem>>)
        %dma_wait3A_170 = arith.constant 0 : i32
        %dma_wait3A_171 = arith.constant 0 : i32
        %dma_wait3A_172 = tpu.memref_slice %arg12[%dma_wait3A_170, %dma_wait3A_171] : memref<10240x128xf32, #tpu.memory_space<vmem_shared>> -> memref<10240x128xf32, #tpu.memory_space<vmem_shared>>
        tpu.wait_indirect_dma semaphore(%arg19 : memref<!tpu.dma_semaphore, #tpu.memory_space<semaphore_mem>>) src(%arg10 : memref<128x128xf32, #tpu.memory_space<vmem>>) dst(%dma_wait3A_172 : memref<10240x128xf32, #tpu.memory_space<vmem_shared>>)
        %add3A_173 = arith.constant 2 : i32
        %add3A_174 = arith.addi %add3A_122, %add3A_173 : i32
        %dma_start3A_175 = arith.constant 0 : i32
        %dma_start3A_176 = tpu.memref_slice %arg4[%add3A_174, %dma_start3A_175] : memref<2560x128xi32, #tpu.memory_space<hbm>> -> memref<1x128xi32, #tpu.memory_space<hbm>>
        %dma_start3A_177 = tpu.memref_squeeze %dma_start3A_176 : memref<1x128xi32, #tpu.memory_space<hbm>> -> memref<128xi32, #tpu.memory_space<hbm>>
        %dma_start3A_178 = arith.constant 0 : i32
        %dma_start3A_179 = tpu.memref_slice %arg4[%add3A_174, %dma_start3A_178] : memref<2560x128xi32, #tpu.memory_space<hbm>> -> memref<1x128xi32, #tpu.memory_space<hbm>>
        %dma_start3A_180 = tpu.memref_squeeze %dma_start3A_179 : memref<1x128xi32, #tpu.memory_space<hbm>> -> memref<128xi32, #tpu.memory_space<hbm>>
        tpu.enqueue_dma source(%dma_start3A_180 : memref<128xi32, #tpu.memory_space<hbm>>) target(%arg8 : memref<128xi32, #tpu.memory_space<vmem>>) target_semaphore(%arg15 : memref<!tpu.dma_semaphore, #tpu.memory_space<semaphore_mem>>)
        %add3A_181 = arith.constant 2 : i32
        %add3A_182 = arith.addi %add3A_122, %add3A_181 : i32
        %dma_wait3A_183 = arith.constant 0 : i32
        %dma_wait3A_184 = tpu.memref_slice %arg3[%add3A_182, %dma_wait3A_183] : memref<2560x128xi32, #tpu.memory_space<hbm>> -> memref<1x128xi32, #tpu.memory_space<hbm>>
        %dma_wait3A_185 = tpu.memref_squeeze %dma_wait3A_184 : memref<1x128xi32, #tpu.memory_space<hbm>> -> memref<128xi32, #tpu.memory_space<hbm>>
        %dma_wait3A_186 = arith.constant 0 : i32
        %dma_wait3A_187 = tpu.memref_slice %arg3[%add3A_182, %dma_wait3A_186] : memref<2560x128xi32, #tpu.memory_space<hbm>> -> memref<1x128xi32, #tpu.memory_space<hbm>>
        %dma_wait3A_188 = tpu.memref_squeeze %dma_wait3A_187 : memref<1x128xi32, #tpu.memory_space<hbm>> -> memref<128xi32, #tpu.memory_space<hbm>>
        tpu.wait_dma2 semaphore(%arg13 : memref<!tpu.dma_semaphore, #tpu.memory_space<semaphore_mem>>) src(%dma_wait3A_188 : memref<128xi32, #tpu.memory_space<hbm>>) dst(%arg6 : memref<128xi32, #tpu.memory_space<vmem>>)
        %dma_start3A_189 = arith.constant 0 : i32
        %dma_start3A_190 = arith.constant 0 : i32
        %dma_start3A_191 = tpu.memref_slice %arg2[%dma_start3A_189, %dma_start3A_190] : memref<10240x128xf32, #tpu.memory_space<hbm>> -> memref<10240x128xf32, #tpu.memory_space<hbm>>
        tpu.enqueue_indirect_dma source(%dma_start3A_191 : memref<10240x128xf32, #tpu.memory_space<hbm>>) target(%arg10 : memref<128x128xf32, #tpu.memory_space<vmem>>) offsets(%arg6 : memref<128xi32, #tpu.memory_space<vmem>>) semaphore(%arg17 : memref<!tpu.dma_semaphore, #tpu.memory_space<semaphore_mem>>)
      } else {
      }
      %mul3A_138 = arith.constant 2 : i32
      %mul3A_139 = arith.muli %while3A_116, %mul3A_138 : i32
      %add3A_140 = arith.constant 1 : i32
      %add3A_141 = arith.addi %mul3A_139, %add3A_140 : i32
      %add3A_142 = arith.addi %select_n3A_11, %add3A_141 : i32
      %dma_wait3A_143 = arith.constant 0 : i32
      %dma_wait3A_144 = arith.constant 0 : i32
      %dma_wait3A_145 = tpu.memref_slice %arg2[%dma_wait3A_143, %dma_wait3A_144] : memref<10240x128xf32, #tpu.memory_space<hbm>> -> memref<10240x128xf32, #tpu.memory_space<hbm>>
      tpu.wait_indirect_dma semaphore(%arg18 : memref<!tpu.dma_semaphore, #tpu.memory_space<semaphore_mem>>) src(%dma_wait3A_145 : memref<10240x128xf32, #tpu.memory_space<hbm>>) dst(%arg11 : memref<128x128xf32, #tpu.memory_space<vmem>>)
      %dma_wait3A_146 = arith.constant 0 : i32
      %dma_wait3A_147 = tpu.memref_slice %arg4[%add3A_142, %dma_wait3A_146] : memref<2560x128xi32, #tpu.memory_space<hbm>> -> memref<1x128xi32, #tpu.memory_space<hbm>>
      %dma_wait3A_148 = tpu.memref_squeeze %dma_wait3A_147 : memref<1x128xi32, #tpu.memory_space<hbm>> -> memref<128xi32, #tpu.memory_space<hbm>>
      %dma_wait3A_149 = arith.constant 0 : i32
      %dma_wait3A_150 = tpu.memref_slice %arg4[%add3A_142, %dma_wait3A_149] : memref<2560x128xi32, #tpu.memory_space<hbm>> -> memref<1x128xi32, #tpu.memory_space<hbm>>
      %dma_wait3A_151 = tpu.memref_squeeze %dma_wait3A_150 : memref<1x128xi32, #tpu.memory_space<hbm>> -> memref<128xi32, #tpu.memory_space<hbm>>
      tpu.wait_dma2 semaphore(%arg16 : memref<!tpu.dma_semaphore, #tpu.memory_space<semaphore_mem>>) src(%dma_wait3A_151 : memref<128xi32, #tpu.memory_space<hbm>>) dst(%arg9 : memref<128xi32, #tpu.memory_space<vmem>>)
      %dma_start3A_152 = arith.constant 0 : i32
      %dma_start3A_153 = arith.constant 0 : i32
      %dma_start3A_154 = tpu.memref_slice %arg12[%dma_start3A_152, %dma_start3A_153] : memref<10240x128xf32, #tpu.memory_space<vmem_shared>> -> memref<10240x128xf32, #tpu.memory_space<vmem_shared>>
      tpu.enqueue_indirect_dma source(%arg11 : memref<128x128xf32, #tpu.memory_space<vmem>>) target(%dma_start3A_154 : memref<10240x128xf32, #tpu.memory_space<vmem_shared>>) offsets(%arg9 : memref<128xi32, #tpu.memory_space<vmem>>) semaphore(%arg20 : memref<!tpu.dma_semaphore, #tpu.memory_space<semaphore_mem>>) {add = true}
      %add3A_155 = arith.constant 2 : i32
      %add3A_156 = arith.addi %add3A_141, %add3A_155 : i32
      %lt3A_157 = arith.cmpi slt, %add3A_156, %select_n3A : i32
      %convert_element_type3A_158 = arith.extui %lt3A_157 : i1 to i32
      %cond3A_159 = arith.constant 0 : i32
      %cond3A_160 = arith.cmpi ne, %convert_element_type3A_158, %cond3A_159 : i32
      scf.if %cond3A_160 {
        %add3A_162 = arith.constant 2 : i32
        %add3A_163 = arith.addi %add3A_142, %add3A_162 : i32
        %dma_start3A_164 = arith.constant 0 : i32
        %dma_start3A_165 = tpu.memref_slice %arg3[%add3A_163, %dma_start3A_164] : memref<2560x128xi32, #tpu.memory_space<hbm>> -> memref<1x128xi32, #tpu.memory_space<hbm>>
        %dma_start3A_166 = tpu.memref_squeeze %dma_start3A_165 : memref<1x128xi32, #tpu.memory_space<hbm>> -> memref<128xi32, #tpu.memory_space<hbm>>
        %dma_start3A_167 = arith.constant 0 : i32
        %dma_start3A_168 = tpu.memref_slice %arg3[%add3A_163, %dma_start3A_167] : memref<2560x128xi32, #tpu.memory_space<hbm>> -> memref<1x128xi32, #tpu.memory_space<hbm>>
        %dma_start3A_169 = tpu.memref_squeeze %dma_start3A_168 : memref<1x128xi32, #tpu.memory_space<hbm>> -> memref<128xi32, #tpu.memory_space<hbm>>
        tpu.enqueue_dma source(%dma_start3A_169 : memref<128xi32, #tpu.memory_space<hbm>>) target(%arg7 : memref<128xi32, #tpu.memory_space<vmem>>) target_semaphore(%arg14 : memref<!tpu.dma_semaphore, #tpu.memory_space<semaphore_mem>>)
        %dma_wait3A_170 = arith.constant 0 : i32
        %dma_wait3A_171 = arith.constant 0 : i32
        %dma_wait3A_172 = tpu.memref_slice %arg12[%dma_wait3A_170, %dma_wait3A_171] : memref<10240x128xf32, #tpu.memory_space<vmem_shared>> -> memref<10240x128xf32, #tpu.memory_space<vmem_shared>>
        tpu.wait_indirect_dma semaphore(%arg20 : memref<!tpu.dma_semaphore, #tpu.memory_space<semaphore_mem>>) src(%arg11 : memref<128x128xf32, #tpu.memory_space<vmem>>) dst(%dma_wait3A_172 : memref<10240x128xf32, #tpu.memory_space<vmem_shared>>)
        %add3A_173 = arith.constant 2 : i32
        %add3A_174 = arith.addi %add3A_142, %add3A_173 : i32
        %dma_start3A_175 = arith.constant 0 : i32
        %dma_start3A_176 = tpu.memref_slice %arg4[%add3A_174, %dma_start3A_175] : memref<2560x128xi32, #tpu.memory_space<hbm>> -> memref<1x128xi32, #tpu.memory_space<hbm>>
        %dma_start3A_177 = tpu.memref_squeeze %dma_start3A_176 : memref<1x128xi32, #tpu.memory_space<hbm>> -> memref<128xi32, #tpu.memory_space<hbm>>
        %dma_start3A_178 = arith.constant 0 : i32
        %dma_start3A_179 = tpu.memref_slice %arg4[%add3A_174, %dma_start3A_178] : memref<2560x128xi32, #tpu.memory_space<hbm>> -> memref<1x128xi32, #tpu.memory_space<hbm>>
        %dma_start3A_180 = tpu.memref_squeeze %dma_start3A_179 : memref<1x128xi32, #tpu.memory_space<hbm>> -> memref<128xi32, #tpu.memory_space<hbm>>
        tpu.enqueue_dma source(%dma_start3A_180 : memref<128xi32, #tpu.memory_space<hbm>>) target(%arg9 : memref<128xi32, #tpu.memory_space<vmem>>) target_semaphore(%arg16 : memref<!tpu.dma_semaphore, #tpu.memory_space<semaphore_mem>>)
        %add3A_181 = arith.constant 2 : i32
        %add3A_182 = arith.addi %add3A_142, %add3A_181 : i32
        %dma_wait3A_183 = arith.constant 0 : i32
        %dma_wait3A_184 = tpu.memref_slice %arg3[%add3A_182, %dma_wait3A_183] : memref<2560x128xi32, #tpu.memory_space<hbm>> -> memref<1x128xi32, #tpu.memory_space<hbm>>
        %dma_wait3A_185 = tpu.memref_squeeze %dma_wait3A_184 : memref<1x128xi32, #tpu.memory_space<hbm>> -> memref<128xi32, #tpu.memory_space<hbm>>
        %dma_wait3A_186 = arith.constant 0 : i32
        %dma_wait3A_187 = tpu.memref_slice %arg3[%add3A_182, %dma_wait3A_186] : memref<2560x128xi32, #tpu.memory_space<hbm>> -> memref<1x128xi32, #tpu.memory_space<hbm>>
        %dma_wait3A_188 = tpu.memref_squeeze %dma_wait3A_187 : memref<1x128xi32, #tpu.memory_space<hbm>> -> memref<128xi32, #tpu.memory_space<hbm>>
        tpu.wait_dma2 semaphore(%arg14 : memref<!tpu.dma_semaphore, #tpu.memory_space<semaphore_mem>>) src(%dma_wait3A_188 : memref<128xi32, #tpu.memory_space<hbm>>) dst(%arg7 : memref<128xi32, #tpu.memory_space<vmem>>)
        %dma_start3A_189 = arith.constant 0 : i32
        %dma_start3A_190 = arith.constant 0 : i32
        %dma_start3A_191 = tpu.memref_slice %arg2[%dma_start3A_189, %dma_start3A_190] : memref<10240x128xf32, #tpu.memory_space<hbm>> -> memref<10240x128xf32, #tpu.memory_space<hbm>>
        tpu.enqueue_indirect_dma source(%dma_start3A_191 : memref<10240x128xf32, #tpu.memory_space<hbm>>) target(%arg11 : memref<128x128xf32, #tpu.memory_space<vmem>>) offsets(%arg7 : memref<128xi32, #tpu.memory_space<vmem>>) semaphore(%arg18 : memref<!tpu.dma_semaphore, #tpu.memory_space<semaphore_mem>>)
      } else {
      }
      %while3A_161 = arith.constant 0 : i32
      scf.yield %while3A_161 : i32
    }
    %while3A_105 = arith.constant 1 : i32
    %while3A_106 = scf.for %while3A_116 = %while3A_102 to %while3A_98 step %while3A_105 iter_args(%while3A_117 = %while3A_104) -> (i32)  : i32 {
      %mul3A_118 = arith.constant 2 : i32
      %mul3A_119 = arith.muli %while3A_116, %mul3A_118 : i32
      %add3A_120 = arith.constant 0 : i32
      %add3A_121 = arith.addi %mul3A_119, %add3A_120 : i32
      %add3A_122 = arith.addi %select_n3A_11, %add3A_121 : i32
      %dma_wait3A_123 = arith.constant 0 : i32
      %dma_wait3A_124 = arith.constant 0 : i32
      %dma_wait3A_125 = tpu.memref_slice %arg2[%dma_wait3A_123, %dma_wait3A_124] : memref<10240x128xf32, #tpu.memory_space<hbm>> -> memref<10240x128xf32, #tpu.memory_space<hbm>>
      tpu.wait_indirect_dma semaphore(%arg17 : memref<!tpu.dma_semaphore, #tpu.memory_space<semaphore_mem>>) src(%dma_wait3A_125 : memref<10240x128xf32, #tpu.memory_space<hbm>>) dst(%arg10 : memref<128x128xf32, #tpu.memory_space<vmem>>)
      %dma_wait3A_126 = arith.constant 0 : i32
      %dma_wait3A_127 = tpu.memref_slice %arg4[%add3A_122, %dma_wait3A_126] : memref<2560x128xi32, #tpu.memory_space<hbm>> -> memref<1x128xi32, #tpu.memory_space<hbm>>
      %dma_wait3A_128 = tpu.memref_squeeze %dma_wait3A_127 : memref<1x128xi32, #tpu.memory_space<hbm>> -> memref<128xi32, #tpu.memory_space<hbm>>
      %dma_wait3A_129 = arith.constant 0 : i32
      %dma_wait3A_130 = tpu.memref_slice %arg4[%add3A_122, %dma_wait3A_129] : memref<2560x128xi32, #tpu.memory_space<hbm>> -> memref<1x128xi32, #tpu.memory_space<hbm>>
      %dma_wait3A_131 = tpu.memref_squeeze %dma_wait3A_130 : memref<1x128xi32, #tpu.memory_space<hbm>> -> memref<128xi32, #tpu.memory_space<hbm>>
      tpu.wait_dma2 semaphore(%arg15 : memref<!tpu.dma_semaphore, #tpu.memory_space<semaphore_mem>>) src(%dma_wait3A_131 : memref<128xi32, #tpu.memory_space<hbm>>) dst(%arg8 : memref<128xi32, #tpu.memory_space<vmem>>)
      %dma_start3A_132 = arith.constant 0 : i32
      %dma_start3A_133 = arith.constant 0 : i32
      %dma_start3A_134 = tpu.memref_slice %arg12[%dma_start3A_132, %dma_start3A_133] : memref<10240x128xf32, #tpu.memory_space<vmem_shared>> -> memref<10240x128xf32, #tpu.memory_space<vmem_shared>>
      tpu.enqueue_indirect_dma source(%arg10 : memref<128x128xf32, #tpu.memory_space<vmem>>) target(%dma_start3A_134 : memref<10240x128xf32, #tpu.memory_space<vmem_shared>>) offsets(%arg8 : memref<128xi32, #tpu.memory_space<vmem>>) semaphore(%arg19 : memref<!tpu.dma_semaphore, #tpu.memory_space<semaphore_mem>>) {add = true}
      %add3A_135 = arith.constant 2 : i32
      %add3A_136 = arith.addi %add3A_121, %add3A_135 : i32
      %lt3A = arith.cmpi slt, %add3A_136, %select_n3A : i32
      %convert_element_type3A = arith.extui %lt3A : i1 to i32
      %cond3A = arith.constant 0 : i32
      %cond3A_137 = arith.cmpi ne, %convert_element_type3A, %cond3A : i32
      scf.if %cond3A_137 {
        %add3A_162 = arith.constant 2 : i32
        %add3A_163 = arith.addi %add3A_122, %add3A_162 : i32
        %dma_start3A_164 = arith.constant 0 : i32
        %dma_start3A_165 = tpu.memref_slice %arg3[%add3A_163, %dma_start3A_164] : memref<2560x128xi32, #tpu.memory_space<hbm>> -> memref<1x128xi32, #tpu.memory_space<hbm>>
        %dma_start3A_166 = tpu.memref_squeeze %dma_start3A_165 : memref<1x128xi32, #tpu.memory_space<hbm>> -> memref<128xi32, #tpu.memory_space<hbm>>
        %dma_start3A_167 = arith.constant 0 : i32
        %dma_start3A_168 = tpu.memref_slice %arg3[%add3A_163, %dma_start3A_167] : memref<2560x128xi32, #tpu.memory_space<hbm>> -> memref<1x128xi32, #tpu.memory_space<hbm>>
        %dma_start3A_169 = tpu.memref_squeeze %dma_start3A_168 : memref<1x128xi32, #tpu.memory_space<hbm>> -> memref<128xi32, #tpu.memory_space<hbm>>
        tpu.enqueue_dma source(%dma_start3A_169 : memref<128xi32, #tpu.memory_space<hbm>>) target(%arg6 : memref<128xi32, #tpu.memory_space<vmem>>) target_semaphore(%arg13 : memref<!tpu.dma_semaphore, #tpu.memory_space<semaphore_mem>>)
        %dma_wait3A_170 = arith.constant 0 : i32
        %dma_wait3A_171 = arith.constant 0 : i32
        %dma_wait3A_172 = tpu.memref_slice %arg12[%dma_wait3A_170, %dma_wait3A_171] : memref<10240x128xf32, #tpu.memory_space<vmem_shared>> -> memref<10240x128xf32, #tpu.memory_space<vmem_shared>>
        tpu.wait_indirect_dma semaphore(%arg19 : memref<!tpu.dma_semaphore, #tpu.memory_space<semaphore_mem>>) src(%arg10 : memref<128x128xf32, #tpu.memory_space<vmem>>) dst(%dma_wait3A_172 : memref<10240x128xf32, #tpu.memory_space<vmem_shared>>)
        %add3A_173 = arith.constant 2 : i32
        %add3A_174 = arith.addi %add3A_122, %add3A_173 : i32
        %dma_start3A_175 = arith.constant 0 : i32
        %dma_start3A_176 = tpu.memref_slice %arg4[%add3A_174, %dma_start3A_175] : memref<2560x128xi32, #tpu.memory_space<hbm>> -> memref<1x128xi32, #tpu.memory_space<hbm>>
        %dma_start3A_177 = tpu.memref_squeeze %dma_start3A_176 : memref<1x128xi32, #tpu.memory_space<hbm>> -> memref<128xi32, #tpu.memory_space<hbm>>
        %dma_start3A_178 = arith.constant 0 : i32
        %dma_start3A_179 = tpu.memref_slice %arg4[%add3A_174, %dma_start3A_178] : memref<2560x128xi32, #tpu.memory_space<hbm>> -> memref<1x128xi32, #tpu.memory_space<hbm>>
        %dma_start3A_180 = tpu.memref_squeeze %dma_start3A_179 : memref<1x128xi32, #tpu.memory_space<hbm>> -> memref<128xi32, #tpu.memory_space<hbm>>
        tpu.enqueue_dma source(%dma_start3A_180 : memref<128xi32, #tpu.memory_space<hbm>>) target(%arg8 : memref<128xi32, #tpu.memory_space<vmem>>) target_semaphore(%arg15 : memref<!tpu.dma_semaphore, #tpu.memory_space<semaphore_mem>>)
        %add3A_181 = arith.constant 2 : i32
        %add3A_182 = arith.addi %add3A_122, %add3A_181 : i32
        %dma_wait3A_183 = arith.constant 0 : i32
        %dma_wait3A_184 = tpu.memref_slice %arg3[%add3A_182, %dma_wait3A_183] : memref<2560x128xi32, #tpu.memory_space<hbm>> -> memref<1x128xi32, #tpu.memory_space<hbm>>
        %dma_wait3A_185 = tpu.memref_squeeze %dma_wait3A_184 : memref<1x128xi32, #tpu.memory_space<hbm>> -> memref<128xi32, #tpu.memory_space<hbm>>
        %dma_wait3A_186 = arith.constant 0 : i32
        %dma_wait3A_187 = tpu.memref_slice %arg3[%add3A_182, %dma_wait3A_186] : memref<2560x128xi32, #tpu.memory_space<hbm>> -> memref<1x128xi32, #tpu.memory_space<hbm>>
        %dma_wait3A_188 = tpu.memref_squeeze %dma_wait3A_187 : memref<1x128xi32, #tpu.memory_space<hbm>> -> memref<128xi32, #tpu.memory_space<hbm>>
        tpu.wait_dma2 semaphore(%arg13 : memref<!tpu.dma_semaphore, #tpu.memory_space<semaphore_mem>>) src(%dma_wait3A_188 : memref<128xi32, #tpu.memory_space<hbm>>) dst(%arg6 : memref<128xi32, #tpu.memory_space<vmem>>)
        %dma_start3A_189 = arith.constant 0 : i32
        %dma_start3A_190 = arith.constant 0 : i32
        %dma_start3A_191 = tpu.memref_slice %arg2[%dma_start3A_189, %dma_start3A_190] : memref<10240x128xf32, #tpu.memory_space<hbm>> -> memref<10240x128xf32, #tpu.memory_space<hbm>>
        tpu.enqueue_indirect_dma source(%dma_start3A_191 : memref<10240x128xf32, #tpu.memory_space<hbm>>) target(%arg10 : memref<128x128xf32, #tpu.memory_space<vmem>>) offsets(%arg6 : memref<128xi32, #tpu.memory_space<vmem>>) semaphore(%arg17 : memref<!tpu.dma_semaphore, #tpu.memory_space<semaphore_mem>>)
      } else {
      }
      %mul3A_138 = arith.constant 2 : i32
      %mul3A_139 = arith.muli %while3A_116, %mul3A_138 : i32
      %add3A_140 = arith.constant 1 : i32
      %add3A_141 = arith.addi %mul3A_139, %add3A_140 : i32
      %add3A_142 = arith.addi %select_n3A_11, %add3A_141 : i32
      %dma_wait3A_143 = arith.constant 0 : i32
      %dma_wait3A_144 = arith.constant 0 : i32
      %dma_wait3A_145 = tpu.memref_slice %arg2[%dma_wait3A_143, %dma_wait3A_144] : memref<10240x128xf32, #tpu.memory_space<hbm>> -> memref<10240x128xf32, #tpu.memory_space<hbm>>
      tpu.wait_indirect_dma semaphore(%arg18 : memref<!tpu.dma_semaphore, #tpu.memory_space<semaphore_mem>>) src(%dma_wait3A_145 : memref<10240x128xf32, #tpu.memory_space<hbm>>) dst(%arg11 : memref<128x128xf32, #tpu.memory_space<vmem>>)
      %dma_wait3A_146 = arith.constant 0 : i32
      %dma_wait3A_147 = tpu.memref_slice %arg4[%add3A_142, %dma_wait3A_146] : memref<2560x128xi32, #tpu.memory_space<hbm>> -> memref<1x128xi32, #tpu.memory_space<hbm>>
      %dma_wait3A_148 = tpu.memref_squeeze %dma_wait3A_147 : memref<1x128xi32, #tpu.memory_space<hbm>> -> memref<128xi32, #tpu.memory_space<hbm>>
      %dma_wait3A_149 = arith.constant 0 : i32
      %dma_wait3A_150 = tpu.memref_slice %arg4[%add3A_142, %dma_wait3A_149] : memref<2560x128xi32, #tpu.memory_space<hbm>> -> memref<1x128xi32, #tpu.memory_space<hbm>>
      %dma_wait3A_151 = tpu.memref_squeeze %dma_wait3A_150 : memref<1x128xi32, #tpu.memory_space<hbm>> -> memref<128xi32, #tpu.memory_space<hbm>>
      tpu.wait_dma2 semaphore(%arg16 : memref<!tpu.dma_semaphore, #tpu.memory_space<semaphore_mem>>) src(%dma_wait3A_151 : memref<128xi32, #tpu.memory_space<hbm>>) dst(%arg9 : memref<128xi32, #tpu.memory_space<vmem>>)
      %dma_start3A_152 = arith.constant 0 : i32
      %dma_start3A_153 = arith.constant 0 : i32
      %dma_start3A_154 = tpu.memref_slice %arg12[%dma_start3A_152, %dma_start3A_153] : memref<10240x128xf32, #tpu.memory_space<vmem_shared>> -> memref<10240x128xf32, #tpu.memory_space<vmem_shared>>
      tpu.enqueue_indirect_dma source(%arg11 : memref<128x128xf32, #tpu.memory_space<vmem>>) target(%dma_start3A_154 : memref<10240x128xf32, #tpu.memory_space<vmem_shared>>) offsets(%arg9 : memref<128xi32, #tpu.memory_space<vmem>>) semaphore(%arg20 : memref<!tpu.dma_semaphore, #tpu.memory_space<semaphore_mem>>) {add = true}
      %add3A_155 = arith.constant 2 : i32
      %add3A_156 = arith.addi %add3A_141, %add3A_155 : i32
      %lt3A_157 = arith.cmpi slt, %add3A_156, %select_n3A : i32
      %convert_element_type3A_158 = arith.extui %lt3A_157 : i1 to i32
      %cond3A_159 = arith.constant 0 : i32
      %cond3A_160 = arith.cmpi ne, %convert_element_type3A_158, %cond3A_159 : i32
      scf.if %cond3A_160 {
        %add3A_162 = arith.constant 2 : i32
        %add3A_163 = arith.addi %add3A_142, %add3A_162 : i32
        %dma_start3A_164 = arith.constant 0 : i32
        %dma_start3A_165 = tpu.memref_slice %arg3[%add3A_163, %dma_start3A_164] : memref<2560x128xi32, #tpu.memory_space<hbm>> -> memref<1x128xi32, #tpu.memory_space<hbm>>
        %dma_start3A_166 = tpu.memref_squeeze %dma_start3A_165 : memref<1x128xi32, #tpu.memory_space<hbm>> -> memref<128xi32, #tpu.memory_space<hbm>>
        %dma_start3A_167 = arith.constant 0 : i32
        %dma_start3A_168 = tpu.memref_slice %arg3[%add3A_163, %dma_start3A_167] : memref<2560x128xi32, #tpu.memory_space<hbm>> -> memref<1x128xi32, #tpu.memory_space<hbm>>
        %dma_start3A_169 = tpu.memref_squeeze %dma_start3A_168 : memref<1x128xi32, #tpu.memory_space<hbm>> -> memref<128xi32, #tpu.memory_space<hbm>>
        tpu.enqueue_dma source(%dma_start3A_169 : memref<128xi32, #tpu.memory_space<hbm>>) target(%arg7 : memref<128xi32, #tpu.memory_space<vmem>>) target_semaphore(%arg14 : memref<!tpu.dma_semaphore, #tpu.memory_space<semaphore_mem>>)
        %dma_wait3A_170 = arith.constant 0 : i32
        %dma_wait3A_171 = arith.constant 0 : i32
        %dma_wait3A_172 = tpu.memref_slice %arg12[%dma_wait3A_170, %dma_wait3A_171] : memref<10240x128xf32, #tpu.memory_space<vmem_shared>> -> memref<10240x128xf32, #tpu.memory_space<vmem_shared>>
        tpu.wait_indirect_dma semaphore(%arg20 : memref<!tpu.dma_semaphore, #tpu.memory_space<semaphore_mem>>) src(%arg11 : memref<128x128xf32, #tpu.memory_space<vmem>>) dst(%dma_wait3A_172 : memref<10240x128xf32, #tpu.memory_space<vmem_shared>>)
        %add3A_173 = arith.constant 2 : i32
        %add3A_174 = arith.addi %add3A_142, %add3A_173 : i32
        %dma_start3A_175 = arith.constant 0 : i32
        %dma_start3A_176 = tpu.memref_slice %arg4[%add3A_174, %dma_start3A_175] : memref<2560x128xi32, #tpu.memory_space<hbm>> -> memref<1x128xi32, #tpu.memory_space<hbm>>
        %dma_start3A_177 = tpu.memref_squeeze %dma_start3A_176 : memref<1x128xi32, #tpu.memory_space<hbm>> -> memref<128xi32, #tpu.memory_space<hbm>>
        %dma_start3A_178 = arith.constant 0 : i32
        %dma_start3A_179 = tpu.memref_slice %arg4[%add3A_174, %dma_start3A_178] : memref<2560x128xi32, #tpu.memory_space<hbm>> -> memref<1x128xi32, #tpu.memory_space<hbm>>
        %dma_start3A_180 = tpu.memref_squeeze %dma_start3A_179 : memref<1x128xi32, #tpu.memory_space<hbm>> -> memref<128xi32, #tpu.memory_space<hbm>>
        tpu.enqueue_dma source(%dma_start3A_180 : memref<128xi32, #tpu.memory_space<hbm>>) target(%arg9 : memref<128xi32, #tpu.memory_space<vmem>>) target_semaphore(%arg16 : memref<!tpu.dma_semaphore, #tpu.memory_space<semaphore_mem>>)
        %add3A_181 = arith.constant 2 : i32
        %add3A_182 = arith.addi %add3A_142, %add3A_181 : i32
        %dma_wait3A_183 = arith.constant 0 : i32
        %dma_wait3A_184 = tpu.memref_slice %arg3[%add3A_182, %dma_wait3A_183] : memref<2560x128xi32, #tpu.memory_space<hbm>> -> memref<1x128xi32, #tpu.memory_space<hbm>>
        %dma_wait3A_185 = tpu.memref_squeeze %dma_wait3A_184 : memref<1x128xi32, #tpu.memory_space<hbm>> -> memref<128xi32, #tpu.memory_space<hbm>>
        %dma_wait3A_186 = arith.constant 0 : i32
        %dma_wait3A_187 = tpu.memref_slice %arg3[%add3A_182, %dma_wait3A_186] : memref<2560x128xi32, #tpu.memory_space<hbm>> -> memref<1x128xi32, #tpu.memory_space<hbm>>
        %dma_wait3A_188 = tpu.memref_squeeze %dma_wait3A_187 : memref<1x128xi32, #tpu.memory_space<hbm>> -> memref<128xi32, #tpu.memory_space<hbm>>
        tpu.wait_dma2 semaphore(%arg14 : memref<!tpu.dma_semaphore, #tpu.memory_space<semaphore_mem>>) src(%dma_wait3A_188 : memref<128xi32, #tpu.memory_space<hbm>>) dst(%arg7 : memref<128xi32, #tpu.memory_space<vmem>>)
        %dma_start3A_189 = arith.constant 0 : i32
        %dma_start3A_190 = arith.constant 0 : i32
        %dma_start3A_191 = tpu.memref_slice %arg2[%dma_start3A_189, %dma_start3A_190] : memref<10240x128xf32, #tpu.memory_space<hbm>> -> memref<10240x128xf32, #tpu.memory_space<hbm>>
        tpu.enqueue_indirect_dma source(%dma_start3A_191 : memref<10240x128xf32, #tpu.memory_space<hbm>>) target(%arg11 : memref<128x128xf32, #tpu.memory_space<vmem>>) offsets(%arg7 : memref<128xi32, #tpu.memory_space<vmem>>) semaphore(%arg18 : memref<!tpu.dma_semaphore, #tpu.memory_space<semaphore_mem>>)
      } else {
      }
      %while3A_161 = arith.constant 0 : i32
      scf.yield %while3A_161 : i32
    }
    %dma_wait3A_107 = arith.constant 0 : i32
    %dma_wait3A_108 = arith.constant 0 : i32
    %dma_wait3A_109 = tpu.memref_slice %arg12[%dma_wait3A_107, %dma_wait3A_108] : memref<10240x128xf32, #tpu.memory_space<vmem_shared>> -> memref<10240x128xf32, #tpu.memory_space<vmem_shared>>
    tpu.wait_indirect_dma semaphore(%arg19 : memref<!tpu.dma_semaphore, #tpu.memory_space<semaphore_mem>>) src(%arg10 : memref<128x128xf32, #tpu.memory_space<vmem>>) dst(%dma_wait3A_109 : memref<10240x128xf32, #tpu.memory_space<vmem_shared>>)
    %dma_wait3A_110 = arith.constant 0 : i32
    %dma_wait3A_111 = arith.constant 0 : i32
    %dma_wait3A_112 = tpu.memref_slice %arg12[%dma_wait3A_110, %dma_wait3A_111] : memref<10240x128xf32, #tpu.memory_space<vmem_shared>> -> memref<10240x128xf32, #tpu.memory_space<vmem_shared>>
    tpu.wait_indirect_dma semaphore(%arg20 : memref<!tpu.dma_semaphore, #tpu.memory_space<semaphore_mem>>) src(%arg11 : memref<128x128xf32, #tpu.memory_space<vmem>>) dst(%dma_wait3A_112 : memref<10240x128xf32, #tpu.memory_space<vmem_shared>>)
    %barrier3A_113 = arith.constant 0 : index
    tpu.barrier barrier_id(%barrier3A_113)
    %mul3A_114 = arith.constant 640 : i32
    %mul3A_115 = arith.muli %arg1, %mul3A_114 : i32
    "tpu.region"() ({
      %run_scoped3A = tpu.sem_alloc : memref<!tpu.dma_semaphore, #tpu.memory_space<semaphore_mem>>
      %dma_start3A_116 = arith.constant 0 : i32
      %dma_start3A_117 = arith.constant 0 : i32
      %dma_start3A_118 = tpu.memref_slice %arg5[%add3A, %dma_start3A_116, %dma_start3A_117] : memref<32x640x128xf32, #tpu.memory_space<hbm>> -> memref<1x640x128xf32, #tpu.memory_space<hbm>>
      %dma_start3A_119 = tpu.memref_squeeze %dma_start3A_118 : memref<1x640x128xf32, #tpu.memory_space<hbm>> -> memref<640x128xf32, #tpu.memory_space<hbm>>
      %dma_start3A_120 = arith.constant 0 : i32
      %dma_start3A_121 = tpu.memref_slice %arg12[%mul3A_115, %dma_start3A_120] : memref<10240x128xf32, #tpu.memory_space<vmem_shared>> -> memref<640x128xf32, #tpu.memory_space<vmem_shared>>
      tpu.enqueue_dma source(%dma_start3A_121 : memref<640x128xf32, #tpu.memory_space<vmem_shared>>) target(%dma_start3A_119 : memref<640x128xf32, #tpu.memory_space<hbm>>) target_semaphore(%run_scoped3A : memref<!tpu.dma_semaphore, #tpu.memory_space<semaphore_mem>>)
      %dma_wait3A_122 = arith.constant 0 : i32
      %dma_wait3A_123 = arith.constant 0 : i32
      %dma_wait3A_124 = tpu.memref_slice %arg5[%add3A, %dma_wait3A_122, %dma_wait3A_123] : memref<32x640x128xf32, #tpu.memory_space<hbm>> -> memref<1x640x128xf32, #tpu.memory_space<hbm>>
      %dma_wait3A_125 = tpu.memref_squeeze %dma_wait3A_124 : memref<1x640x128xf32, #tpu.memory_space<hbm>> -> memref<640x128xf32, #tpu.memory_space<hbm>>
      %dma_wait3A_126 = arith.constant 0 : i32
      %dma_wait3A_127 = tpu.memref_slice %arg12[%mul3A_115, %dma_wait3A_126] : memref<10240x128xf32, #tpu.memory_space<vmem_shared>> -> memref<640x128xf32, #tpu.memory_space<vmem_shared>>
      tpu.wait_dma2 semaphore(%run_scoped3A : memref<!tpu.dma_semaphore, #tpu.memory_space<semaphore_mem>>) src(%dma_wait3A_127 : memref<640x128xf32, #tpu.memory_space<vmem_shared>>) dst(%dma_wait3A_125 : memref<640x128xf32, #tpu.memory_space<hbm>>)
      tpu.yield
    }) : () -> ()
    return
  }
}

#map = affine_map<(d0, d1) -> (0, 0)>
#map1 = affine_map<(d0, d1) -> (0, 0, 0)>
module attributes {stable_mosaic.version = 14 : i64} {
  func.func @_agg_kernel(%arg0: i32, %arg1: i32, %arg2: memref<10240x128xf32, #tpu.memory_space<hbm>>, %arg3: memref<2560x128xi32, #tpu.memory_space<hbm>>, %arg4: memref<2560x128xi32, #tpu.memory_space<hbm>>, %arg5: memref<32x640x128xf32, #tpu.memory_space<hbm>>, %arg6: memref<128xi32, #tpu.memory_space<vmem>>, %arg7: memref<128xi32, #tpu.memory_space<vmem>>, %arg8: memref<128xi32, #tpu.memory_space<vmem>>, %arg9: memref<128xi32, #tpu.memory_space<vmem>>, %arg10: memref<128x128xf32, #tpu.memory_space<vmem>>, %arg11: memref<128x128xf32, #tpu.memory_space<vmem>>, %arg12: memref<10240x128xf32, #tpu.memory_space<vmem_shared>>, %arg13: memref<!tpu.dma_semaphore, #tpu.memory_space<semaphore_mem>>, %arg14: memref<!tpu.dma_semaphore, #tpu.memory_space<semaphore_mem>>, %arg15: memref<!tpu.dma_semaphore, #tpu.memory_space<semaphore_mem>>, %arg16: memref<!tpu.dma_semaphore, #tpu.memory_space<semaphore_mem>>, %arg17: memref<!tpu.dma_semaphore, #tpu.memory_space<semaphore_mem>>, %arg18: memref<!tpu.dma_semaphore, #tpu.memory_space<semaphore_mem>>, %arg19: memref<!tpu.dma_semaphore, #tpu.memory_space<semaphore_mem>>, %arg20: memref<!tpu.dma_semaphore, #tpu.memory_space<semaphore_mem>>) attributes {dimension_semantics = [#tpu.dimension_semantics<core_parallel>, #tpu.dimension_semantics<subcore_parallel>], iteration_bounds = array<i64: 2, 16>, scalar_prefetch = 0 : i64, scratch_operands = 15 : i64, tpu.core_type = #tpu.core_type<sc_vector_subcore>, window_params = [{transform_indices = #map}, {transform_indices = #map}, {transform_indices = #map}, {transform_indices = #map1}]} {
    %mul3A = arith.constant 16 : i32
    %mul3A_0 = arith.muli %arg0, %mul3A : i32
    %add3A = arith.addi %mul3A_0, %arg1 : i32
    %eq3A = arith.constant 0 : i32
    %eq3A_1 = arith.cmpi eq, %arg0, %eq3A : i32
    %jit3A = arith.constant 152 : i32
    %jit3A_2 = arith.constant 8 : i32
    %select_n3A = arith.select %eq3A_1, %jit3A, %jit3A_2 : i32
    %eq3A_3 = arith.constant 0 : i32
    %eq3A_4 = arith.cmpi eq, %arg0, %eq3A_3 : i32
    %mul3A_5 = arith.constant 152 : i32
    %mul3A_6 = arith.muli %arg1, %mul3A_5 : i32
    %mul3A_7 = arith.constant 8 : i32
    %mul3A_8 = arith.muli %arg1, %mul3A_7 : i32
    %add3A_9 = arith.constant 2432 : i32
    %add3A_10 = arith.addi %add3A_9, %mul3A_8 : i32
    %select_n3A_11 = arith.select %eq3A_4, %mul3A_6, %add3A_10 : i32
    %broadcast_in_dim3A = arith.constant 0.000000e+00 : f32
    %broadcast_in_dim3A_12 = vector.broadcast %broadcast_in_dim3A : f32 to vector<16xf32>
    %scan3A = arith.constant 0 : i32
    %scan3A_13 = arith.constant 0 : i32
    %scan3A_14 = arith.constant 128 : i32
    %scan3A_15 = arith.addi %scan3A_13, %scan3A_14 : i32
    %scan3A_16 = arith.constant 1 : i32
    %scan3A_17 = scf.for %scan3A_116 = %scan3A_13 to %scan3A_15 step %scan3A_16 iter_args(%scan3A_117 = %scan3A) -> (i32)  : i32 {
      %swap3A = arith.index_cast %scan3A_116 : i32 to index
      %swap3A_118 = arith.constant 0 : index
      %swap3A_119 = tpu.vector_load %arg10[%swap3A, %swap3A_118] {strides = array<i32>} : memref<128x128xf32, #tpu.memory_space<vmem>>, vector<16xf32>,
      tpu.vector_store %arg10[%swap3A, %swap3A_118], %broadcast_in_dim3A_12 {strides = array<i32>} : memref<128x128xf32, #tpu.memory_space<vmem>>, vector<16xf32>,
      %swap3A_120 = arith.index_cast %scan3A_116 : i32 to index
      %swap3A_121 = arith.constant 16 : index
      %swap3A_122 = tpu.vector_load %arg10[%swap3A_120, %swap3A_121] {strides = array<i32>} : memref<128x128xf32, #tpu.memory_space<vmem>>, vector<16xf32>,
      tpu.vector_store %arg10[%swap3A_120, %swap3A_121], %broadcast_in_dim3A_12 {strides = array<i32>} : memref<128x128xf32, #tpu.memory_space<vmem>>, vector<16xf32>,
      %swap3A_123 = arith.index_cast %scan3A_116 : i32 to index
      %swap3A_124 = arith.constant 32 : index
      %swap3A_125 = tpu.vector_load %arg10[%swap3A_123, %swap3A_124] {strides = array<i32>} : memref<128x128xf32, #tpu.memory_space<vmem>>, vector<16xf32>,
      tpu.vector_store %arg10[%swap3A_123, %swap3A_124], %broadcast_in_dim3A_12 {strides = array<i32>} : memref<128x128xf32, #tpu.memory_space<vmem>>, vector<16xf32>,
      %swap3A_126 = arith.index_cast %scan3A_116 : i32 to index
      %swap3A_127 = arith.constant 48 : index
      %swap3A_128 = tpu.vector_load %arg10[%swap3A_126, %swap3A_127] {strides = array<i32>} : memref<128x128xf32, #tpu.memory_space<vmem>>, vector<16xf32>,
      tpu.vector_store %arg10[%swap3A_126, %swap3A_127], %broadcast_in_dim3A_12 {strides = array<i32>} : memref<128x128xf32, #tpu.memory_space<vmem>>, vector<16xf32>,
      %swap3A_129 = arith.index_cast %scan3A_116 : i32 to index
      %swap3A_130 = arith.constant 64 : index
      %swap3A_131 = tpu.vector_load %arg10[%swap3A_129, %swap3A_130] {strides = array<i32>} : memref<128x128xf32, #tpu.memory_space<vmem>>, vector<16xf32>,
      tpu.vector_store %arg10[%swap3A_129, %swap3A_130], %broadcast_in_dim3A_12 {strides = array<i32>} : memref<128x128xf32, #tpu.memory_space<vmem>>, vector<16xf32>,
      %swap3A_132 = arith.index_cast %scan3A_116 : i32 to index
      %swap3A_133 = arith.constant 80 : index
      %swap3A_134 = tpu.vector_load %arg10[%swap3A_132, %swap3A_133] {strides = array<i32>} : memref<128x128xf32, #tpu.memory_space<vmem>>, vector<16xf32>,
      tpu.vector_store %arg10[%swap3A_132, %swap3A_133], %broadcast_in_dim3A_12 {strides = array<i32>} : memref<128x128xf32, #tpu.memory_space<vmem>>, vector<16xf32>,
      %swap3A_135 = arith.index_cast %scan3A_116 : i32 to index
      %swap3A_136 = arith.constant 96 : index
      %swap3A_137 = tpu.vector_load %arg10[%swap3A_135, %swap3A_136] {strides = array<i32>} : memref<128x128xf32, #tpu.memory_space<vmem>>, vector<16xf32>,
      tpu.vector_store %arg10[%swap3A_135, %swap3A_136], %broadcast_in_dim3A_12 {strides = array<i32>} : memref<128x128xf32, #tpu.memory_space<vmem>>, vector<16xf32>,
      %swap3A_138 = arith.index_cast %scan3A_116 : i32 to index
      %swap3A_139 = arith.constant 112 : index
      %swap3A_140 = tpu.vector_load %arg10[%swap3A_138, %swap3A_139] {strides = array<i32>} : memref<128x128xf32, #tpu.memory_space<vmem>>, vector<16xf32>,
      tpu.vector_store %arg10[%swap3A_138, %swap3A_139], %broadcast_in_dim3A_12 {strides = array<i32>} : memref<128x128xf32, #tpu.memory_space<vmem>>, vector<16xf32>,
      %scan3A_141 = arith.constant 0 : i32
      scf.yield %scan3A_141 : i32
    }
    %scan3A_18 = arith.constant 128 : i32
    %scan3A_19 = arith.constant 0 : i32
    %scan3A_20 = arith.constant 0 : i32
    %scan3A_21 = arith.constant 5 : i32
    %scan3A_22 = arith.addi %scan3A_20, %scan3A_21 : i32
    %scan3A_23 = arith.constant 1 : i32
    %scan3A_24 = scf.for %scan3A_116 = %scan3A_20 to %scan3A_22 step %scan3A_23 iter_args(%scan3A_117 = %scan3A_19) -> (i32)  : i32 {
      %mul3A_118 = arith.constant 640 : i32
      %mul3A_119 = arith.muli %arg1, %mul3A_118 : i32
      %mul3A_120 = arith.constant 128 : i32
      %mul3A_121 = arith.muli %scan3A_116, %mul3A_120 : i32
      %add3A_122 = arith.addi %mul3A_119, %mul3A_121 : i32
      "tpu.region"() ({
        %run_scoped3A = tpu.sem_alloc : memref<!tpu.dma_semaphore, #tpu.memory_space<semaphore_mem>>
        %dma_start3A_124 = arith.constant 0 : i32
        %dma_start3A_125 = tpu.memref_slice %arg12[%add3A_122, %dma_start3A_124] : memref<10240x128xf32, #tpu.memory_space<vmem_shared>> -> memref<128x128xf32, #tpu.memory_space<vmem_shared>>
        %dma_start3A_126 = arith.constant 0 : i32
        %dma_start3A_127 = tpu.memref_slice %arg12[%add3A_122, %dma_start3A_126] : memref<10240x128xf32, #tpu.memory_space<vmem_shared>> -> memref<128x128xf32, #tpu.memory_space<vmem_shared>>
        tpu.enqueue_dma source(%arg10 : memref<128x128xf32, #tpu.memory_space<vmem>>) target(%dma_start3A_127 : memref<128x128xf32, #tpu.memory_space<vmem_shared>>) target_semaphore(%run_scoped3A : memref<!tpu.dma_semaphore, #tpu.memory_space<semaphore_mem>>)
        %dma_wait3A_128 = arith.constant 0 : i32
        %dma_wait3A_129 = tpu.memref_slice %arg12[%add3A_122, %dma_wait3A_128] : memref<10240x128xf32, #tpu.memory_space<vmem_shared>> -> memref<128x128xf32, #tpu.memory_space<vmem_shared>>
        %dma_wait3A_130 = arith.constant 0 : i32
        %dma_wait3A_131 = tpu.memref_slice %arg12[%add3A_122, %dma_wait3A_130] : memref<10240x128xf32, #tpu.memory_space<vmem_shared>> -> memref<128x128xf32, #tpu.memory_space<vmem_shared>>
        tpu.wait_dma2 semaphore(%run_scoped3A : memref<!tpu.dma_semaphore, #tpu.memory_space<semaphore_mem>>) src(%arg10 : memref<128x128xf32, #tpu.memory_space<vmem>>) dst(%dma_wait3A_131 : memref<128x128xf32, #tpu.memory_space<vmem_shared>>)
        tpu.yield
      }) : () -> ()
      %scan3A_123 = arith.constant 0 : i32
      scf.yield %scan3A_123 : i32
    }
    %scan3A_25 = arith.constant 5 : i32
    %barrier3A = arith.constant 0 : index
    tpu.barrier barrier_id(%barrier3A)
    %add3A_26 = arith.constant 0 : i32
    %add3A_27 = arith.addi %select_n3A_11, %add3A_26 : i32
    %dma_start3A = arith.constant 0 : i32
    %dma_start3A_28 = tpu.memref_slice %arg3[%add3A_27, %dma_start3A] : memref<2560x128xi32, #tpu.memory_space<hbm>> -> memref<1x128xi32, #tpu.memory_space<hbm>>
    %dma_start3A_29 = tpu.memref_squeeze %dma_start3A_28 : memref<1x128xi32, #tpu.memory_space<hbm>> -> memref<128xi32, #tpu.memory_space<hbm>>
    %dma_start3A_30 = arith.constant 0 : i32
    %dma_start3A_31 = tpu.memref_slice %arg3[%add3A_27, %dma_start3A_30] : memref<2560x128xi32, #tpu.memory_space<hbm>> -> memref<1x128xi32, #tpu.memory_space<hbm>>
    %dma_start3A_32 = tpu.memref_squeeze %dma_start3A_31 : memref<1x128xi32, #tpu.memory_space<hbm>> -> memref<128xi32, #tpu.memory_space<hbm>>
    tpu.enqueue_dma source(%dma_start3A_32 : memref<128xi32, #tpu.memory_space<hbm>>) target(%arg6 : memref<128xi32, #tpu.memory_space<vmem>>) target_semaphore(%arg13 : memref<!tpu.dma_semaphore, #tpu.memory_space<semaphore_mem>>)
    %add3A_33 = arith.constant 0 : i32
    %add3A_34 = arith.addi %select_n3A_11, %add3A_33 : i32
    %dma_start3A_35 = arith.constant 0 : i32
    %dma_start3A_36 = tpu.memref_slice %arg4[%add3A_34, %dma_start3A_35] : memref<2560x128xi32, #tpu.memory_space<hbm>> -> memref<1x128xi32, #tpu.memory_space<hbm>>
    %dma_start3A_37 = tpu.memref_squeeze %dma_start3A_36 : memref<1x128xi32, #tpu.memory_space<hbm>> -> memref<128xi32, #tpu.memory_space<hbm>>
    %dma_start3A_38 = arith.constant 0 : i32
    %dma_start3A_39 = tpu.memref_slice %arg4[%add3A_34, %dma_start3A_38] : memref<2560x128xi32, #tpu.memory_space<hbm>> -> memref<1x128xi32, #tpu.memory_space<hbm>>
    %dma_start3A_40 = tpu.memref_squeeze %dma_start3A_39 : memref<1x128xi32, #tpu.memory_space<hbm>> -> memref<128xi32, #tpu.memory_space<hbm>>
    tpu.enqueue_dma source(%dma_start3A_40 : memref<128xi32, #tpu.memory_space<hbm>>) target(%arg8 : memref<128xi32, #tpu.memory_space<vmem>>) target_semaphore(%arg15 : memref<!tpu.dma_semaphore, #tpu.memory_space<semaphore_mem>>)
    %add3A_41 = arith.constant 1 : i32
    %add3A_42 = arith.addi %select_n3A_11, %add3A_41 : i32
    %dma_start3A_43 = arith.constant 0 : i32
    %dma_start3A_44 = tpu.memref_slice %arg3[%add3A_42, %dma_start3A_43] : memref<2560x128xi32, #tpu.memory_space<hbm>> -> memref<1x128xi32, #tpu.memory_space<hbm>>
    %dma_start3A_45 = tpu.memref_squeeze %dma_start3A_44 : memref<1x128xi32, #tpu.memory_space<hbm>> -> memref<128xi32, #tpu.memory_space<hbm>>
    %dma_start3A_46 = arith.constant 0 : i32
    %dma_start3A_47 = tpu.memref_slice %arg3[%add3A_42, %dma_start3A_46] : memref<2560x128xi32, #tpu.memory_space<hbm>> -> memref<1x128xi32, #tpu.memory_space<hbm>>
    %dma_start3A_48 = tpu.memref_squeeze %dma_start3A_47 : memref<1x128xi32, #tpu.memory_space<hbm>> -> memref<128xi32, #tpu.memory_space<hbm>>
    tpu.enqueue_dma source(%dma_start3A_48 : memref<128xi32, #tpu.memory_space<hbm>>) target(%arg7 : memref<128xi32, #tpu.memory_space<vmem>>) target_semaphore(%arg14 : memref<!tpu.dma_semaphore, #tpu.memory_space<semaphore_mem>>)
    %add3A_49 = arith.constant 1 : i32
    %add3A_50 = arith.addi %select_n3A_11, %add3A_49 : i32
    %dma_start3A_51 = arith.constant 0 : i32
    %dma_start3A_52 = tpu.memref_slice %arg4[%add3A_50, %dma_start3A_51] : memref<2560x128xi32, #tpu.memory_space<hbm>> -> memref<1x128xi32, #tpu.memory_space<hbm>>
    %dma_start3A_53 = tpu.memref_squeeze %dma_start3A_52 : memref<1x128xi32, #tpu.memory_space<hbm>> -> memref<128xi32, #tpu.memory_space<hbm>>
    %dma_start3A_54 = arith.constant 0 : i32
    %dma_start3A_55 = tpu.memref_slice %arg4[%add3A_50, %dma_start3A_54] : memref<2560x128xi32, #tpu.memory_space<hbm>> -> memref<1x128xi32, #tpu.memory_space<hbm>>
    %dma_start3A_56 = tpu.memref_squeeze %dma_start3A_55 : memref<1x128xi32, #tpu.memory_space<hbm>> -> memref<128xi32, #tpu.memory_space<hbm>>
    tpu.enqueue_dma source(%dma_start3A_56 : memref<128xi32, #tpu.memory_space<hbm>>) target(%arg9 : memref<128xi32, #tpu.memory_space<vmem>>) target_semaphore(%arg16 : memref<!tpu.dma_semaphore, #tpu.memory_space<semaphore_mem>>)
    %add3A_57 = arith.constant 0 : i32
    %add3A_58 = arith.addi %select_n3A_11, %add3A_57 : i32
    %dma_wait3A = arith.constant 0 : i32
    %dma_wait3A_59 = tpu.memref_slice %arg3[%add3A_58, %dma_wait3A] : memref<2560x128xi32, #tpu.memory_space<hbm>> -> memref<1x128xi32, #tpu.memory_space<hbm>>
    %dma_wait3A_60 = tpu.memref_squeeze %dma_wait3A_59 : memref<1x128xi32, #tpu.memory_space<hbm>> -> memref<128xi32, #tpu.memory_space<hbm>>
    %dma_wait3A_61 = arith.constant 0 : i32
    %dma_wait3A_62 = tpu.memref_slice %arg3[%add3A_58, %dma_wait3A_61] : memref<2560x128xi32, #tpu.memory_space<hbm>> -> memref<1x128xi32, #tpu.memory_space<hbm>>
    %dma_wait3A_63 = tpu.memref_squeeze %dma_wait3A_62 : memref<1x128xi32, #tpu.memory_space<hbm>> -> memref<128xi32, #tpu.memory_space<hbm>>
    tpu.wait_dma2 semaphore(%arg13 : memref<!tpu.dma_semaphore, #tpu.memory_space<semaphore_mem>>) src(%dma_wait3A_63 : memref<128xi32, #tpu.memory_space<hbm>>) dst(%arg6 : memref<128xi32, #tpu.memory_space<vmem>>)
    %dma_start3A_64 = arith.constant 0 : i32
    %dma_start3A_65 = arith.constant 0 : i32
    %dma_start3A_66 = tpu.memref_slice %arg2[%dma_start3A_64, %dma_start3A_65] : memref<10240x128xf32, #tpu.memory_space<hbm>> -> memref<10240x128xf32, #tpu.memory_space<hbm>>
    tpu.enqueue_indirect_dma source(%dma_start3A_66 : memref<10240x128xf32, #tpu.memory_space<hbm>>) target(%arg10 : memref<128x128xf32, #tpu.memory_space<vmem>>) offsets(%arg6 : memref<128xi32, #tpu.memory_space<vmem>>) semaphore(%arg17 : memref<!tpu.dma_semaphore, #tpu.memory_space<semaphore_mem>>)
    %add3A_67 = arith.constant 1 : i32
    %add3A_68 = arith.addi %select_n3A_11, %add3A_67 : i32
    %dma_wait3A_69 = arith.constant 0 : i32
    %dma_wait3A_70 = tpu.memref_slice %arg3[%add3A_68, %dma_wait3A_69] : memref<2560x128xi32, #tpu.memory_space<hbm>> -> memref<1x128xi32, #tpu.memory_space<hbm>>
    %dma_wait3A_71 = tpu.memref_squeeze %dma_wait3A_70 : memref<1x128xi32, #tpu.memory_space<hbm>> -> memref<128xi32, #tpu.memory_space<hbm>>
    %dma_wait3A_72 = arith.constant 0 : i32
    %dma_wait3A_73 = tpu.memref_slice %arg3[%add3A_68, %dma_wait3A_72] : memref<2560x128xi32, #tpu.memory_space<hbm>> -> memref<1x128xi32, #tpu.memory_space<hbm>>
    %dma_wait3A_74 = tpu.memref_squeeze %dma_wait3A_73 : memref<1x128xi32, #tpu.memory_space<hbm>> -> memref<128xi32, #tpu.memory_space<hbm>>
    tpu.wait_dma2 semaphore(%arg14 : memref<!tpu.dma_semaphore, #tpu.memory_space<semaphore_mem>>) src(%dma_wait3A_74 : memref<128xi32, #tpu.memory_space<hbm>>) dst(%arg7 : memref<128xi32, #tpu.memory_space<vmem>>)
    %dma_start3A_75 = arith.constant 0 : i32
    %dma_start3A_76 = arith.constant 0 : i32
    %dma_start3A_77 = tpu.memref_slice %arg2[%dma_start3A_75, %dma_start3A_76] : memref<10240x128xf32, #tpu.memory_space<hbm>> -> memref<10240x128xf32, #tpu.memory_space<hbm>>
    tpu.enqueue_indirect_dma source(%dma_start3A_77 : memref<10240x128xf32, #tpu.memory_space<hbm>>) target(%arg11 : memref<128x128xf32, #tpu.memory_space<vmem>>) offsets(%arg7 : memref<128xi32, #tpu.memory_space<vmem>>) semaphore(%arg18 : memref<!tpu.dma_semaphore, #tpu.memory_space<semaphore_mem>>)
    %jit3A_78 = arith.constant 2 : i32
    %div3A = arith.divsi %select_n3A, %jit3A_78 : i32
    %sign3A = arith.constant 0 : i32
    %sign3A_79 = arith.cmpi sgt, %select_n3A, %sign3A : i32
    %sign3A_80 = arith.extui %sign3A_79 : i1 to i32
    %sign3A_81 = arith.constant 0 : i32
    %sign3A_82 = arith.cmpi slt, %select_n3A, %sign3A_81 : i32
    %sign3A_83 = arith.extui %sign3A_82 : i1 to i32
    %sign3A_84 = arith.subi %sign3A_80, %sign3A_83 : i32
    %sign3A_85 = arith.constant 0 : i32
    %sign3A_86 = arith.cmpi sgt, %jit3A_78, %sign3A_85 : i32
    %sign3A_87 = arith.extui %sign3A_86 : i1 to i32
    %sign3A_88 = arith.constant 0 : i32
    %sign3A_89 = arith.cmpi slt, %jit3A_78, %sign3A_88 : i32
    %sign3A_90 = arith.extui %sign3A_89 : i1 to i32
    %sign3A_91 = arith.subi %sign3A_87, %sign3A_90 : i32
    %ne3A = arith.cmpi ne, %sign3A_84, %sign3A_91 : i32
    %rem3A = arith.remsi %select_n3A, %jit3A_78 : i32
    %ne3A_92 = arith.constant 0 : i32
    %ne3A_93 = arith.cmpi ne, %rem3A, %ne3A_92 : i32
    %and3A = arith.andi %ne3A, %ne3A_93 : i1
    %sub3A = arith.constant 1 : i32
    %sub3A_94 = arith.subi %div3A, %sub3A : i32
    %select_n3A_95 = arith.select %and3A, %sub3A_94, %div3A : i32
    %while3A = arith.constant 0 : i32
    %while3A_96 = arith.constant 0 : i32
    %while3A_97 = arith.subi %select_n3A_95, %while3A : i32
    %while3A_98 = arith.addi %while3A, %while3A_97 : i32
    %while3A_99 = arith.constant 1 : i32
    %while3A_100 = arith.divsi %while3A_97, %while3A_99 : i32
    %while3A_101 = arith.muli %while3A_100, %while3A_99 : i32
    %while3A_102 = arith.addi %while3A, %while3A_101 : i32
    %while3A_103 = arith.constant 1 : i32
    %while3A_104 = scf.for %while3A_116 = %while3A to %while3A_102 step %while3A_103 iter_args(%while3A_117 = %while3A_96) -> (i32)  : i32 {
      %mul3A_118 = arith.constant 2 : i32
      %mul3A_119 = arith.muli %while3A_116, %mul3A_118 : i32
      %add3A_120 = arith.constant 0 : i32
      %add3A_121 = arith.addi %mul3A_119, %add3A_120 : i32
      %add3A_122 = arith.addi %select_n3A_11, %add3A_121 : i32
      %dma_wait3A_123 = arith.constant 0 : i32
      %dma_wait3A_124 = arith.constant 0 : i32
      %dma_wait3A_125 = tpu.memref_slice %arg2[%dma_wait3A_123, %dma_wait3A_124] : memref<10240x128xf32, #tpu.memory_space<hbm>> -> memref<10240x128xf32, #tpu.memory_space<hbm>>
      tpu.wait_indirect_dma semaphore(%arg17 : memref<!tpu.dma_semaphore, #tpu.memory_space<semaphore_mem>>) src(%dma_wait3A_125 : memref<10240x128xf32, #tpu.memory_space<hbm>>) dst(%arg10 : memref<128x128xf32, #tpu.memory_space<vmem>>)
      %dma_wait3A_126 = arith.constant 0 : i32
      %dma_wait3A_127 = tpu.memref_slice %arg4[%add3A_122, %dma_wait3A_126] : memref<2560x128xi32, #tpu.memory_space<hbm>> -> memref<1x128xi32, #tpu.memory_space<hbm>>
      %dma_wait3A_128 = tpu.memref_squeeze %dma_wait3A_127 : memref<1x128xi32, #tpu.memory_space<hbm>> -> memref<128xi32, #tpu.memory_space<hbm>>
      %dma_wait3A_129 = arith.constant 0 : i32
      %dma_wait3A_130 = tpu.memref_slice %arg4[%add3A_122, %dma_wait3A_129] : memref<2560x128xi32, #tpu.memory_space<hbm>> -> memref<1x128xi32, #tpu.memory_space<hbm>>
      %dma_wait3A_131 = tpu.memref_squeeze %dma_wait3A_130 : memref<1x128xi32, #tpu.memory_space<hbm>> -> memref<128xi32, #tpu.memory_space<hbm>>
      tpu.wait_dma2 semaphore(%arg15 : memref<!tpu.dma_semaphore, #tpu.memory_space<semaphore_mem>>) src(%dma_wait3A_131 : memref<128xi32, #tpu.memory_space<hbm>>) dst(%arg8 : memref<128xi32, #tpu.memory_space<vmem>>)
      %dma_start3A_132 = arith.constant 0 : i32
      %dma_start3A_133 = arith.constant 0 : i32
      %dma_start3A_134 = tpu.memref_slice %arg12[%dma_start3A_132, %dma_start3A_133] : memref<10240x128xf32, #tpu.memory_space<vmem_shared>> -> memref<10240x128xf32, #tpu.memory_space<vmem_shared>>
      tpu.enqueue_indirect_dma source(%arg10 : memref<128x128xf32, #tpu.memory_space<vmem>>) target(%dma_start3A_134 : memref<10240x128xf32, #tpu.memory_space<vmem_shared>>) offsets(%arg8 : memref<128xi32, #tpu.memory_space<vmem>>) semaphore(%arg19 : memref<!tpu.dma_semaphore, #tpu.memory_space<semaphore_mem>>) {add = true}
      %add3A_135 = arith.constant 2 : i32
      %add3A_136 = arith.addi %add3A_121, %add3A_135 : i32
      %lt3A = arith.cmpi slt, %add3A_136, %select_n3A : i32
      %convert_element_type3A = arith.extui %lt3A : i1 to i32
      %cond3A = arith.constant 0 : i32
      %cond3A_137 = arith.cmpi ne, %convert_element_type3A, %cond3A : i32
      scf.if %cond3A_137 {
        %add3A_162 = arith.constant 2 : i32
        %add3A_163 = arith.addi %add3A_122, %add3A_162 : i32
        %dma_start3A_164 = arith.constant 0 : i32
        %dma_start3A_165 = tpu.memref_slice %arg3[%add3A_163, %dma_start3A_164] : memref<2560x128xi32, #tpu.memory_space<hbm>> -> memref<1x128xi32, #tpu.memory_space<hbm>>
        %dma_start3A_166 = tpu.memref_squeeze %dma_start3A_165 : memref<1x128xi32, #tpu.memory_space<hbm>> -> memref<128xi32, #tpu.memory_space<hbm>>
        %dma_start3A_167 = arith.constant 0 : i32
        %dma_start3A_168 = tpu.memref_slice %arg3[%add3A_163, %dma_start3A_167] : memref<2560x128xi32, #tpu.memory_space<hbm>> -> memref<1x128xi32, #tpu.memory_space<hbm>>
        %dma_start3A_169 = tpu.memref_squeeze %dma_start3A_168 : memref<1x128xi32, #tpu.memory_space<hbm>> -> memref<128xi32, #tpu.memory_space<hbm>>
        tpu.enqueue_dma source(%dma_start3A_169 : memref<128xi32, #tpu.memory_space<hbm>>) target(%arg6 : memref<128xi32, #tpu.memory_space<vmem>>) target_semaphore(%arg13 : memref<!tpu.dma_semaphore, #tpu.memory_space<semaphore_mem>>)
        %dma_wait3A_170 = arith.constant 0 : i32
        %dma_wait3A_171 = arith.constant 0 : i32
        %dma_wait3A_172 = tpu.memref_slice %arg12[%dma_wait3A_170, %dma_wait3A_171] : memref<10240x128xf32, #tpu.memory_space<vmem_shared>> -> memref<10240x128xf32, #tpu.memory_space<vmem_shared>>
        tpu.wait_indirect_dma semaphore(%arg19 : memref<!tpu.dma_semaphore, #tpu.memory_space<semaphore_mem>>) src(%arg10 : memref<128x128xf32, #tpu.memory_space<vmem>>) dst(%dma_wait3A_172 : memref<10240x128xf32, #tpu.memory_space<vmem_shared>>)
        %add3A_173 = arith.constant 2 : i32
        %add3A_174 = arith.addi %add3A_122, %add3A_173 : i32
        %dma_start3A_175 = arith.constant 0 : i32
        %dma_start3A_176 = tpu.memref_slice %arg4[%add3A_174, %dma_start3A_175] : memref<2560x128xi32, #tpu.memory_space<hbm>> -> memref<1x128xi32, #tpu.memory_space<hbm>>
        %dma_start3A_177 = tpu.memref_squeeze %dma_start3A_176 : memref<1x128xi32, #tpu.memory_space<hbm>> -> memref<128xi32, #tpu.memory_space<hbm>>
        %dma_start3A_178 = arith.constant 0 : i32
        %dma_start3A_179 = tpu.memref_slice %arg4[%add3A_174, %dma_start3A_178] : memref<2560x128xi32, #tpu.memory_space<hbm>> -> memref<1x128xi32, #tpu.memory_space<hbm>>
        %dma_start3A_180 = tpu.memref_squeeze %dma_start3A_179 : memref<1x128xi32, #tpu.memory_space<hbm>> -> memref<128xi32, #tpu.memory_space<hbm>>
        tpu.enqueue_dma source(%dma_start3A_180 : memref<128xi32, #tpu.memory_space<hbm>>) target(%arg8 : memref<128xi32, #tpu.memory_space<vmem>>) target_semaphore(%arg15 : memref<!tpu.dma_semaphore, #tpu.memory_space<semaphore_mem>>)
        %add3A_181 = arith.constant 2 : i32
        %add3A_182 = arith.addi %add3A_122, %add3A_181 : i32
        %dma_wait3A_183 = arith.constant 0 : i32
        %dma_wait3A_184 = tpu.memref_slice %arg3[%add3A_182, %dma_wait3A_183] : memref<2560x128xi32, #tpu.memory_space<hbm>> -> memref<1x128xi32, #tpu.memory_space<hbm>>
        %dma_wait3A_185 = tpu.memref_squeeze %dma_wait3A_184 : memref<1x128xi32, #tpu.memory_space<hbm>> -> memref<128xi32, #tpu.memory_space<hbm>>
        %dma_wait3A_186 = arith.constant 0 : i32
        %dma_wait3A_187 = tpu.memref_slice %arg3[%add3A_182, %dma_wait3A_186] : memref<2560x128xi32, #tpu.memory_space<hbm>> -> memref<1x128xi32, #tpu.memory_space<hbm>>
        %dma_wait3A_188 = tpu.memref_squeeze %dma_wait3A_187 : memref<1x128xi32, #tpu.memory_space<hbm>> -> memref<128xi32, #tpu.memory_space<hbm>>
        tpu.wait_dma2 semaphore(%arg13 : memref<!tpu.dma_semaphore, #tpu.memory_space<semaphore_mem>>) src(%dma_wait3A_188 : memref<128xi32, #tpu.memory_space<hbm>>) dst(%arg6 : memref<128xi32, #tpu.memory_space<vmem>>)
        %dma_start3A_189 = arith.constant 0 : i32
        %dma_start3A_190 = arith.constant 0 : i32
        %dma_start3A_191 = tpu.memref_slice %arg2[%dma_start3A_189, %dma_start3A_190] : memref<10240x128xf32, #tpu.memory_space<hbm>> -> memref<10240x128xf32, #tpu.memory_space<hbm>>
        tpu.enqueue_indirect_dma source(%dma_start3A_191 : memref<10240x128xf32, #tpu.memory_space<hbm>>) target(%arg10 : memref<128x128xf32, #tpu.memory_space<vmem>>) offsets(%arg6 : memref<128xi32, #tpu.memory_space<vmem>>) semaphore(%arg17 : memref<!tpu.dma_semaphore, #tpu.memory_space<semaphore_mem>>)
      } else {
      }
      %mul3A_138 = arith.constant 2 : i32
      %mul3A_139 = arith.muli %while3A_116, %mul3A_138 : i32
      %add3A_140 = arith.constant 1 : i32
      %add3A_141 = arith.addi %mul3A_139, %add3A_140 : i32
      %add3A_142 = arith.addi %select_n3A_11, %add3A_141 : i32
      %dma_wait3A_143 = arith.constant 0 : i32
      %dma_wait3A_144 = arith.constant 0 : i32
      %dma_wait3A_145 = tpu.memref_slice %arg2[%dma_wait3A_143, %dma_wait3A_144] : memref<10240x128xf32, #tpu.memory_space<hbm>> -> memref<10240x128xf32, #tpu.memory_space<hbm>>
      tpu.wait_indirect_dma semaphore(%arg18 : memref<!tpu.dma_semaphore, #tpu.memory_space<semaphore_mem>>) src(%dma_wait3A_145 : memref<10240x128xf32, #tpu.memory_space<hbm>>) dst(%arg11 : memref<128x128xf32, #tpu.memory_space<vmem>>)
      %dma_wait3A_146 = arith.constant 0 : i32
      %dma_wait3A_147 = tpu.memref_slice %arg4[%add3A_142, %dma_wait3A_146] : memref<2560x128xi32, #tpu.memory_space<hbm>> -> memref<1x128xi32, #tpu.memory_space<hbm>>
      %dma_wait3A_148 = tpu.memref_squeeze %dma_wait3A_147 : memref<1x128xi32, #tpu.memory_space<hbm>> -> memref<128xi32, #tpu.memory_space<hbm>>
      %dma_wait3A_149 = arith.constant 0 : i32
      %dma_wait3A_150 = tpu.memref_slice %arg4[%add3A_142, %dma_wait3A_149] : memref<2560x128xi32, #tpu.memory_space<hbm>> -> memref<1x128xi32, #tpu.memory_space<hbm>>
      %dma_wait3A_151 = tpu.memref_squeeze %dma_wait3A_150 : memref<1x128xi32, #tpu.memory_space<hbm>> -> memref<128xi32, #tpu.memory_space<hbm>>
      tpu.wait_dma2 semaphore(%arg16 : memref<!tpu.dma_semaphore, #tpu.memory_space<semaphore_mem>>) src(%dma_wait3A_151 : memref<128xi32, #tpu.memory_space<hbm>>) dst(%arg9 : memref<128xi32, #tpu.memory_space<vmem>>)
      %dma_start3A_152 = arith.constant 0 : i32
      %dma_start3A_153 = arith.constant 0 : i32
      %dma_start3A_154 = tpu.memref_slice %arg12[%dma_start3A_152, %dma_start3A_153] : memref<10240x128xf32, #tpu.memory_space<vmem_shared>> -> memref<10240x128xf32, #tpu.memory_space<vmem_shared>>
      tpu.enqueue_indirect_dma source(%arg11 : memref<128x128xf32, #tpu.memory_space<vmem>>) target(%dma_start3A_154 : memref<10240x128xf32, #tpu.memory_space<vmem_shared>>) offsets(%arg9 : memref<128xi32, #tpu.memory_space<vmem>>) semaphore(%arg20 : memref<!tpu.dma_semaphore, #tpu.memory_space<semaphore_mem>>) {add = true}
      %add3A_155 = arith.constant 2 : i32
      %add3A_156 = arith.addi %add3A_141, %add3A_155 : i32
      %lt3A_157 = arith.cmpi slt, %add3A_156, %select_n3A : i32
      %convert_element_type3A_158 = arith.extui %lt3A_157 : i1 to i32
      %cond3A_159 = arith.constant 0 : i32
      %cond3A_160 = arith.cmpi ne, %convert_element_type3A_158, %cond3A_159 : i32
      scf.if %cond3A_160 {
        %add3A_162 = arith.constant 2 : i32
        %add3A_163 = arith.addi %add3A_142, %add3A_162 : i32
        %dma_start3A_164 = arith.constant 0 : i32
        %dma_start3A_165 = tpu.memref_slice %arg3[%add3A_163, %dma_start3A_164] : memref<2560x128xi32, #tpu.memory_space<hbm>> -> memref<1x128xi32, #tpu.memory_space<hbm>>
        %dma_start3A_166 = tpu.memref_squeeze %dma_start3A_165 : memref<1x128xi32, #tpu.memory_space<hbm>> -> memref<128xi32, #tpu.memory_space<hbm>>
        %dma_start3A_167 = arith.constant 0 : i32
        %dma_start3A_168 = tpu.memref_slice %arg3[%add3A_163, %dma_start3A_167] : memref<2560x128xi32, #tpu.memory_space<hbm>> -> memref<1x128xi32, #tpu.memory_space<hbm>>
        %dma_start3A_169 = tpu.memref_squeeze %dma_start3A_168 : memref<1x128xi32, #tpu.memory_space<hbm>> -> memref<128xi32, #tpu.memory_space<hbm>>
        tpu.enqueue_dma source(%dma_start3A_169 : memref<128xi32, #tpu.memory_space<hbm>>) target(%arg7 : memref<128xi32, #tpu.memory_space<vmem>>) target_semaphore(%arg14 : memref<!tpu.dma_semaphore, #tpu.memory_space<semaphore_mem>>)
        %dma_wait3A_170 = arith.constant 0 : i32
        %dma_wait3A_171 = arith.constant 0 : i32
        %dma_wait3A_172 = tpu.memref_slice %arg12[%dma_wait3A_170, %dma_wait3A_171] : memref<10240x128xf32, #tpu.memory_space<vmem_shared>> -> memref<10240x128xf32, #tpu.memory_space<vmem_shared>>
        tpu.wait_indirect_dma semaphore(%arg20 : memref<!tpu.dma_semaphore, #tpu.memory_space<semaphore_mem>>) src(%arg11 : memref<128x128xf32, #tpu.memory_space<vmem>>) dst(%dma_wait3A_172 : memref<10240x128xf32, #tpu.memory_space<vmem_shared>>)
        %add3A_173 = arith.constant 2 : i32
        %add3A_174 = arith.addi %add3A_142, %add3A_173 : i32
        %dma_start3A_175 = arith.constant 0 : i32
        %dma_start3A_176 = tpu.memref_slice %arg4[%add3A_174, %dma_start3A_175] : memref<2560x128xi32, #tpu.memory_space<hbm>> -> memref<1x128xi32, #tpu.memory_space<hbm>>
        %dma_start3A_177 = tpu.memref_squeeze %dma_start3A_176 : memref<1x128xi32, #tpu.memory_space<hbm>> -> memref<128xi32, #tpu.memory_space<hbm>>
        %dma_start3A_178 = arith.constant 0 : i32
        %dma_start3A_179 = tpu.memref_slice %arg4[%add3A_174, %dma_start3A_178] : memref<2560x128xi32, #tpu.memory_space<hbm>> -> memref<1x128xi32, #tpu.memory_space<hbm>>
        %dma_start3A_180 = tpu.memref_squeeze %dma_start3A_179 : memref<1x128xi32, #tpu.memory_space<hbm>> -> memref<128xi32, #tpu.memory_space<hbm>>
        tpu.enqueue_dma source(%dma_start3A_180 : memref<128xi32, #tpu.memory_space<hbm>>) target(%arg9 : memref<128xi32, #tpu.memory_space<vmem>>) target_semaphore(%arg16 : memref<!tpu.dma_semaphore, #tpu.memory_space<semaphore_mem>>)
        %add3A_181 = arith.constant 2 : i32
        %add3A_182 = arith.addi %add3A_142, %add3A_181 : i32
        %dma_wait3A_183 = arith.constant 0 : i32
        %dma_wait3A_184 = tpu.memref_slice %arg3[%add3A_182, %dma_wait3A_183] : memref<2560x128xi32, #tpu.memory_space<hbm>> -> memref<1x128xi32, #tpu.memory_space<hbm>>
        %dma_wait3A_185 = tpu.memref_squeeze %dma_wait3A_184 : memref<1x128xi32, #tpu.memory_space<hbm>> -> memref<128xi32, #tpu.memory_space<hbm>>
        %dma_wait3A_186 = arith.constant 0 : i32
        %dma_wait3A_187 = tpu.memref_slice %arg3[%add3A_182, %dma_wait3A_186] : memref<2560x128xi32, #tpu.memory_space<hbm>> -> memref<1x128xi32, #tpu.memory_space<hbm>>
        %dma_wait3A_188 = tpu.memref_squeeze %dma_wait3A_187 : memref<1x128xi32, #tpu.memory_space<hbm>> -> memref<128xi32, #tpu.memory_space<hbm>>
        tpu.wait_dma2 semaphore(%arg14 : memref<!tpu.dma_semaphore, #tpu.memory_space<semaphore_mem>>) src(%dma_wait3A_188 : memref<128xi32, #tpu.memory_space<hbm>>) dst(%arg7 : memref<128xi32, #tpu.memory_space<vmem>>)
        %dma_start3A_189 = arith.constant 0 : i32
        %dma_start3A_190 = arith.constant 0 : i32
        %dma_start3A_191 = tpu.memref_slice %arg2[%dma_start3A_189, %dma_start3A_190] : memref<10240x128xf32, #tpu.memory_space<hbm>> -> memref<10240x128xf32, #tpu.memory_space<hbm>>
        tpu.enqueue_indirect_dma source(%dma_start3A_191 : memref<10240x128xf32, #tpu.memory_space<hbm>>) target(%arg11 : memref<128x128xf32, #tpu.memory_space<vmem>>) offsets(%arg7 : memref<128xi32, #tpu.memory_space<vmem>>) semaphore(%arg18 : memref<!tpu.dma_semaphore, #tpu.memory_space<semaphore_mem>>)
      } else {
      }
      %while3A_161 = arith.constant 0 : i32
      scf.yield %while3A_161 : i32
    }
    %while3A_105 = arith.constant 1 : i32
    %while3A_106 = scf.for %while3A_116 = %while3A_102 to %while3A_98 step %while3A_105 iter_args(%while3A_117 = %while3A_104) -> (i32)  : i32 {
      %mul3A_118 = arith.constant 2 : i32
      %mul3A_119 = arith.muli %while3A_116, %mul3A_118 : i32
      %add3A_120 = arith.constant 0 : i32
      %add3A_121 = arith.addi %mul3A_119, %add3A_120 : i32
      %add3A_122 = arith.addi %select_n3A_11, %add3A_121 : i32
      %dma_wait3A_123 = arith.constant 0 : i32
      %dma_wait3A_124 = arith.constant 0 : i32
      %dma_wait3A_125 = tpu.memref_slice %arg2[%dma_wait3A_123, %dma_wait3A_124] : memref<10240x128xf32, #tpu.memory_space<hbm>> -> memref<10240x128xf32, #tpu.memory_space<hbm>>
      tpu.wait_indirect_dma semaphore(%arg17 : memref<!tpu.dma_semaphore, #tpu.memory_space<semaphore_mem>>) src(%dma_wait3A_125 : memref<10240x128xf32, #tpu.memory_space<hbm>>) dst(%arg10 : memref<128x128xf32, #tpu.memory_space<vmem>>)
      %dma_wait3A_126 = arith.constant 0 : i32
      %dma_wait3A_127 = tpu.memref_slice %arg4[%add3A_122, %dma_wait3A_126] : memref<2560x128xi32, #tpu.memory_space<hbm>> -> memref<1x128xi32, #tpu.memory_space<hbm>>
      %dma_wait3A_128 = tpu.memref_squeeze %dma_wait3A_127 : memref<1x128xi32, #tpu.memory_space<hbm>> -> memref<128xi32, #tpu.memory_space<hbm>>
      %dma_wait3A_129 = arith.constant 0 : i32
      %dma_wait3A_130 = tpu.memref_slice %arg4[%add3A_122, %dma_wait3A_129] : memref<2560x128xi32, #tpu.memory_space<hbm>> -> memref<1x128xi32, #tpu.memory_space<hbm>>
      %dma_wait3A_131 = tpu.memref_squeeze %dma_wait3A_130 : memref<1x128xi32, #tpu.memory_space<hbm>> -> memref<128xi32, #tpu.memory_space<hbm>>
      tpu.wait_dma2 semaphore(%arg15 : memref<!tpu.dma_semaphore, #tpu.memory_space<semaphore_mem>>) src(%dma_wait3A_131 : memref<128xi32, #tpu.memory_space<hbm>>) dst(%arg8 : memref<128xi32, #tpu.memory_space<vmem>>)
      %dma_start3A_132 = arith.constant 0 : i32
      %dma_start3A_133 = arith.constant 0 : i32
      %dma_start3A_134 = tpu.memref_slice %arg12[%dma_start3A_132, %dma_start3A_133] : memref<10240x128xf32, #tpu.memory_space<vmem_shared>> -> memref<10240x128xf32, #tpu.memory_space<vmem_shared>>
      tpu.enqueue_indirect_dma source(%arg10 : memref<128x128xf32, #tpu.memory_space<vmem>>) target(%dma_start3A_134 : memref<10240x128xf32, #tpu.memory_space<vmem_shared>>) offsets(%arg8 : memref<128xi32, #tpu.memory_space<vmem>>) semaphore(%arg19 : memref<!tpu.dma_semaphore, #tpu.memory_space<semaphore_mem>>) {add = true}
      %add3A_135 = arith.constant 2 : i32
      %add3A_136 = arith.addi %add3A_121, %add3A_135 : i32
      %lt3A = arith.cmpi slt, %add3A_136, %select_n3A : i32
      %convert_element_type3A = arith.extui %lt3A : i1 to i32
      %cond3A = arith.constant 0 : i32
      %cond3A_137 = arith.cmpi ne, %convert_element_type3A, %cond3A : i32
      scf.if %cond3A_137 {
        %add3A_162 = arith.constant 2 : i32
        %add3A_163 = arith.addi %add3A_122, %add3A_162 : i32
        %dma_start3A_164 = arith.constant 0 : i32
        %dma_start3A_165 = tpu.memref_slice %arg3[%add3A_163, %dma_start3A_164] : memref<2560x128xi32, #tpu.memory_space<hbm>> -> memref<1x128xi32, #tpu.memory_space<hbm>>
        %dma_start3A_166 = tpu.memref_squeeze %dma_start3A_165 : memref<1x128xi32, #tpu.memory_space<hbm>> -> memref<128xi32, #tpu.memory_space<hbm>>
        %dma_start3A_167 = arith.constant 0 : i32
        %dma_start3A_168 = tpu.memref_slice %arg3[%add3A_163, %dma_start3A_167] : memref<2560x128xi32, #tpu.memory_space<hbm>> -> memref<1x128xi32, #tpu.memory_space<hbm>>
        %dma_start3A_169 = tpu.memref_squeeze %dma_start3A_168 : memref<1x128xi32, #tpu.memory_space<hbm>> -> memref<128xi32, #tpu.memory_space<hbm>>
        tpu.enqueue_dma source(%dma_start3A_169 : memref<128xi32, #tpu.memory_space<hbm>>) target(%arg6 : memref<128xi32, #tpu.memory_space<vmem>>) target_semaphore(%arg13 : memref<!tpu.dma_semaphore, #tpu.memory_space<semaphore_mem>>)
        %dma_wait3A_170 = arith.constant 0 : i32
        %dma_wait3A_171 = arith.constant 0 : i32
        %dma_wait3A_172 = tpu.memref_slice %arg12[%dma_wait3A_170, %dma_wait3A_171] : memref<10240x128xf32, #tpu.memory_space<vmem_shared>> -> memref<10240x128xf32, #tpu.memory_space<vmem_shared>>
        tpu.wait_indirect_dma semaphore(%arg19 : memref<!tpu.dma_semaphore, #tpu.memory_space<semaphore_mem>>) src(%arg10 : memref<128x128xf32, #tpu.memory_space<vmem>>) dst(%dma_wait3A_172 : memref<10240x128xf32, #tpu.memory_space<vmem_shared>>)
        %add3A_173 = arith.constant 2 : i32
        %add3A_174 = arith.addi %add3A_122, %add3A_173 : i32
        %dma_start3A_175 = arith.constant 0 : i32
        %dma_start3A_176 = tpu.memref_slice %arg4[%add3A_174, %dma_start3A_175] : memref<2560x128xi32, #tpu.memory_space<hbm>> -> memref<1x128xi32, #tpu.memory_space<hbm>>
        %dma_start3A_177 = tpu.memref_squeeze %dma_start3A_176 : memref<1x128xi32, #tpu.memory_space<hbm>> -> memref<128xi32, #tpu.memory_space<hbm>>
        %dma_start3A_178 = arith.constant 0 : i32
        %dma_start3A_179 = tpu.memref_slice %arg4[%add3A_174, %dma_start3A_178] : memref<2560x128xi32, #tpu.memory_space<hbm>> -> memref<1x128xi32, #tpu.memory_space<hbm>>
        %dma_start3A_180 = tpu.memref_squeeze %dma_start3A_179 : memref<1x128xi32, #tpu.memory_space<hbm>> -> memref<128xi32, #tpu.memory_space<hbm>>
        tpu.enqueue_dma source(%dma_start3A_180 : memref<128xi32, #tpu.memory_space<hbm>>) target(%arg8 : memref<128xi32, #tpu.memory_space<vmem>>) target_semaphore(%arg15 : memref<!tpu.dma_semaphore, #tpu.memory_space<semaphore_mem>>)
        %add3A_181 = arith.constant 2 : i32
        %add3A_182 = arith.addi %add3A_122, %add3A_181 : i32
        %dma_wait3A_183 = arith.constant 0 : i32
        %dma_wait3A_184 = tpu.memref_slice %arg3[%add3A_182, %dma_wait3A_183] : memref<2560x128xi32, #tpu.memory_space<hbm>> -> memref<1x128xi32, #tpu.memory_space<hbm>>
        %dma_wait3A_185 = tpu.memref_squeeze %dma_wait3A_184 : memref<1x128xi32, #tpu.memory_space<hbm>> -> memref<128xi32, #tpu.memory_space<hbm>>
        %dma_wait3A_186 = arith.constant 0 : i32
        %dma_wait3A_187 = tpu.memref_slice %arg3[%add3A_182, %dma_wait3A_186] : memref<2560x128xi32, #tpu.memory_space<hbm>> -> memref<1x128xi32, #tpu.memory_space<hbm>>
        %dma_wait3A_188 = tpu.memref_squeeze %dma_wait3A_187 : memref<1x128xi32, #tpu.memory_space<hbm>> -> memref<128xi32, #tpu.memory_space<hbm>>
        tpu.wait_dma2 semaphore(%arg13 : memref<!tpu.dma_semaphore, #tpu.memory_space<semaphore_mem>>) src(%dma_wait3A_188 : memref<128xi32, #tpu.memory_space<hbm>>) dst(%arg6 : memref<128xi32, #tpu.memory_space<vmem>>)
        %dma_start3A_189 = arith.constant 0 : i32
        %dma_start3A_190 = arith.constant 0 : i32
        %dma_start3A_191 = tpu.memref_slice %arg2[%dma_start3A_189, %dma_start3A_190] : memref<10240x128xf32, #tpu.memory_space<hbm>> -> memref<10240x128xf32, #tpu.memory_space<hbm>>
        tpu.enqueue_indirect_dma source(%dma_start3A_191 : memref<10240x128xf32, #tpu.memory_space<hbm>>) target(%arg10 : memref<128x128xf32, #tpu.memory_space<vmem>>) offsets(%arg6 : memref<128xi32, #tpu.memory_space<vmem>>) semaphore(%arg17 : memref<!tpu.dma_semaphore, #tpu.memory_space<semaphore_mem>>)
      } else {
      }
      %mul3A_138 = arith.constant 2 : i32
      %mul3A_139 = arith.muli %while3A_116, %mul3A_138 : i32
      %add3A_140 = arith.constant 1 : i32
      %add3A_141 = arith.addi %mul3A_139, %add3A_140 : i32
      %add3A_142 = arith.addi %select_n3A_11, %add3A_141 : i32
      %dma_wait3A_143 = arith.constant 0 : i32
      %dma_wait3A_144 = arith.constant 0 : i32
      %dma_wait3A_145 = tpu.memref_slice %arg2[%dma_wait3A_143, %dma_wait3A_144] : memref<10240x128xf32, #tpu.memory_space<hbm>> -> memref<10240x128xf32, #tpu.memory_space<hbm>>
      tpu.wait_indirect_dma semaphore(%arg18 : memref<!tpu.dma_semaphore, #tpu.memory_space<semaphore_mem>>) src(%dma_wait3A_145 : memref<10240x128xf32, #tpu.memory_space<hbm>>) dst(%arg11 : memref<128x128xf32, #tpu.memory_space<vmem>>)
      %dma_wait3A_146 = arith.constant 0 : i32
      %dma_wait3A_147 = tpu.memref_slice %arg4[%add3A_142, %dma_wait3A_146] : memref<2560x128xi32, #tpu.memory_space<hbm>> -> memref<1x128xi32, #tpu.memory_space<hbm>>
      %dma_wait3A_148 = tpu.memref_squeeze %dma_wait3A_147 : memref<1x128xi32, #tpu.memory_space<hbm>> -> memref<128xi32, #tpu.memory_space<hbm>>
      %dma_wait3A_149 = arith.constant 0 : i32
      %dma_wait3A_150 = tpu.memref_slice %arg4[%add3A_142, %dma_wait3A_149] : memref<2560x128xi32, #tpu.memory_space<hbm>> -> memref<1x128xi32, #tpu.memory_space<hbm>>
      %dma_wait3A_151 = tpu.memref_squeeze %dma_wait3A_150 : memref<1x128xi32, #tpu.memory_space<hbm>> -> memref<128xi32, #tpu.memory_space<hbm>>
      tpu.wait_dma2 semaphore(%arg16 : memref<!tpu.dma_semaphore, #tpu.memory_space<semaphore_mem>>) src(%dma_wait3A_151 : memref<128xi32, #tpu.memory_space<hbm>>) dst(%arg9 : memref<128xi32, #tpu.memory_space<vmem>>)
      %dma_start3A_152 = arith.constant 0 : i32
      %dma_start3A_153 = arith.constant 0 : i32
      %dma_start3A_154 = tpu.memref_slice %arg12[%dma_start3A_152, %dma_start3A_153] : memref<10240x128xf32, #tpu.memory_space<vmem_shared>> -> memref<10240x128xf32, #tpu.memory_space<vmem_shared>>
      tpu.enqueue_indirect_dma source(%arg11 : memref<128x128xf32, #tpu.memory_space<vmem>>) target(%dma_start3A_154 : memref<10240x128xf32, #tpu.memory_space<vmem_shared>>) offsets(%arg9 : memref<128xi32, #tpu.memory_space<vmem>>) semaphore(%arg20 : memref<!tpu.dma_semaphore, #tpu.memory_space<semaphore_mem>>) {add = true}
      %add3A_155 = arith.constant 2 : i32
      %add3A_156 = arith.addi %add3A_141, %add3A_155 : i32
      %lt3A_157 = arith.cmpi slt, %add3A_156, %select_n3A : i32
      %convert_element_type3A_158 = arith.extui %lt3A_157 : i1 to i32
      %cond3A_159 = arith.constant 0 : i32
      %cond3A_160 = arith.cmpi ne, %convert_element_type3A_158, %cond3A_159 : i32
      scf.if %cond3A_160 {
        %add3A_162 = arith.constant 2 : i32
        %add3A_163 = arith.addi %add3A_142, %add3A_162 : i32
        %dma_start3A_164 = arith.constant 0 : i32
        %dma_start3A_165 = tpu.memref_slice %arg3[%add3A_163, %dma_start3A_164] : memref<2560x128xi32, #tpu.memory_space<hbm>> -> memref<1x128xi32, #tpu.memory_space<hbm>>
        %dma_start3A_166 = tpu.memref_squeeze %dma_start3A_165 : memref<1x128xi32, #tpu.memory_space<hbm>> -> memref<128xi32, #tpu.memory_space<hbm>>
        %dma_start3A_167 = arith.constant 0 : i32
        %dma_start3A_168 = tpu.memref_slice %arg3[%add3A_163, %dma_start3A_167] : memref<2560x128xi32, #tpu.memory_space<hbm>> -> memref<1x128xi32, #tpu.memory_space<hbm>>
        %dma_start3A_169 = tpu.memref_squeeze %dma_start3A_168 : memref<1x128xi32, #tpu.memory_space<hbm>> -> memref<128xi32, #tpu.memory_space<hbm>>
        tpu.enqueue_dma source(%dma_start3A_169 : memref<128xi32, #tpu.memory_space<hbm>>) target(%arg7 : memref<128xi32, #tpu.memory_space<vmem>>) target_semaphore(%arg14 : memref<!tpu.dma_semaphore, #tpu.memory_space<semaphore_mem>>)
        %dma_wait3A_170 = arith.constant 0 : i32
        %dma_wait3A_171 = arith.constant 0 : i32
        %dma_wait3A_172 = tpu.memref_slice %arg12[%dma_wait3A_170, %dma_wait3A_171] : memref<10240x128xf32, #tpu.memory_space<vmem_shared>> -> memref<10240x128xf32, #tpu.memory_space<vmem_shared>>
        tpu.wait_indirect_dma semaphore(%arg20 : memref<!tpu.dma_semaphore, #tpu.memory_space<semaphore_mem>>) src(%arg11 : memref<128x128xf32, #tpu.memory_space<vmem>>) dst(%dma_wait3A_172 : memref<10240x128xf32, #tpu.memory_space<vmem_shared>>)
        %add3A_173 = arith.constant 2 : i32
        %add3A_174 = arith.addi %add3A_142, %add3A_173 : i32
        %dma_start3A_175 = arith.constant 0 : i32
        %dma_start3A_176 = tpu.memref_slice %arg4[%add3A_174, %dma_start3A_175] : memref<2560x128xi32, #tpu.memory_space<hbm>> -> memref<1x128xi32, #tpu.memory_space<hbm>>
        %dma_start3A_177 = tpu.memref_squeeze %dma_start3A_176 : memref<1x128xi32, #tpu.memory_space<hbm>> -> memref<128xi32, #tpu.memory_space<hbm>>
        %dma_start3A_178 = arith.constant 0 : i32
        %dma_start3A_179 = tpu.memref_slice %arg4[%add3A_174, %dma_start3A_178] : memref<2560x128xi32, #tpu.memory_space<hbm>> -> memref<1x128xi32, #tpu.memory_space<hbm>>
        %dma_start3A_180 = tpu.memref_squeeze %dma_start3A_179 : memref<1x128xi32, #tpu.memory_space<hbm>> -> memref<128xi32, #tpu.memory_space<hbm>>
        tpu.enqueue_dma source(%dma_start3A_180 : memref<128xi32, #tpu.memory_space<hbm>>) target(%arg9 : memref<128xi32, #tpu.memory_space<vmem>>) target_semaphore(%arg16 : memref<!tpu.dma_semaphore, #tpu.memory_space<semaphore_mem>>)
        %add3A_181 = arith.constant 2 : i32
        %add3A_182 = arith.addi %add3A_142, %add3A_181 : i32
        %dma_wait3A_183 = arith.constant 0 : i32
        %dma_wait3A_184 = tpu.memref_slice %arg3[%add3A_182, %dma_wait3A_183] : memref<2560x128xi32, #tpu.memory_space<hbm>> -> memref<1x128xi32, #tpu.memory_space<hbm>>
        %dma_wait3A_185 = tpu.memref_squeeze %dma_wait3A_184 : memref<1x128xi32, #tpu.memory_space<hbm>> -> memref<128xi32, #tpu.memory_space<hbm>>
        %dma_wait3A_186 = arith.constant 0 : i32
        %dma_wait3A_187 = tpu.memref_slice %arg3[%add3A_182, %dma_wait3A_186] : memref<2560x128xi32, #tpu.memory_space<hbm>> -> memref<1x128xi32, #tpu.memory_space<hbm>>
        %dma_wait3A_188 = tpu.memref_squeeze %dma_wait3A_187 : memref<1x128xi32, #tpu.memory_space<hbm>> -> memref<128xi32, #tpu.memory_space<hbm>>
        tpu.wait_dma2 semaphore(%arg14 : memref<!tpu.dma_semaphore, #tpu.memory_space<semaphore_mem>>) src(%dma_wait3A_188 : memref<128xi32, #tpu.memory_space<hbm>>) dst(%arg7 : memref<128xi32, #tpu.memory_space<vmem>>)
        %dma_start3A_189 = arith.constant 0 : i32
        %dma_start3A_190 = arith.constant 0 : i32
        %dma_start3A_191 = tpu.memref_slice %arg2[%dma_start3A_189, %dma_start3A_190] : memref<10240x128xf32, #tpu.memory_space<hbm>> -> memref<10240x128xf32, #tpu.memory_space<hbm>>
        tpu.enqueue_indirect_dma source(%dma_start3A_191 : memref<10240x128xf32, #tpu.memory_space<hbm>>) target(%arg11 : memref<128x128xf32, #tpu.memory_space<vmem>>) offsets(%arg7 : memref<128xi32, #tpu.memory_space<vmem>>) semaphore(%arg18 : memref<!tpu.dma_semaphore, #tpu.memory_space<semaphore_mem>>)
      } else {
      }
      %while3A_161 = arith.constant 0 : i32
      scf.yield %while3A_161 : i32
    }
    %dma_wait3A_107 = arith.constant 0 : i32
    %dma_wait3A_108 = arith.constant 0 : i32
    %dma_wait3A_109 = tpu.memref_slice %arg12[%dma_wait3A_107, %dma_wait3A_108] : memref<10240x128xf32, #tpu.memory_space<vmem_shared>> -> memref<10240x128xf32, #tpu.memory_space<vmem_shared>>
    tpu.wait_indirect_dma semaphore(%arg19 : memref<!tpu.dma_semaphore, #tpu.memory_space<semaphore_mem>>) src(%arg10 : memref<128x128xf32, #tpu.memory_space<vmem>>) dst(%dma_wait3A_109 : memref<10240x128xf32, #tpu.memory_space<vmem_shared>>)
    %dma_wait3A_110 = arith.constant 0 : i32
    %dma_wait3A_111 = arith.constant 0 : i32
    %dma_wait3A_112 = tpu.memref_slice %arg12[%dma_wait3A_110, %dma_wait3A_111] : memref<10240x128xf32, #tpu.memory_space<vmem_shared>> -> memref<10240x128xf32, #tpu.memory_space<vmem_shared>>
    tpu.wait_indirect_dma semaphore(%arg20 : memref<!tpu.dma_semaphore, #tpu.memory_space<semaphore_mem>>) src(%arg11 : memref<128x128xf32, #tpu.memory_space<vmem>>) dst(%dma_wait3A_112 : memref<10240x128xf32, #tpu.memory_space<vmem_shared>>)
    %barrier3A_113 = arith.constant 0 : index
    tpu.barrier barrier_id(%barrier3A_113)
    %mul3A_114 = arith.constant 640 : i32
    %mul3A_115 = arith.muli %arg1, %mul3A_114 : i32
    "tpu.region"() ({
      %run_scoped3A = tpu.sem_alloc : memref<!tpu.dma_semaphore, #tpu.memory_space<semaphore_mem>>
      %dma_start3A_116 = arith.constant 0 : i32
      %dma_start3A_117 = arith.constant 0 : i32
      %dma_start3A_118 = tpu.memref_slice %arg5[%add3A, %dma_start3A_116, %dma_start3A_117] : memref<32x640x128xf32, #tpu.memory_space<hbm>> -> memref<1x640x128xf32, #tpu.memory_space<hbm>>
      %dma_start3A_119 = tpu.memref_squeeze %dma_start3A_118 : memref<1x640x128xf32, #tpu.memory_space<hbm>> -> memref<640x128xf32, #tpu.memory_space<hbm>>
      %dma_start3A_120 = arith.constant 0 : i32
      %dma_start3A_121 = tpu.memref_slice %arg12[%mul3A_115, %dma_start3A_120] : memref<10240x128xf32, #tpu.memory_space<vmem_shared>> -> memref<640x128xf32, #tpu.memory_space<vmem_shared>>
      tpu.enqueue_dma source(%dma_start3A_121 : memref<640x128xf32, #tpu.memory_space<vmem_shared>>) target(%dma_start3A_119 : memref<640x128xf32, #tpu.memory_space<hbm>>) target_semaphore(%run_scoped3A : memref<!tpu.dma_semaphore, #tpu.memory_space<semaphore_mem>>)
      %dma_wait3A_122 = arith.constant 0 : i32
      %dma_wait3A_123 = arith.constant 0 : i32
      %dma_wait3A_124 = tpu.memref_slice %arg5[%add3A, %dma_wait3A_122, %dma_wait3A_123] : memref<32x640x128xf32, #tpu.memory_space<hbm>> -> memref<1x640x128xf32, #tpu.memory_space<hbm>>
      %dma_wait3A_125 = tpu.memref_squeeze %dma_wait3A_124 : memref<1x640x128xf32, #tpu.memory_space<hbm>> -> memref<640x128xf32, #tpu.memory_space<hbm>>
      %dma_wait3A_126 = arith.constant 0 : i32
      %dma_wait3A_127 = tpu.memref_slice %arg12[%mul3A_115, %dma_wait3A_126] : memref<10240x128xf32, #tpu.memory_space<vmem_shared>> -> memref<640x128xf32, #tpu.memory_space<vmem_shared>>
      tpu.wait_dma2 semaphore(%run_scoped3A : memref<!tpu.dma_semaphore, #tpu.memory_space<semaphore_mem>>) src(%dma_wait3A_127 : memref<640x128xf32, #tpu.memory_space<vmem_shared>>) dst(%dma_wait3A_125 : memref<640x128xf32, #tpu.memory_space<hbm>>)
      tpu.yield
    }) : () -> ()
    return
  }
}

module attributes {stable_mosaic.version = 14 : i64} {
  func.func @_deg_combine_body(%arg0: memref<32x10240xf32, #tpu.memory_space<vmem>>, %arg1: memref<1x10240xf32, #tpu.memory_space<vmem>>, %arg2: memref<1x10240xf32, #tpu.memory_space<vmem>>) attributes {dimension_semantics = [], scalar_prefetch = 0 : i64, scratch_operands = 0 : i64, tpu.core_type = #tpu.core_type<tc>} {
    %get3A = arith.constant 0 : index
    %get3A_0 = arith.constant 0 : index
    %get3A_1 = vector.load %arg0[%get3A, %get3A_0] : memref<32x10240xf32, #tpu.memory_space<vmem>>, vector<32x10240xf32>
    %reduce_sum3A = arith.constant dense<0.000000e+00> : vector<10240xf32>
    %reduce_sum3A_2 = vector.multi_reduction <add>, %get3A_1, %reduce_sum3A [0] : vector<32x10240xf32> to vector<10240xf32>
    %broadcast_in_dim3A = vector.shape_cast %reduce_sum3A_2 : vector<10240xf32> to vector<1x10240xf32>
    %add3A = arith.constant 1.000000e+00 : f32
    %add3A_3 = vector.broadcast %add3A : f32 to vector<1x10240xf32>
    %add3A_4 = arith.addf %broadcast_in_dim3A, %add3A_3 : vector<1x10240xf32>
    %rsqrt3A = math.rsqrt %add3A_4 : vector<1x10240xf32>
    %swap3A = arith.constant 0 : index
    %swap3A_5 = arith.constant 0 : index
    %swap3A_6 = vector.load %arg1[%swap3A, %swap3A_5] : memref<1x10240xf32, #tpu.memory_space<vmem>>, vector<1x10240xf32>
    tpu.vector_store %arg1[%swap3A, %swap3A_5], %rsqrt3A {strides = array<i32>} : memref<1x10240xf32, #tpu.memory_space<vmem>>, vector<1x10240xf32>,
    %div3A = arith.constant 1.000000e+00 : f32
    %div3A_7 = vector.broadcast %div3A : f32 to vector<1x10240xf32>
    %div3A_8 = arith.divf %div3A_7, %add3A_4 : vector<1x10240xf32>
    %swap3A_9 = arith.constant 0 : index
    %swap3A_10 = arith.constant 0 : index
    %swap3A_11 = vector.load %arg2[%swap3A_9, %swap3A_10] : memref<1x10240xf32, #tpu.memory_space<vmem>>, vector<1x10240xf32>
    tpu.vector_store %arg2[%swap3A_9, %swap3A_10], %div3A_8 {strides = array<i32>} : memref<1x10240xf32, #tpu.memory_space<vmem>>, vector<1x10240xf32>,
    return
  }
}

module attributes {stable_mosaic.version = 14 : i64} {
  func.func @_mm1_body(%arg0: i32, %arg1: memref<512x128xf32, #tpu.memory_space<vmem>>, %arg2: memref<128x128xf32, #tpu.memory_space<vmem>>, %arg3: memref<512x1xf32, #tpu.memory_space<vmem>>, %arg4: memref<512x128xf32, #tpu.memory_space<vmem>>, %arg5: memref<512x128xf32, #tpu.memory_space<vmem>>) attributes {dimension_semantics = [#tpu.dimension_semantics<arbitrary>], iteration_bounds = array<i64: 20>, scalar_prefetch = 0 : i64, scratch_operands = 0 : i64, tpu.core_type = #tpu.core_type<tc>, window_params = [{transform_indices = @transform_0, window_bounds = array<i64: 512, 128>}, {pipeline_mode = #tpu.pipeline_mode<synchronous>, transform_indices = @transform_1, window_bounds = array<i64: 128, 128>}, {transform_indices = @transform_2, window_bounds = array<i64: 512, 1>}, {transform_indices = @transform_3, window_bounds = array<i64: 512, 128>}, {transform_indices = @transform_4, window_bounds = array<i64: 512, 128>}]} {
    %get3A = arith.constant 0 : index
    %get3A_0 = arith.constant 0 : index
    %get3A_1 = vector.load %arg1[%get3A, %get3A_0] : memref<512x128xf32, #tpu.memory_space<vmem>>, vector<512x128xf32>
    %get3A_2 = arith.constant 0 : index
    %get3A_3 = arith.constant 0 : index
    %get3A_4 = vector.load %arg2[%get3A_2, %get3A_3] : memref<128x128xf32, #tpu.memory_space<vmem>>, vector<128x128xf32>
    %dot_general3A = arith.constant dense<0.000000e+00> : vector<512x128xf32>
    %dot_general3A_5 = tpu.matmul %get3A_1, %get3A_4, %dot_general3A {dimension_numbers = #tpu.dot_dimension_numbers<[1], [0], [0], [1], [0, 0, 1, 1], [], []>, precision = #tpu.contract_precision<fp32>, transpose_lhs_hint = false} : vector<512x128xf32>, vector<128x128xf32>, vector<512x128xf32> -> vector<512x128xf32>
    %swap3A = arith.constant 0 : index
    %swap3A_6 = arith.constant 0 : index
    %swap3A_7 = vector.load %arg4[%swap3A, %swap3A_6] : memref<512x128xf32, #tpu.memory_space<vmem>>, vector<512x128xf32>
    tpu.vector_store %arg4[%swap3A, %swap3A_6], %dot_general3A_5 {strides = array<i32>} : memref<512x128xf32, #tpu.memory_space<vmem>>, vector<512x128xf32>,
    %get3A_8 = arith.constant 0 : index
    %get3A_9 = arith.constant 0 : index
    %get3A_10 = vector.load %arg3[%get3A_8, %get3A_9] : memref<512x1xf32, #tpu.memory_space<vmem>>, vector<512x1xf32>
    %mul3A = vector.broadcast %get3A_10 : vector<512x1xf32> to vector<512x128xf32>
    %mul3A_11 = arith.mulf %dot_general3A_5, %mul3A : vector<512x128xf32>
    %swap3A_12 = arith.constant 0 : index
    %swap3A_13 = arith.constant 0 : index
    %swap3A_14 = vector.load %arg5[%swap3A_12, %swap3A_13] : memref<512x128xf32, #tpu.memory_space<vmem>>, vector<512x128xf32>
    tpu.vector_store %arg5[%swap3A_12, %swap3A_13], %mul3A_11 {strides = array<i32>} : memref<512x128xf32, #tpu.memory_space<vmem>>, vector<512x128xf32>,
    return
  }
  func.func @transform_0(%arg0: i32) -> (i32, i32) {
    %c0_i32 = arith.constant 0 : i32
    %c0_i32_0 = arith.constant 0 : i32
    return %arg0, %c0_i32 : i32, i32
  }
  func.func @transform_1(%arg0: i32) -> (i32, i32) {
    %c0_i32 = arith.constant 0 : i32
    %c0_i32_0 = arith.constant 0 : i32
    %c0_i32_1 = arith.constant 0 : i32
    return %c0_i32, %c0_i32_0 : i32, i32
  }
  func.func @transform_2(%arg0: i32) -> (i32, i32) {
    %c0_i32 = arith.constant 0 : i32
    %c0_i32_0 = arith.constant 0 : i32
    return %arg0, %c0_i32 : i32, i32
  }
  func.func @transform_3(%arg0: i32) -> (i32, i32) {
    %c0_i32 = arith.constant 0 : i32
    %c0_i32_0 = arith.constant 0 : i32
    return %arg0, %c0_i32 : i32, i32
  }
  func.func @transform_4(%arg0: i32) -> (i32, i32) {
    %c0_i32 = arith.constant 0 : i32
    %c0_i32_0 = arith.constant 0 : i32
    return %arg0, %c0_i32 : i32, i32
  }
}

module attributes {stable_mosaic.version = 14 : i64} {
  func.func @_comb_body(%arg0: i32, %arg1: memref<512x128xf32, #tpu.memory_space<vmem>>, %arg2: memref<512x128xf32, #tpu.memory_space<vmem>>, %arg3: memref<512x128xf32, #tpu.memory_space<vmem>>, %arg4: memref<512x1xf32, #tpu.memory_space<vmem>>, %arg5: memref<512x1xf32, #tpu.memory_space<vmem>>, %arg6: memref<1x128xf32, #tpu.memory_space<vmem>>, %arg7: memref<128x128xf32, #tpu.memory_space<vmem>>, %arg8: memref<512x128xf32, #tpu.memory_space<vmem>>, %arg9: memref<512x128xf32, #tpu.memory_space<vmem>>) attributes {dimension_semantics = [#tpu.dimension_semantics<arbitrary>], iteration_bounds = array<i64: 20>, scalar_prefetch = 0 : i64, scratch_operands = 0 : i64, tpu.core_type = #tpu.core_type<tc>, window_params = [{transform_indices = @transform_0, window_bounds = array<i64: 512, 128>}, {transform_indices = @transform_1, window_bounds = array<i64: 512, 128>}, {transform_indices = @transform_2, window_bounds = array<i64: 512, 128>}, {transform_indices = @transform_3, window_bounds = array<i64: 512, 1>}, {transform_indices = @transform_4, window_bounds = array<i64: 512, 1>}, {pipeline_mode = #tpu.pipeline_mode<synchronous>, transform_indices = @transform_5, window_bounds = array<i64: 1, 128>}, {pipeline_mode = #tpu.pipeline_mode<synchronous>, transform_indices = @transform_6, window_bounds = array<i64: 128, 128>}, {transform_indices = @transform_7, window_bounds = array<i64: 512, 128>}, {transform_indices = @transform_8, window_bounds = array<i64: 512, 128>}]} {
    %get3A = arith.constant 0 : index
    %get3A_0 = arith.constant 0 : index
    %get3A_1 = vector.load %arg1[%get3A, %get3A_0] : memref<512x128xf32, #tpu.memory_space<vmem>>, vector<512x128xf32>
    %get3A_2 = arith.constant 0 : index
    %get3A_3 = arith.constant 0 : index
    %get3A_4 = vector.load %arg2[%get3A_2, %get3A_3] : memref<512x128xf32, #tpu.memory_space<vmem>>, vector<512x128xf32>
    %add3A = arith.addf %get3A_1, %get3A_4 : vector<512x128xf32>
    %get3A_5 = arith.constant 0 : index
    %get3A_6 = arith.constant 0 : index
    %get3A_7 = vector.load %arg4[%get3A_5, %get3A_6] : memref<512x1xf32, #tpu.memory_space<vmem>>, vector<512x1xf32>
    %mul3A = vector.broadcast %get3A_7 : vector<512x1xf32> to vector<512x128xf32>
    %mul3A_8 = arith.mulf %add3A, %mul3A : vector<512x128xf32>
    %get3A_9 = arith.constant 0 : index
    %get3A_10 = arith.constant 0 : index
    %get3A_11 = vector.load %arg3[%get3A_9, %get3A_10] : memref<512x128xf32, #tpu.memory_space<vmem>>, vector<512x128xf32>
    %get3A_12 = arith.constant 0 : index
    %get3A_13 = arith.constant 0 : index
    %get3A_14 = vector.load %arg5[%get3A_12, %get3A_13] : memref<512x1xf32, #tpu.memory_space<vmem>>, vector<512x1xf32>
    %mul3A_15 = vector.broadcast %get3A_14 : vector<512x1xf32> to vector<512x128xf32>
    %mul3A_16 = arith.mulf %get3A_11, %mul3A_15 : vector<512x128xf32>
    %add3A_17 = arith.addf %mul3A_8, %mul3A_16 : vector<512x128xf32>
    %get3A_18 = arith.constant 0 : index
    %get3A_19 = arith.constant 0 : index
    %get3A_20 = vector.load %arg6[%get3A_18, %get3A_19] : memref<1x128xf32, #tpu.memory_space<vmem>>, vector<1x128xf32>
    %add3A_21 = vector.broadcast %get3A_20 : vector<1x128xf32> to vector<512x128xf32>
    %add3A_22 = arith.addf %add3A_17, %add3A_21 : vector<512x128xf32>
    %max3A = arith.constant 0.000000e+00 : f32
    %max3A_23 = vector.broadcast %max3A : f32 to vector<512x128xf32>
    %max3A_24 = arith.maximumf %add3A_22, %max3A_23 : vector<512x128xf32>
    %get3A_25 = arith.constant 0 : index
    %get3A_26 = arith.constant 0 : index
    %get3A_27 = vector.load %arg7[%get3A_25, %get3A_26] : memref<128x128xf32, #tpu.memory_space<vmem>>, vector<128x128xf32>
    %dot_general3A = arith.constant dense<0.000000e+00> : vector<512x128xf32>
    %dot_general3A_28 = tpu.matmul %max3A_24, %get3A_27, %dot_general3A {dimension_numbers = #tpu.dot_dimension_numbers<[1], [0], [0], [1], [0, 0, 1, 1], [], []>, precision = #tpu.contract_precision<fp32>, transpose_lhs_hint = false} : vector<512x128xf32>, vector<128x128xf32>, vector<512x128xf32> -> vector<512x128xf32>
    %swap3A = arith.constant 0 : index
    %swap3A_29 = arith.constant 0 : index
    %swap3A_30 = vector.load %arg8[%swap3A, %swap3A_29] : memref<512x128xf32, #tpu.memory_space<vmem>>, vector<512x128xf32>
    tpu.vector_store %arg8[%swap3A, %swap3A_29], %dot_general3A_28 {strides = array<i32>} : memref<512x128xf32, #tpu.memory_space<vmem>>, vector<512x128xf32>,
    %get3A_31 = arith.constant 0 : index
    %get3A_32 = arith.constant 0 : index
    %get3A_33 = vector.load %arg4[%get3A_31, %get3A_32] : memref<512x1xf32, #tpu.memory_space<vmem>>, vector<512x1xf32>
    %mul3A_34 = vector.broadcast %get3A_33 : vector<512x1xf32> to vector<512x128xf32>
    %mul3A_35 = arith.mulf %dot_general3A_28, %mul3A_34 : vector<512x128xf32>
    %swap3A_36 = arith.constant 0 : index
    %swap3A_37 = arith.constant 0 : index
    %swap3A_38 = vector.load %arg9[%swap3A_36, %swap3A_37] : memref<512x128xf32, #tpu.memory_space<vmem>>, vector<512x128xf32>
    tpu.vector_store %arg9[%swap3A_36, %swap3A_37], %mul3A_35 {strides = array<i32>} : memref<512x128xf32, #tpu.memory_space<vmem>>, vector<512x128xf32>,
    return
  }
  func.func @transform_0(%arg0: i32) -> (i32, i32) {
    %c0_i32 = arith.constant 0 : i32
    %c0_i32_0 = arith.constant 0 : i32
    return %arg0, %c0_i32 : i32, i32
  }
  func.func @transform_1(%arg0: i32) -> (i32, i32) {
    %c0_i32 = arith.constant 0 : i32
    %c0_i32_0 = arith.constant 0 : i32
    return %arg0, %c0_i32 : i32, i32
  }
  func.func @transform_2(%arg0: i32) -> (i32, i32) {
    %c0_i32 = arith.constant 0 : i32
    %c0_i32_0 = arith.constant 0 : i32
    return %arg0, %c0_i32 : i32, i32
  }
  func.func @transform_3(%arg0: i32) -> (i32, i32) {
    %c0_i32 = arith.constant 0 : i32
    %c0_i32_0 = arith.constant 0 : i32
    return %arg0, %c0_i32 : i32, i32
  }
  func.func @transform_4(%arg0: i32) -> (i32, i32) {
    %c0_i32 = arith.constant 0 : i32
    %c0_i32_0 = arith.constant 0 : i32
    return %arg0, %c0_i32 : i32, i32
  }
  func.func @transform_5(%arg0: i32) -> (i32, i32) {
    %c0_i32 = arith.constant 0 : i32
    %c0_i32_0 = arith.constant 0 : i32
    %c0_i32_1 = arith.constant 0 : i32
    return %c0_i32, %c0_i32_0 : i32, i32
  }
  func.func @transform_6(%arg0: i32) -> (i32, i32) {
    %c0_i32 = arith.constant 0 : i32
    %c0_i32_0 = arith.constant 0 : i32
    %c0_i32_1 = arith.constant 0 : i32
    return %c0_i32, %c0_i32_0 : i32, i32
  }
  func.func @transform_7(%arg0: i32) -> (i32, i32) {
    %c0_i32 = arith.constant 0 : i32
    %c0_i32_0 = arith.constant 0 : i32
    return %arg0, %c0_i32 : i32, i32
  }
  func.func @transform_8(%arg0: i32) -> (i32, i32) {
    %c0_i32 = arith.constant 0 : i32
    %c0_i32_0 = arith.constant 0 : i32
    return %arg0, %c0_i32 : i32, i32
  }
}

module attributes {stable_mosaic.version = 14 : i64} {
  func.func @_final_body(%arg0: i32, %arg1: memref<512x128xf32, #tpu.memory_space<vmem>>, %arg2: memref<512x128xf32, #tpu.memory_space<vmem>>, %arg3: memref<512x128xf32, #tpu.memory_space<vmem>>, %arg4: memref<512x1xf32, #tpu.memory_space<vmem>>, %arg5: memref<512x1xf32, #tpu.memory_space<vmem>>, %arg6: memref<1x128xf32, #tpu.memory_space<vmem>>, %arg7: memref<512x128xf32, #tpu.memory_space<vmem>>) attributes {dimension_semantics = [#tpu.dimension_semantics<arbitrary>], iteration_bounds = array<i64: 20>, scalar_prefetch = 0 : i64, scratch_operands = 0 : i64, tpu.core_type = #tpu.core_type<tc>, window_params = [{transform_indices = @transform_0, window_bounds = array<i64: 512, 128>}, {transform_indices = @transform_1, window_bounds = array<i64: 512, 128>}, {transform_indices = @transform_2, window_bounds = array<i64: 512, 128>}, {transform_indices = @transform_3, window_bounds = array<i64: 512, 1>}, {transform_indices = @transform_4, window_bounds = array<i64: 512, 1>}, {pipeline_mode = #tpu.pipeline_mode<synchronous>, transform_indices = @transform_5, window_bounds = array<i64: 1, 128>}, {transform_indices = @transform_6, window_bounds = array<i64: 512, 128>}]} {
    %get3A = arith.constant 0 : index
    %get3A_0 = arith.constant 0 : index
    %get3A_1 = vector.load %arg1[%get3A, %get3A_0] : memref<512x128xf32, #tpu.memory_space<vmem>>, vector<512x128xf32>
    %get3A_2 = arith.constant 0 : index
    %get3A_3 = arith.constant 0 : index
    %get3A_4 = vector.load %arg2[%get3A_2, %get3A_3] : memref<512x128xf32, #tpu.memory_space<vmem>>, vector<512x128xf32>
    %add3A = arith.addf %get3A_1, %get3A_4 : vector<512x128xf32>
    %get3A_5 = arith.constant 0 : index
    %get3A_6 = arith.constant 0 : index
    %get3A_7 = vector.load %arg4[%get3A_5, %get3A_6] : memref<512x1xf32, #tpu.memory_space<vmem>>, vector<512x1xf32>
    %mul3A = vector.broadcast %get3A_7 : vector<512x1xf32> to vector<512x128xf32>
    %mul3A_8 = arith.mulf %add3A, %mul3A : vector<512x128xf32>
    %get3A_9 = arith.constant 0 : index
    %get3A_10 = arith.constant 0 : index
    %get3A_11 = vector.load %arg3[%get3A_9, %get3A_10] : memref<512x128xf32, #tpu.memory_space<vmem>>, vector<512x128xf32>
    %get3A_12 = arith.constant 0 : index
    %get3A_13 = arith.constant 0 : index
    %get3A_14 = vector.load %arg5[%get3A_12, %get3A_13] : memref<512x1xf32, #tpu.memory_space<vmem>>, vector<512x1xf32>
    %mul3A_15 = vector.broadcast %get3A_14 : vector<512x1xf32> to vector<512x128xf32>
    %mul3A_16 = arith.mulf %get3A_11, %mul3A_15 : vector<512x128xf32>
    %add3A_17 = arith.addf %mul3A_8, %mul3A_16 : vector<512x128xf32>
    %get3A_18 = arith.constant 0 : index
    %get3A_19 = arith.constant 0 : index
    %get3A_20 = vector.load %arg6[%get3A_18, %get3A_19] : memref<1x128xf32, #tpu.memory_space<vmem>>, vector<1x128xf32>
    %add3A_21 = vector.broadcast %get3A_20 : vector<1x128xf32> to vector<512x128xf32>
    %add3A_22 = arith.addf %add3A_17, %add3A_21 : vector<512x128xf32>
    %swap3A = arith.constant 0 : index
    %swap3A_23 = arith.constant 0 : index
    %swap3A_24 = vector.load %arg7[%swap3A, %swap3A_23] : memref<512x128xf32, #tpu.memory_space<vmem>>, vector<512x128xf32>
    tpu.vector_store %arg7[%swap3A, %swap3A_23], %add3A_22 {strides = array<i32>} : memref<512x128xf32, #tpu.memory_space<vmem>>, vector<512x128xf32>,
    return
  }
  func.func @transform_0(%arg0: i32) -> (i32, i32) {
    %c0_i32 = arith.constant 0 : i32
    %c0_i32_0 = arith.constant 0 : i32
    return %arg0, %c0_i32 : i32, i32
  }
  func.func @transform_1(%arg0: i32) -> (i32, i32) {
    %c0_i32 = arith.constant 0 : i32
    %c0_i32_0 = arith.constant 0 : i32
    return %arg0, %c0_i32 : i32, i32
  }
  func.func @transform_2(%arg0: i32) -> (i32, i32) {
    %c0_i32 = arith.constant 0 : i32
    %c0_i32_0 = arith.constant 0 : i32
    return %arg0, %c0_i32 : i32, i32
  }
  func.func @transform_3(%arg0: i32) -> (i32, i32) {
    %c0_i32 = arith.constant 0 : i32
    %c0_i32_0 = arith.constant 0 : i32
    return %arg0, %c0_i32 : i32, i32
  }
  func.func @transform_4(%arg0: i32) -> (i32, i32) {
    %c0_i32 = arith.constant 0 : i32
    %c0_i32_0 = arith.constant 0 : i32
    return %arg0, %c0_i32 : i32, i32
  }
  func.func @transform_5(%arg0: i32) -> (i32, i32) {
    %c0_i32 = arith.constant 0 : i32
    %c0_i32_0 = arith.constant 0 : i32
    %c0_i32_1 = arith.constant 0 : i32
    return %c0_i32, %c0_i32_0 : i32, i32
  }
  func.func @transform_6(%arg0: i32) -> (i32, i32) {
    %c0_i32 = arith.constant 0 : i32
    %c0_i32_0 = arith.constant 0 : i32
    return %arg0, %c0_i32 : i32, i32
  }
}

</mosaic_0001>

<sc_bundles>
// kernel: kernel.11.cloned.1.call-start
scs
__scs_entry_jumppad:
0x0: {  	(pc) =	sbr.rel $0x88, $3  }
0x1: {  	(tag) =	ssettag $0x0;
	lr =	simm.s32 $0x1  }
0x2: {  	[smem:$0x3F99] =	sst lr;
	_ =	strace $0xD0000000  }
0x3: {  	_ = 	snop  }
0x4: {  	_ = 	snop  }
0x5: {  	_ = 	snop  }
0x6: {  	_ = 	snop  }
0x7: {  	_ = 	snop  }
__scs_overlays_trampoline_lowered:
0x8: {  	[smem:$0x3FA8] =	sst s0  }
0x9: {  	[smem:$0x3FA9] =	sst s1  }
0xa: {  	[smem:$0x3FAA] =	sst s2  }
0xb: {  	[smem:$0x3FAB] =	sst s3  }
0xc: {  	[smem:$0x3FAC] =	sst s4  }
0xd: {  	[smem:$0x3FAD] =	sst s5  }
0xe: {  	[smem:$0x3FAE] =	sst s6  }
0xf: {  	[smem:$0x3FAF] =	sst s7  }
0x10: {  	[smem:$0x3FB0] =	sst s8  }
0x11: {  	[smem:$0x3FB1] =	sst s9;
	s0 =	simm.s32 @!p0 $0x0  }
0x12: {  	s1 =	sld [smem:$0x3F97];
	s0 =	simm.s32 @p0 $0x1  }
0x13: {  	[smem:$0x3FB2] =	sst s0;
	s0 =	simm.s32 @!p1 $0x0  }
0x14: {  	s2 =	sld [smem:$0x3F96];
	s0 =	simm.s32 @p1 $0x1  }
0x15: {  	[smem:$0x3FB3] =	sst s0;
	s0 =	simm.s32 @!p2 $0x0  }
0x16: {  	s3 =	sld [smem:$0x3FDB];
	s0 =	simm.s32 @p2 $0x1  }
0x17: {  	s4 =	simm.s32 $0x1BF5;
	[smem:$0x3FB5] =	sst s0  }
0x18: {  	s0 =	sld [smem:$0x3F98];
	_ =	swait.ge [sflag:s4], $0x0  }
0x19: {  	s7 =	sld [smem:$0x3F99]  }
0x1a: {  	s8 =	sadd.s32 $0xFFFFE003, lr  }
0x1b: {  	s9 =	sadd.s32 $0xFFFFFEF7, lr;
	s5 =	simm.s32 $0xFFFFFFFF;
	p2 =	slt.u32 s8, $0xFFFFF086  }
0x1c: {  	p1 =	slt.u32 s9, $0xF7A;
	s5 =	simm.s32 @!p2 $0x0  }
0x1d: {  	s5 =	simm.s32 @p1 $0x1;
	p0 =	seq.s32 s7, s2  }
0x1e: {  	s7 =	smul.u32 @!p0 $0xF7A, s2;
	p2 =	seq.s32 @!p0 s5, $0x0  }
0x1f: {  	s9 =	smul.u32 $0xF7A, s1;
	s8 =	simm.s32 @!p0 $0x1BF5;
	p2 =	por !p2, p0  }
0x20: {  	[sflag:s8] =	ssyncset.s32 @!p0 $0xFFFFF086;
	s6 =	sadd.s32 @!p0 s3, s7;
	s7 =	simm.s32 @!p0 $0x108  }
0x21: {  	s3 =	sadd.s32 s3, s9;
	s6 =	sadd.s32 @!p0 $0x88, s6;
	s7 =	simm.s32 @p2 $0x1082  }
0x22: {  	[simem:s7], [sflag:s8] =	dma.local @!p0 [hbm:s6], $0xF7A  }
0x23: {  	s9 =	sor.u32 $0xD0000000, s2;
	s6 =	simm.s32 $0x108;
	_ =	swait.ge @!p0 [sflag:s8], $0x0  }
0x24: {  	s3 =	sadd.s32 $0x88, s3;
	s6 =	simm.s32 @!p1 $0x1082;
	[sflag:s4] =	ssyncset.s32 $0xFFFFF086  }
0x25: {  	[simem:s6], [sflag:s4] =	dma.local [hbm:s3], $0xF7A  }
0x26: {  	[smem:$0x3F99] =	sst s1;
	(tag) =	ssettag s2;
	_ =	strace s9  }
0x27: {  	s1 =	sld [smem:$0x3FA9]  }
0x28: {  	s2 =	sld [smem:$0x3FAA]  }
0x29: {  	s4 =	sld [smem:$0x3FAC]  }
0x2a: {  	p0 =	seq.s32 s5, $0x0;
	s5 =	sld [smem:$0x3FAD]  }
0x2b: {  	s6 =	sld [smem:$0x3FAE]  }
0x2c: {  	s7 =	sld [smem:$0x3FAF]  }
0x2d: {  	s3 =	simm.s32 $0x108;
	s8 =	sld [smem:$0x3FB0]  }
0x2e: {  	s3 =	simm.s32 @!p0 $0x1082;
	s9 =	sld [smem:$0x3FB1]  }
0x2f: {  	lr =	sadd.s32 s0, s3;
	s0 =	sld [smem:$0x3FA8]  }
0x30: {  	s3 =	sld [smem:$0x3FAB]  }
0x31: {  	[smem:$0x3FB4] =	sst s10  }
0x32: {  	s10 =	sld [smem:$0x3FB2];
	_ =	sdelay $0x3  }
0x33: {  	p0 =	seq.s32 s10, $0x1;
	s10 =	sld [smem:$0x3FB4];
	_ =	sdelay $0x3  }
0x34: {  	[smem:$0x3FB4] =	sst s10  }
0x35: {  	s10 =	sld [smem:$0x3FB3];
	_ =	sdelay $0x3  }
0x36: {  	p1 =	seq.s32 s10, $0x1;
	s10 =	sld [smem:$0x3FB4];
	_ =	sdelay $0x3  }
0x37: {  	[smem:$0x3FB4] =	sst s10  }
0x38: {  	s10 =	sld [smem:$0x3FB5]  }
0x39: {  	_ = 	snop;
	(pc) =	sbr.ind lr, $3  }
0x3a: {  	_ = 	snop  }
0x3b: {  	_ = 	snop  }
0x3c: {  	p2 =	seq.s32 s10, $0x1;
	s10 =	sld [smem:$0x3FB4]  }
0x3d: {  	_ =	shalt  }
0x3e: {  	_ =	shalt  }
0x3f: {  	_ =	shalt  }
0x40: {  	_ =	shalt  }
0x41: {  	_ =	shalt  }
0x42: {  	_ =	shalt  }
0x43: {  	_ =	shalt  }
0x44: {  	_ =	shalt  }
0x45: {  	_ =	shalt  }
0x46: {  	_ =	shalt  }
0x47: {  	_ =	shalt  }
0x48: {  	_ =	shalt  }
0x49: {  	_ =	shalt  }
0x4a: {  	_ =	shalt  }
0x4b: {  	_ =	shalt  }
0x4c: {  	_ =	shalt  }
0x4d: {  	_ =	shalt  }
0x4e: {  	_ =	shalt  }
0x4f: {  	_ =	shalt  }
0x50: {  	_ =	shalt  }
0x51: {  	_ =	shalt  }
0x52: {  	_ =	shalt  }
0x53: {  	_ =	shalt  }
0x54: {  	_ =	shalt  }
0x55: {  	_ =	shalt  }
0x56: {  	_ =	shalt  }
0x57: {  	_ =	shalt  }
0x58: {  	_ =	shalt  }
0x59: {  	_ =	shalt  }
0x5a: {  	_ =	shalt  }
0x5b: {  	_ =	shalt  }
0x5c: {  	_ =	shalt  }
0x5d: {  	_ =	shalt  }
0x5e: {  	_ =	shalt  }
0x5f: {  	_ =	shalt  }
0x60: {  	_ =	shalt  }
0x61: {  	_ =	shalt  }
0x62: {  	_ =	shalt  }
0x63: {  	_ =	shalt  }
0x64: {  	_ =	shalt  }
0x65: {  	_ =	shalt  }
0x66: {  	_ =	shalt  }
0x67: {  	_ =	shalt  }
0x68: {  	_ =	shalt  }
0x69: {  	_ =	shalt  }
0x6a: {  	_ =	shalt  }
0x6b: {  	_ =	shalt  }
0x6c: {  	_ =	shalt  }
0x6d: {  	_ =	shalt  }
0x6e: {  	_ =	shalt  }
0x6f: {  	_ =	shalt  }
0x70: {  	_ =	shalt  }
0x71: {  	_ =	shalt  }
0x72: {  	_ =	shalt  }
0x73: {  	_ =	shalt  }
0x74: {  	_ =	shalt  }
0x75: {  	_ =	shalt  }
0x76: {  	_ =	shalt  }
0x77: {  	_ =	shalt  }
0x78: {  	_ =	shalt  }
0x79: {  	_ =	shalt  }
0x7a: {  	_ =	shalt  }
0x7b: {  	_ =	shalt  }
0x7c: {  	_ =	shalt  }
0x7d: {  	_ =	shalt  }
0x7e: {  	_ =	shalt  }
0x7f: {  	_ =	shalt  }
0x80: {  	_ =	shalt  }
0x81: {  	_ =	shalt  }
0x82: {  	_ =	shalt  }
0x83: {  	_ =	shalt  }
0x84: {  	_ =	shalt  }
0x85: {  	_ =	shalt  }
0x86: {  	_ =	shalt  }
0x87: {  	_ =	shalt  }
.Lfunc_end0:
.L_simem_size_0:
called_computation_lowered:
.L_overlay_start_0:
0x88: {  	s2 =	sld [smem:$0x3FD9]  }
0x89: {  	s3 =	sld [smem:$0x3FFE];
	_ =	sdelay $0x1  }
0x8a: {  	s1 =	srdreg.scid  }
0x8b: {  	s0 =	sand.u32 $0x1, s1  }
0x8c: {  	s16 =	sshll.u32 s0, $0xA;
	s2 =	sadd.s32 s3, s2  }
0x8d: {  	s2 =	sadd.s32 s2, s16  }
0x8e: {  	[smem:$0x3FC0] =	sst s2  }
0x8f: {  	_ = 	snop  }
0x90: {  	(tm) =	ssettm $0x1  }
0x91: {  	s17 =	sld [smem:$0x3FFB];
	_ =	sdelay $0x3  }
0x92: {  	_ =	strace s17  }
0x93: {  	s2 =	sld [smem:$0x3FFC];
	_ =	sdelay $0x3  }
0x94: {  	_ =	strace s2  }
0x95: {  	s2 =	sld [smem:$0x3FFD];
	_ =	sdelay $0x3  }
0x96: {  	_ =	strace s2  }
0x97: {  	_ =	strace $0x8FFFFFFF  }
0x98: {  	s18 =	sld [smem:$0x3FDB];
	_ =	sdelay $0x1  }
0x99: {  	s19 =	simm.s32 $_scs_section_size  }
0x9a: {  	s4 =	simm.s32 $_size__tile_overlayer_lowered;
	s5 =	simm.s32 $_tile_overlayer_lowered  }
0x9b: {  	s22 =	simm.s32 $0x1BFF;
	s21 =	sshll.u32 s5, $0x1;
	s2 =	sadd.s32 s19, s18  }
0x9c: {  	s6 =	simm.s32 $0x0;
	s20 =	sshll.u32 s4, $0x1;
	s4 =	sadd.s32 s21, s2  }
0x9d: {  	[timem:s6], [sflag:s22] =	dma.local [hbm:s4], s20  }
0x9e: {  	_ =	swait.ge [sflag:s22], s20  }
0x9f: {  	s3 =	ssub.s32 $0x0, s20;
	[sflag:s22] =	ssyncset.done $0x0  }
0xa0: {  	[sflag:s22] =	ssyncadd.s32 s3;
	_ =	sdelay $0x1  }
0xa1: {  	s23 =	simm.s32 $0x1B8B  }
0xa2: {  	_ =	swait.ge [sflag:s23], $0x1  }
0xa3: {  	[sflag:s23] =	ssyncset.done $0x0  }
0xa4: {  	s25 =	simm.s32 $0x1B8E;
	s24 =	sld [smem:$0x3FFE];
	[sflag:s23] =	ssyncadd.s32 $0xFFFFFFFF  }
0xa5: {  	s26 =	simm.s32 $execute0_lowered;
	[smem:$0x3FD2] =	sst s25  }
0xa6: {  	s4 =	sshll.u32 s26, $0x1;
	_ =	strace $0x80000046;
	[dreg:$0x1] =	wrdreg $0xFFFFFFFF  }
0xa7: {  	s28 =	simm.s32 $_size_execute0_lowered;
	s2 =	sadd.s32 s2, s4;
	[dreg:$0x0] =	wrdreg $0x0  }
0xa8: {  	s4 =	sshll.u32 s28, $0x1;
	[dreg:$0x2] =	wrdreg s2  }
0xa9: {  	[dreg:$0x3] =	wrdreg s4  }
0xaa: {  	[dreg:$0x4] =	wrdreg $0xC0  }
0xab: {  	_ =	task [dreg:s6], $0x5FFFF  }
0xac: {  	[dreg:$0x1] =	wrdreg $0xFFFFFFFF  }
0xad: {  	[dreg:$0x0] =	wrdreg $0x60  }
0xae: {  	[dreg:$0x2] =	wrdreg s24  }
0xaf: {  	[dreg:$0x3] =	wrdreg $0x9  }
0xb0: {  	_ =	task.clear_ibuf [dreg:s6], $0x4FFFF;
	_ =	strace $0x90000046  }
0xb1: {  	s29 =	simm.s32 $0x9;
	_ =	strace $0x80000048  }
0xb2: {  	_ =	swait.ge [sflag:s29], $0x1  }
0xb3: {  	[sflag:s29] =	ssyncadd.s32 $0xFFFFFFFF  }
0xb4: {  	_ =	strace $0x90000048  }
0xb5: {  	_ =	sfence  }
0xb6: {  	s30 =	sld [smem:$0x0];
	_ =	sdelay $0x2  }
0xb7: {  	s31 =	sshll.u32 s1, $0xD;
	s1 =	sshrl.u32 s1, $0x2  }
0xb8: {  	s3 =	sand.u32 $0x4000, s31;
	s1 =	sadd.s32 s1, s30  }
0xb9: {  	s0 =	sor.u32 s3, s0;
	s1 =	sshll.u32 s1, $0x11  }
0xba: {  	s0 =	sor.u32 s1, s0  }
0xbb: {  	s0 =	sadd.s32 $0x8F2B, s0  }
0xbc: {  	[sflag:s0] =	ssyncadd.remote.s32 $0x1  }
0xbd: {  	_ =	sfence.sel $0xFFFF  }
0xbe: {  	[dreg:$0x0] =	wrdreg $0xFFFFFFFF;
	(pc) =	sbr.abs _section_cstart, $3  }
0xbf: {  	[dreg:$0x1] =	wrdreg $0xFFFFFFFF  }
0xc0: {  	_ =	task.clear_ibuf [dreg:s6], $0x2FFFF;
	_ =	strace $0x9FFFFFFF  }
0xc1: {  	(tm) =	ssettm $0x7FFFFFFF  }
tec
execute0_lowered:
.L_overlay_start_1:
0x0: {  	(tag) =	ssettag $0x1  }
0x1: {  	s1 =	srdreg.scid;
	s0 =	stileid.u32  }
0x2: {  	s3 =	rddreg [dreg:$0x0];
	s8 =	simm.s32 $0x80;
	s9 =	simm.s32 $0x400  }
0x3: {  	s4 =	sand.u32 $0x1, s1;
	s2 =	sshll.u32 s0, $0x1;
	s1 =	rddreg [dreg:$0x1]  }
0x4: {  	s6 =	sshrl.u32 s0, $0x2;
	s5 =	sor.u32 s4, s2;
	s2 =	simm.s32 $0x0  }
0x5: {  	s6 =	smul.u32 $0x14000, s6;
	s4 =	ssub.s32 $0x2, s4;
	s7 =	sshll.u32 s5, $0x7  }
0x6: {  	[smem:$0x7FF] =	sst s2;
	s5 =	smul.u32 $0x500, s5;
	s7 =	sand.u32 $0x380, s7  }
0x7: {  	s31 =	sshrl.u32 s4, $0x1;
	_ =	strace $0x80000047;
	s6 =	sor.u32 s6, s7  }
0x8: {  	s5 =	sadd.s32 s5, s3;
	s7 =	ssub.s32 s4, s31;
	s6 =	sshrl.u32 s6, $0x3  }
0x9: {  	s6 =	sadd.s32 s6, s3;
	s3 =	sadd.s32 $0x3A00, s5;
	s5 =	smax.u32 s7, $0x1  }
0xa: {  	v0 =	vimm.f32 $0.0e+00;
	v1 =	vimm.f32 $1.000000000e+00;
	s7 =	simm.s32 $0x2800;
	s4 =	sadd.s32 $0xDA00, s6;
	s6 =	simm.s32 $0x1  }
.LBB2_1:
0xb: {  	s10 =	simm.s32 $0x40;
	s11 =	simm.s32 $0x0  }
.LBB2_2:
0xc: {  	p0 =	sne.s32 s10, $0x9FC0;
	[tilespmem:s11+$0x2800] =	vst v0;
	s11 =	smov.u32 s10;
	s10 =	sadd.s32 $0x40, s10  }
.Ltmp0:
0xd: {  	(pc) =	sbr.rel @p0 .LBB2_2-.Ltmp0, $2  }
0xe: {  	_ =	sdelay $0x2  }
0xf: {  	s11 =	sshra.s32 s11, $0x2  }
0x10: {  	[tilespmem:s11+$0x2800] =	vst v0;
	s10 =	simm.s32 $0x0  }
0x11: {  	[tilespmem:s10], [sflag:$0x1] =	stream.linear.gather [hbm4b:s3+s10], $0x2800, $0x38;
	[tilespmem:$0x5000] =	vst v63  }
0x12: {  	_ =	swait.ge [sflag:s6], $0x2800  }
0x13: {  	[sflag:s6] =	ssyncset.done $0x0  }
0x14: {  	[sflag:s6] =	ssyncadd.s32 $0xFFFFD800  }
.LBB2_4:
0x15: {  	s11 =	sshra.s32 s10, $0x2  }
0x16: {  	v2 =	vld [tilespmem:s11+$0x0];
	_ =	sdelay $0x7  }
0x17: {  	[tilespmem:v2+s7+$0x0] =	vst.idx.add.f32.msk $0xffff, v1  }
0x18: {  	v2 =	vld [tilespmem:s11+$0x10];
	_ =	sdelay $0x7  }
0x19: {  	[tilespmem:v2+s7+$0x0] =	vst.idx.add.f32.msk $0xffff, v1  }
0x1a: {  	v2 =	vld [tilespmem:s11+$0x20];
	_ =	sdelay $0x7  }
0x1b: {  	[tilespmem:v2+s7+$0x0] =	vst.idx.add.f32.msk $0xffff, v1  }
0x1c: {  	v2 =	vld [tilespmem:s11+$0x30];
	_ =	sdelay $0x7  }
0x1d: {  	[tilespmem:v2+s7+$0x0] =	vst.idx.add.f32.msk $0xffff, v1  }
0x1e: {  	v2 =	vld [tilespmem:s11+$0x40];
	_ =	sdelay $0x7  }
0x1f: {  	[tilespmem:v2+s7+$0x0] =	vst.idx.add.f32.msk $0xffff, v1  }
0x20: {  	v2 =	vld [tilespmem:s11+$0x50];
	_ =	sdelay $0x7  }
0x21: {  	[tilespmem:v2+s7+$0x0] =	vst.idx.add.f32.msk $0xffff, v1  }
0x22: {  	v2 =	vld [tilespmem:s11+$0x60];
	_ =	sdelay $0x7  }
0x23: {  	[tilespmem:v2+s7+$0x0] =	vst.idx.add.f32.msk $0xffff, v1  }
0x24: {  	v2 =	vld [tilespmem:s11+$0x70];
	_ =	sdelay $0x2  }
0x25: {  	p0 =	sne.s32 s10, $0x9E00  }
.Ltmp1:
0x26: {  	_ = 	snop;
	(pc) =	sbr.rel @p0 .LBB2_4-.Ltmp1, $2  }
0x27: {  	_ =	sdelay $0x2  }
0x28: {  	s10 =	sadd.s32 $0x200, s10;
	[tilespmem:v2+s7+$0x0] =	vst.idx.add.f32.msk $0xffff, v1  }
0x29: {  	s2 =	sadd.s32 $0x1, s2  }
0x2a: {  	p0 =	sne.s32 s2, s5  }
.Ltmp2:
0x2b: {  	_ = 	snop;
	(pc) =	sbr.rel @p0 .LBB2_1-.Ltmp2, $4  }
0x2c: {  	[hbm4b:s4+s8] =	stream.strided.scatter [tilespmem:s7], [sflag:$0x1], $0x2800, s9, s8, $0x38;
	[tilespmem:$0x5000] =	vst v63  }
0x2d: {  	_ =	swait.ge [sflag:s6], $0x2800  }
0x2e: {  	[sflag:s6] =	ssyncset.done $0x0  }
0x2f: {  	[sflag:s6] =	ssyncadd.s32 $0xFFFFD800  }
0x30: {  	_ =	sfence.sel $0x180000  }
0x31: {  	[bflag:$0x0] =	sbarrier.arrive $0xFFFF  }
0x32: {  	p0 =	sne.s32 s0, $0x0;
	_ =	strace $0x90000047  }
0x33: {  	s0 =	sadd.s32 @!p0 $0x100000, s1;
	[bflag:$0x2] =	sbarrier.arrive $0xFFFF  }
0x34: {  	[sflag:s0] =	ssyncadd.tile.s32 @!p0 $0x1;
	_ =	shalt  }
.Lfunc_end2:
_tile_overlayer_lowered:
.L_overlay_start_2:
0x35: {  	(tag) =	ssettag $0x2  }
0x36: {  	s0 =	rddreg [dreg:$0x0];
	s2 =	stileid.u32  }
0x37: {  	s1 =	rddreg [dreg:$0x1];
	p0 =	sne.s32 s2, $0x0  }
0x38: {  	s3 =	rddreg [dreg:$0x2];
	[bflag:$0x3] =	sbarrier.arrive $0xFFFF;
	s2 =	simm.s32 @!p0 $0x1C01  }
0x39: {  	[timem:s3], [sflag:s2] =	dma.local @!p0 [hbm:s0], s1  }
0x3a: {  	s0 =	simm.s32 @!p0 $0x1  }
0x3b: {  	_ =	swait.ge @!p0 [sflag:s0], s1  }
0x3c: {  	s1 =	ssub.s32 @!p0 $0x0, s1;
	[sflag:s0] =	ssyncset.done @!p0 $0x0  }
0x3d: {  	[sflag:s0] =	ssyncadd.s32 @!p0 s1  }
0x3e: {  	[bflag:$0x3] =	sbarrier.arrive $0xFFFF  }
0x3f: {  	_ =	shalt  }

// kernel: kernel.14.cloned.1.call-start
scs
__scs_entry_jumppad:
0x0: {  	(pc) =	sbr.rel $0x88, $3  }
0x1: {  	(tag) =	ssettag $0x0;
	lr =	simm.s32 $0x1  }
0x2: {  	[smem:$0x3F99] =	sst lr;
	_ =	strace $0xD0000000  }
0x3: {  	_ = 	snop  }
0x4: {  	_ = 	snop  }
0x5: {  	_ = 	snop  }
0x6: {  	_ = 	snop  }
0x7: {  	_ = 	snop  }
__scs_overlays_trampoline_lowered:
0x8: {  	[smem:$0x3FA8] =	sst s0  }
0x9: {  	[smem:$0x3FA9] =	sst s1  }
0xa: {  	[smem:$0x3FAA] =	sst s2  }
0xb: {  	[smem:$0x3FAB] =	sst s3  }
0xc: {  	[smem:$0x3FAC] =	sst s4  }
0xd: {  	[smem:$0x3FAD] =	sst s5  }
0xe: {  	[smem:$0x3FAE] =	sst s6  }
0xf: {  	[smem:$0x3FAF] =	sst s7  }
0x10: {  	[smem:$0x3FB0] =	sst s8  }
0x11: {  	[smem:$0x3FB1] =	sst s9;
	s0 =	simm.s32 @!p0 $0x0  }
0x12: {  	s1 =	sld [smem:$0x3F97];
	s0 =	simm.s32 @p0 $0x1  }
0x13: {  	[smem:$0x3FB2] =	sst s0;
	s0 =	simm.s32 @!p1 $0x0  }
0x14: {  	s2 =	sld [smem:$0x3F96];
	s0 =	simm.s32 @p1 $0x1  }
0x15: {  	[smem:$0x3FB3] =	sst s0;
	s0 =	simm.s32 @!p2 $0x0  }
0x16: {  	s3 =	sld [smem:$0x3FDB];
	s0 =	simm.s32 @p2 $0x1  }
0x17: {  	s4 =	simm.s32 $0x1BF5;
	[smem:$0x3FB5] =	sst s0  }
0x18: {  	s0 =	sld [smem:$0x3F98];
	_ =	swait.ge [sflag:s4], $0x0  }
0x19: {  	s7 =	sld [smem:$0x3F99]  }
0x1a: {  	s8 =	sadd.s32 $0xFFFFE003, lr  }
0x1b: {  	s9 =	sadd.s32 $0xFFFFFEF7, lr;
	s5 =	simm.s32 $0xFFFFFFFF;
	p2 =	slt.u32 s8, $0xFFFFF086  }
0x1c: {  	p1 =	slt.u32 s9, $0xF7A;
	s5 =	simm.s32 @!p2 $0x0  }
0x1d: {  	s5 =	simm.s32 @p1 $0x1;
	p0 =	seq.s32 s7, s2  }
0x1e: {  	s7 =	smul.u32 @!p0 $0xF7A, s2;
	p2 =	seq.s32 @!p0 s5, $0x0  }
0x1f: {  	s9 =	smul.u32 $0xF7A, s1;
	s8 =	simm.s32 @!p0 $0x1BF5;
	p2 =	por !p2, p0  }
0x20: {  	[sflag:s8] =	ssyncset.s32 @!p0 $0xFFFFF086;
	s6 =	sadd.s32 @!p0 s3, s7;
	s7 =	simm.s32 @!p0 $0x108  }
0x21: {  	s3 =	sadd.s32 s3, s9;
	s6 =	sadd.s32 @!p0 $0x88, s6;
	s7 =	simm.s32 @p2 $0x1082  }
0x22: {  	[simem:s7], [sflag:s8] =	dma.local @!p0 [hbm:s6], $0xF7A  }
0x23: {  	s9 =	sor.u32 $0xD0000000, s2;
	s6 =	simm.s32 $0x108;
	_ =	swait.ge @!p0 [sflag:s8], $0x0  }
0x24: {  	s3 =	sadd.s32 $0x88, s3;
	s6 =	simm.s32 @!p1 $0x1082;
	[sflag:s4] =	ssyncset.s32 $0xFFFFF086  }
0x25: {  	[simem:s6], [sflag:s4] =	dma.local [hbm:s3], $0xF7A  }
0x26: {  	[smem:$0x3F99] =	sst s1;
	(tag) =	ssettag s2;
	_ =	strace s9  }
0x27: {  	s1 =	sld [smem:$0x3FA9]  }
0x28: {  	s2 =	sld [smem:$0x3FAA]  }
0x29: {  	s4 =	sld [smem:$0x3FAC]  }
0x2a: {  	p0 =	seq.s32 s5, $0x0;
	s5 =	sld [smem:$0x3FAD]  }
0x2b: {  	s6 =	sld [smem:$0x3FAE]  }
0x2c: {  	s7 =	sld [smem:$0x3FAF]  }
0x2d: {  	s3 =	simm.s32 $0x108;
	s8 =	sld [smem:$0x3FB0]  }
0x2e: {  	s3 =	simm.s32 @!p0 $0x1082;
	s9 =	sld [smem:$0x3FB1]  }
0x2f: {  	lr =	sadd.s32 s0, s3;
	s0 =	sld [smem:$0x3FA8]  }
0x30: {  	s3 =	sld [smem:$0x3FAB]  }
0x31: {  	[smem:$0x3FB4] =	sst s10  }
0x32: {  	s10 =	sld [smem:$0x3FB2];
	_ =	sdelay $0x3  }
0x33: {  	p0 =	seq.s32 s10, $0x1;
	s10 =	sld [smem:$0x3FB4];
	_ =	sdelay $0x3  }
0x34: {  	[smem:$0x3FB4] =	sst s10  }
0x35: {  	s10 =	sld [smem:$0x3FB3];
	_ =	sdelay $0x3  }
0x36: {  	p1 =	seq.s32 s10, $0x1;
	s10 =	sld [smem:$0x3FB4];
	_ =	sdelay $0x3  }
0x37: {  	[smem:$0x3FB4] =	sst s10  }
0x38: {  	s10 =	sld [smem:$0x3FB5]  }
0x39: {  	_ = 	snop;
	(pc) =	sbr.ind lr, $3  }
0x3a: {  	_ = 	snop  }
0x3b: {  	_ = 	snop  }
0x3c: {  	p2 =	seq.s32 s10, $0x1;
	s10 =	sld [smem:$0x3FB4]  }
0x3d: {  	_ =	shalt  }
0x3e: {  	_ =	shalt  }
0x3f: {  	_ =	shalt  }
0x40: {  	_ =	shalt  }
0x41: {  	_ =	shalt  }
0x42: {  	_ =	shalt  }
0x43: {  	_ =	shalt  }
0x44: {  	_ =	shalt  }
0x45: {  	_ =	shalt  }
0x46: {  	_ =	shalt  }
0x47: {  	_ =	shalt  }
0x48: {  	_ =	shalt  }
0x49: {  	_ =	shalt  }
0x4a: {  	_ =	shalt  }
0x4b: {  	_ =	shalt  }
0x4c: {  	_ =	shalt  }
0x4d: {  	_ =	shalt  }
0x4e: {  	_ =	shalt  }
0x4f: {  	_ =	shalt  }
0x50: {  	_ =	shalt  }
0x51: {  	_ =	shalt  }
0x52: {  	_ =	shalt  }
0x53: {  	_ =	shalt  }
0x54: {  	_ =	shalt  }
0x55: {  	_ =	shalt  }
0x56: {  	_ =	shalt  }
0x57: {  	_ =	shalt  }
0x58: {  	_ =	shalt  }
0x59: {  	_ =	shalt  }
0x5a: {  	_ =	shalt  }
0x5b: {  	_ =	shalt  }
0x5c: {  	_ =	shalt  }
0x5d: {  	_ =	shalt  }
0x5e: {  	_ =	shalt  }
0x5f: {  	_ =	shalt  }
0x60: {  	_ =	shalt  }
0x61: {  	_ =	shalt  }
0x62: {  	_ =	shalt  }
0x63: {  	_ =	shalt  }
0x64: {  	_ =	shalt  }
0x65: {  	_ =	shalt  }
0x66: {  	_ =	shalt  }
0x67: {  	_ =	shalt  }
0x68: {  	_ =	shalt  }
0x69: {  	_ =	shalt  }
0x6a: {  	_ =	shalt  }
0x6b: {  	_ =	shalt  }
0x6c: {  	_ =	shalt  }
0x6d: {  	_ =	shalt  }
0x6e: {  	_ =	shalt  }
0x6f: {  	_ =	shalt  }
0x70: {  	_ =	shalt  }
0x71: {  	_ =	shalt  }
0x72: {  	_ =	shalt  }
0x73: {  	_ =	shalt  }
0x74: {  	_ =	shalt  }
0x75: {  	_ =	shalt  }
0x76: {  	_ =	shalt  }
0x77: {  	_ =	shalt  }
0x78: {  	_ =	shalt  }
0x79: {  	_ =	shalt  }
0x7a: {  	_ =	shalt  }
0x7b: {  	_ =	shalt  }
0x7c: {  	_ =	shalt  }
0x7d: {  	_ =	shalt  }
0x7e: {  	_ =	shalt  }
0x7f: {  	_ =	shalt  }
0x80: {  	_ =	shalt  }
0x81: {  	_ =	shalt  }
0x82: {  	_ =	shalt  }
0x83: {  	_ =	shalt  }
0x84: {  	_ =	shalt  }
0x85: {  	_ =	shalt  }
0x86: {  	_ =	shalt  }
0x87: {  	_ =	shalt  }
.Lfunc_end0:
.L_simem_size_0:
called_computation.1_lowered:
.L_overlay_start_0:
0x88: {  	s2 =	sld [smem:$0x3FD9]  }
0x89: {  	s3 =	sld [smem:$0x3FFE];
	_ =	sdelay $0x1  }
0x8a: {  	s1 =	srdreg.scid  }
0x8b: {  	s0 =	sand.u32 $0x1, s1  }
0x8c: {  	s17 =	sshll.u32 s0, $0xA;
	s2 =	sadd.s32 s3, s2  }
0x8d: {  	s2 =	sadd.s32 s2, s17  }
0x8e: {  	[smem:$0x3FC0] =	sst s2  }
0x8f: {  	_ = 	snop  }
0x90: {  	s2 =	sld [smem:$0x3FD0];
	(tm) =	ssettm $0x1  }
0x91: {  	s18 =	sld [smem:$0x3FFB];
	_ =	sdelay $0x3  }
0x92: {  	_ =	strace s18  }
0x93: {  	s3 =	sld [smem:$0x3FFC];
	_ =	sdelay $0x3  }
0x94: {  	_ =	strace s3  }
0x95: {  	s3 =	sld [smem:$0x3FFD];
	_ =	sdelay $0x3  }
0x96: {  	_ =	strace s3  }
0x97: {  	_ =	strace $0x8FFFFFFF  }
0x98: {  	s19 =	sld [smem:$0x3FDB];
	_ =	sdelay $0x1  }
0x99: {  	s4 =	simm.s32 $_scs_section_size  }
0x9a: {  	s5 =	simm.s32 $_size__tile_overlayer_lowered;
	s6 =	simm.s32 $_tile_overlayer_lowered  }
0x9b: {  	s22 =	simm.s32 $0x1BFF;
	s21 =	sshll.u32 s6, $0x1;
	s3 =	sadd.s32 s4, s19  }
0x9c: {  	s7 =	simm.s32 $0x0;
	s20 =	sshll.u32 s5, $0x1;
	s5 =	sadd.s32 s21, s3  }
0x9d: {  	[timem:s7], [sflag:s22] =	dma.local [hbm:s5], s20  }
0x9e: {  	_ =	swait.ge [sflag:s22], s20  }
0x9f: {  	s4 =	ssub.s32 $0x0, s20;
	[sflag:s22] =	ssyncset.done $0x0  }
0xa0: {  	[sflag:s22] =	ssyncadd.s32 s4;
	_ =	sdelay $0x1  }
0xa1: {  	s23 =	simm.s32 $0x1B8B  }
0xa2: {  	_ =	swait.ge [sflag:s23], $0x1  }
0xa3: {  	[sflag:s23] =	ssyncset.done $0x0  }
0xa4: {  	s25 =	simm.s32 $0x1B8E;
	s24 =	sld [smem:$0x3FFE];
	[sflag:s23] =	ssyncadd.s32 $0xFFFFFFFF  }
0xa5: {  	s26 =	simm.s32 $execute0_lowered;
	[smem:$0x3FD2] =	sst s25  }
0xa6: {  	s5 =	sshll.u32 s26, $0x1;
	_ =	strace $0x80000049;
	[dreg:$0x1] =	wrdreg $0xFFFFFFFF  }
0xa7: {  	s28 =	simm.s32 $_size_execute0_lowered;
	s3 =	sadd.s32 s3, s5;
	[dreg:$0x0] =	wrdreg $0x0  }
0xa8: {  	s5 =	sshll.u32 s28, $0x1;
	[dreg:$0x2] =	wrdreg s3  }
0xa9: {  	[dreg:$0x3] =	wrdreg s5  }
0xaa: {  	[dreg:$0x4] =	wrdreg $0xC0  }
0xab: {  	_ =	task [dreg:s7], $0x5FFFF  }
0xac: {  	[dreg:$0x1] =	wrdreg $0xFFFFFFFF  }
0xad: {  	[dreg:$0x0] =	wrdreg $0x60  }
0xae: {  	[dreg:$0x2] =	wrdreg s24  }
0xaf: {  	[dreg:$0x3] =	wrdreg s2  }
0xb0: {  	[dreg:$0x4] =	wrdreg $0x82000  }
0xb1: {  	[dreg:$0x5] =	wrdreg $0x9  }
0xb2: {  	_ =	task.clear_ibuf [dreg:s7], $0x6FFFF;
	_ =	strace $0x90000049  }
0xb3: {  	s29 =	simm.s32 $0x9;
	_ =	strace $0x8000004B  }
0xb4: {  	_ =	swait.ge [sflag:s29], $0x1  }
0xb5: {  	[sflag:s29] =	ssyncadd.s32 $0xFFFFFFFF  }
0xb6: {  	_ =	strace $0x9000004B  }
0xb7: {  	_ =	sfence  }
0xb8: {  	s30 =	sld [smem:$0x0];
	_ =	sdelay $0x2  }
0xb9: {  	s31 =	sshll.u32 s1, $0xD;
	s1 =	sshrl.u32 s1, $0x2  }
0xba: {  	s3 =	sand.u32 $0x4000, s31;
	s1 =	sadd.s32 s1, s30  }
0xbb: {  	s0 =	sor.u32 s3, s0;
	s1 =	sshll.u32 s1, $0x11  }
0xbc: {  	s0 =	sor.u32 s1, s0  }
0xbd: {  	s0 =	sadd.s32 $0x8F2B, s0  }
0xbe: {  	[sflag:s0] =	ssyncadd.remote.s32 $0x1  }
0xbf: {  	_ =	sfence.sel $0xFFFF  }
0xc0: {  	[dreg:$0x0] =	wrdreg $0xFFFFFFFF;
	(pc) =	sbr.abs _section_cstart, $3  }
0xc1: {  	[dreg:$0x1] =	wrdreg $0xFFFFFFFF  }
0xc2: {  	_ =	task.clear_ibuf [dreg:s7], $0x2FFFF;
	_ =	strace $0x9FFFFFFF  }
0xc3: {  	(tm) =	ssettm $0x7FFFFFFF  }
tec
execute0_lowered:
.L_overlay_start_1:
0x0: {  	(tag) =	ssettag $0x1  }
0x1: {  	s0 =	rddreg [dreg:$0x0]  }
0x2: {  	s2 =	rddreg [dreg:$0x1]  }
0x3: {  	s1 =	rddreg [dreg:$0x2];
	s4 =	srdreg.scid;
	s3 =	simm.s32 $0x0  }
0x4: {  	s12 =	stileid.u32;
	s28 =	simm.s32 $0x2;
	s29 =	simm.s32 $0x4200  }
0x5: {  	s30 =	simm.s32 $0x5;
	s31 =	simm.s32 $0x3;
	s5 =	sand.u32 $0x1, s4  }
0x6: {  	[smem:$0x7FF] =	sst s3;
	s4 =	sadd.s32 $0x49A00, s0;
	s10 =	smul.u32 $0x98, s12  }
0x7: {  	s8 =	sadd.s32 $0x17A00, s0;
	s11 =	sshll.u32 s12, $0x3;
	s26 =	smul.u32 $0x50000, s12  }
0x8: {  	s6 =	sshll.u32 s5, $0x4;
	_ =	strace $0x8000004A;
	s7 =	ssub.s32 $0x2, s5  }
0x9: {  	p0 =	seq.s32 s5, $0x0;
	s5 =	sor.u32 $0x980, s11;
	s6 =	sor.u32 s12, s6  }
0xa: {  	s9 =	sshrl.u32 s7, $0x1;
	s5 =	smov.u32 @p0 s10;
	s13 =	sshrl.u32 s26, $0x2  }
0xb: {  	s6 =	smul.u32 $0x2800, s6;
	s12 =	ssub.s32 s7, s9;
	s9 =	simm.s32 $0x98  }
0xc: {  	s10 =	sshll.u32 s5, $0x4;
	s5 =	sadd.s32 s13, s1;
	s9 =	simm.s32 @!p0 $0x8  }
0xd: {  	s14 =	sor.u32 $0x10, s10;
	s15 =	sadd.s32 s8, s10;
	s21 =	smax.u32 s12, $0x1  }
0xe: {  	s10 =	sadd.s32 s2, s10;
	s22 =	sadd.s32 $0x4000, s5;
	[dreg:$0x8] =	wrdreg s21  }
0xf: {  	s23 =	sadd.s32 $0x8000, s5;
	s24 =	sadd.s32 $0xC000, s5;
	[dreg:$0x9] =	wrdreg s22  }
0x10: {  	s25 =	sadd.s32 $0x10000, s5;
	s0 =	sadd.s32 s6, s0;
	[dreg:$0xa] =	wrdreg s23  }
0x11: {  	s8 =	sadd.s32 s8, s14;
	s2 =	sadd.s32 s2, s14;
	[dreg:$0xb] =	wrdreg s24  }
0x12: {  	s20 =	sshrl.u32 s9, $0x1;
	[dreg:$0xc] =	wrdreg s25;
	s16 =	sadd.s32 $0xFFFFFFFE, s9  }
0x13: {  	s17 =	sadd.s32 $0xFFFFFFFD, s9;
	[dreg:$0x4] =	wrdreg s10;
	s19 =	sadd.s32 $0x30, s10  }
0x14: {  	s18 =	smov.u32 s15;
	s21 =	simm.s32 $0x200;
	s22 =	simm.s32 $0x9  }
0x15: {  	s23 =	simm.s32 $0x100;
	s24 =	simm.s32 $0x80;
	[dreg:$0x5] =	wrdreg s8  }
0x16: {  	s25 =	simm.s32 $0x180;
	s9 =	simm.s32 $0x8;
	[dreg:$0x6] =	wrdreg s2  }
0x17: {  	s0 =	sadd.s32 $0x99A00, s0;
	s26 =	sadd.s32 $0xFFFFFFFF, s20;
	s20 =	sadd.s32 $0x30, s15  }
0x18: {  	s2 =	simm.s32 $0x4;
	s8 =	simm.s32 $0x7;
	[dreg:$0x7] =	wrdreg s0  }
0x19: {  	v0 =	vimm.f32 $0.0e+00;
	[dreg:$0xd] =	wrdreg s26;
	s26 =	simm.s32 $0x1;
	s0 =	simm.s32 $0x6  }
.LBB2_1:
0x1a: {  	s10 =	simm.s32 $0x0;
	s11 =	simm.s32 $0x200  }
.LBB2_2:
0x1b: {  	p0 =	sne.s32 s11, $0xFE00;
	[tilespmem:s10+$0x270] =	vst v0  }
0x1c: {  	[tilespmem:s10+$0x200] =	vst v0  }
0x1d: {  	[tilespmem:s10+$0x210] =	vst v0  }
.Ltmp0:
0x1e: {  	[tilespmem:s10+$0x220] =	vst v0;
	(pc) =	sbr.rel @p0 .LBB2_2-.Ltmp0, $4  }
0x1f: {  	[tilespmem:s10+$0x230] =	vst v0  }
0x20: {  	[tilespmem:s10+$0x240] =	vst v0  }
0x21: {  	[tilespmem:s10+$0x250] =	vst v0  }
0x22: {  	[tilespmem:s10+$0x260] =	vst v0;
	s10 =	sshra.s32 s11, $0x2;
	s11 =	sadd.s32 $0x200, s11  }
0x23: {  	[tilespmem:s10+$0x270] =	vst v0  }
0x24: {  	[tilespmem:s10+$0x200] =	vst v0  }
0x25: {  	[tilespmem:s10+$0x210] =	vst v0  }
0x26: {  	[tilespmem:s10+$0x220] =	vst v0  }
0x27: {  	[tilespmem:s10+$0x230] =	vst v0  }
0x28: {  	[tilespmem:s10+$0x240] =	vst v0  }
0x29: {  	[tilespmem:s10+$0x250] =	vst v0  }
0x2a: {  	[tilespmem:s10+$0x260] =	vst v0  }
0x2b: {  	[spmem:s5] =	stream.linear.scatter [tilespmem:s21], [sflag:$0x9], $0x4000, $0x38;
	[tilespmem:$0x1C200] =	vst v63  }
0x2c: {  	_ =	swait.ge [sflag:s22], $0x4000  }
0x2d: {  	[sflag:s22] =	ssyncset.done $0x0  }
0x2e: {  	s6 =	rddreg [dreg:$0x9];
	[sflag:s22] =	ssyncadd.s32 $0xFFFFC000  }
0x2f: {  	[spmem:s6] =	stream.linear.scatter [tilespmem:s21], [sflag:$0x9], $0x4000, $0x38;
	[tilespmem:$0x1C200] =	vst v63  }
0x30: {  	_ =	swait.ge [sflag:s22], $0x4000  }
0x31: {  	[sflag:s22] =	ssyncset.done $0x0  }
0x32: {  	s7 =	rddreg [dreg:$0xa];
	[sflag:s22] =	ssyncadd.s32 $0xFFFFC000  }
0x33: {  	[spmem:s7] =	stream.linear.scatter [tilespmem:s21], [sflag:$0x9], $0x4000, $0x38;
	[tilespmem:$0x1C200] =	vst v63  }
0x34: {  	_ =	swait.ge [sflag:s22], $0x4000  }
0x35: {  	[sflag:s22] =	ssyncset.done $0x0  }
0x36: {  	s10 =	rddreg [dreg:$0xb];
	[sflag:s22] =	ssyncadd.s32 $0xFFFFC000  }
0x37: {  	[spmem:s10] =	stream.linear.scatter [tilespmem:s21], [sflag:$0x9], $0x4000, $0x38;
	[tilespmem:$0x1C200] =	vst v63  }
0x38: {  	_ =	swait.ge [sflag:s22], $0x4000  }
0x39: {  	[sflag:s22] =	ssyncset.done $0x0  }
0x3a: {  	s11 =	rddreg [dreg:$0xc];
	[sflag:s22] =	ssyncadd.s32 $0xFFFFC000  }
0x3b: {  	[spmem:s11] =	stream.linear.scatter [tilespmem:s21], [sflag:$0x9], $0x4000, $0x38;
	[tilespmem:$0x1C200] =	vst v63  }
0x3c: {  	_ =	swait.ge [sflag:s22], $0x4000  }
0x3d: {  	[sflag:s22] =	ssyncset.done $0x0  }
0x3e: {  	[sflag:s22] =	ssyncadd.s32 $0xFFFFC000  }
0x3f: {  	s12 =	simm.s32 $0x0;
	[bflag:$0x0] =	sbarrier.arrive $0xFFFF  }
0x40: {  	[tilespmem:s12], [sflag:$0x1] =	stream.linear.gather [hbm4b:s18+s12], $0x80, $0x38;
	[tilespmem:$0x1C200] =	vst v63  }
0x41: {  	s7 =	rddreg [dreg:$0x4]  }
0x42: {  	[tilespmem:s23], [sflag:$0x3] =	stream.linear.gather [hbm4b:s7+s12], $0x80, $0x38;
	[tilespmem:$0x1C200] =	vst v63  }
0x43: {  	s13 =	rddreg [dreg:$0x5]  }
0x44: {  	[tilespmem:s24], [sflag:$0x2] =	stream.linear.gather [hbm4b:s13+s12], $0x80, $0x38;
	[tilespmem:$0x1C200] =	vst v63  }
0x45: {  	s14 =	rddreg [dreg:$0x6]  }
0x46: {  	[tilespmem:s25], [sflag:$0x4] =	stream.linear.gather [hbm4b:s14+s12], $0x80, $0x38;
	[tilespmem:$0x1C200] =	vst v63  }
0x47: {  	_ =	swait.ge [sflag:s26], $0x80  }
0x48: {  	[sflag:s26] =	ssyncset.done $0x0  }
0x49: {  	[sflag:s26] =	ssyncadd.s32 $0xFFFFFF80  }
0x4a: {  	[tilespmem:s21], [sflag:$0x5] =	stream.indirect.gather [hbm4b:s4+s24], $0x80, s12, s24, $0xb8;
	[tilespmem:$0x1C200] =	vst v63  }
0x4b: {  	_ =	swait.ge [sflag:s28], $0x80  }
0x4c: {  	[sflag:s28] =	ssyncset.done $0x0  }
0x4d: {  	[sflag:s28] =	ssyncadd.s32 $0xFFFFFF80  }
0x4e: {  	[tilespmem:s29], [sflag:$0x6] =	stream.indirect.gather [hbm4b:s4+s24], $0x80, s24, s24, $0xb8;
	[tilespmem:$0x1C200] =	vst v63  }
0x4f: {  	_ =	swait.ge [sflag:s30], $0x4000  }
0x50: {  	[sflag:s30] =	ssyncset.done $0x0  }
0x51: {  	[sflag:s30] =	ssyncadd.s32 $0xFFFFC000  }
0x52: {  	_ =	swait.ge [sflag:s31], $0x80  }
0x53: {  	[sflag:s31] =	ssyncset.done $0x0  }
0x54: {  	p0 =	sle.u32 s16, $0x0;
	[sflag:s31] =	ssyncadd.s32 $0xFFFFFF80  }
0x55: {  	[spmem:s1] =	stream.indirect.scatter.add.f32 [tilespmem:s21], [sflag:$0x7], $0x80, s23, s24, $0xb8;
	[tilespmem:$0x1C200] =	vst v63  }
0x56: {  	s6 =	sadd.s32 @!p0 $0xFFFFFFF0, s20;
	s10 =	simm.s32 @!p0 $0x0;
	s11 =	simm.s32 @!p0 $0x7  }
0x57: {  	[tilespmem:s10], [sflag:$0x1] =	stream.linear.gather @!p0 [hbm4b:s6+s10], $0x80, $0x38;
	[tilespmem:$0x1C200] =	vst v63  }
0x58: {  	_ =	swait.ge @!p0 [sflag:s11], $0x4000  }
0x59: {  	s12 =	simm.s32 @!p0 $0x100;
	[sflag:s11] =	ssyncset.done @!p0 $0x0  }
0x5a: {  	s6 =	simm.s32 @!p0 $0x1;
	[sflag:s11] =	ssyncadd.s32 @!p0 $0xFFFFC000;
	s11 =	sadd.s32 @!p0 $0xFFFFFFF0, s19  }
0x5b: {  	[tilespmem:s12], [sflag:$0x3] =	stream.linear.gather @!p0 [hbm4b:s11+s10], $0x80, $0x38;
	[tilespmem:$0x1C200] =	vst v63  }
0x5c: {  	_ =	swait.ge @!p0 [sflag:s6], $0x80  }
0x5d: {  	[sflag:s6] =	ssyncset.done @!p0 $0x0  }
0x5e: {  	s11 =	simm.s32 @!p0 $0x200;
	[sflag:s6] =	ssyncadd.s32 @!p0 $0xFFFFFF80;
	s6 =	simm.s32 @!p0 $0x80  }
0x5f: {  	[tilespmem:s11], [sflag:$0x5] =	stream.indirect.gather @!p0 [hbm4b:s4+s6], $0x80, s10, s6, $0xb8;
	[tilespmem:$0x1C200] =	vst v63  }
0x60: {  	_ =	swait.ge [sflag:s0], $0x4000  }
0x61: {  	[sflag:s0] =	ssyncset.done $0x0  }
0x62: {  	[sflag:s0] =	ssyncadd.s32 $0xFFFFC000  }
0x63: {  	_ =	swait.ge [sflag:s2], $0x80  }
0x64: {  	[sflag:s2] =	ssyncset.done $0x0  }
0x65: {  	p1 =	sle.u32 s17, $0x0;
	[sflag:s2] =	ssyncadd.s32 $0xFFFFFF80  }
0x66: {  	[spmem:s1] =	stream.indirect.scatter.add.f32 [tilespmem:s29], [sflag:$0x8], $0x80, s25, s24, $0xb8;
	[tilespmem:$0x1C200] =	vst v63  }
0x67: {  	s14 =	simm.s32 @!p1 $0x80;
	s6 =	simm.s32 @!p1 $0x0;
	s10 =	simm.s32 @!p1 $0x8  }
0x68: {  	[tilespmem:s14], [sflag:$0x2] =	stream.linear.gather @!p1 [hbm4b:s20+s6], $0x80, $0x38;
	[tilespmem:$0x1C200] =	vst v63  }
0x69: {  	_ =	swait.ge @!p1 [sflag:s10], $0x4000  }
0x6a: {  	s15 =	rddreg [dreg:$0xd]  }
0x6b: {  	s13 =	sadd.s32 $0xFFFFFFFF, s15  }
0x6c: {  	s12 =	simm.s32 @!p1 $0x2;
	[sflag:s10] =	ssyncset.done @!p1 $0x0;
	p0 =	sne.s32 s13, $0x0  }
.Ltmp1:
0x6d: {  	[sflag:s10] =	ssyncadd.s32 @!p1 $0xFFFFC000;
	s10 =	simm.s32 @!p1 $0x180;
	(pc) =	sbr.rel @!p0 .LBB2_5-.Ltmp1, $4  }
0x6e: {  	[tilespmem:s10], [sflag:$0x4] =	stream.linear.gather @!p1 [hbm4b:s19+s6], $0x80, $0x38;
	[tilespmem:$0x1C200] =	vst v63  }
0x6f: {  	_ =	swait.ge @!p1 [sflag:s12], $0x80  }
0x70: {  	s11 =	sadd.s32 $0x20, s20;
	s10 =	sadd.s32 $0x20, s19;
	[sflag:s12] =	ssyncset.done @!p1 $0x0  }
0x71: {  	s6 =	simm.s32 @!p1 $0x4200;
	[sflag:s12] =	ssyncadd.s32 @!p1 $0xFFFFFF80;
	s12 =	simm.s32 $0x2  }
.LBB2_4:
0x72: {  	[tilespmem:s6], [sflag:$0x6] =	stream.indirect.gather @!p1 [hbm4b:s4+s14], $0x80, s14, s14, $0xb8;
	[tilespmem:$0x1C200] =	vst v63  }
0x73: {  	s13 =	sadd.s32 $0xFFFFFFFF, s13;
	_ =	swait.ge [sflag:s30], $0x4000  }
0x74: {  	p0 =	sne.s32 s13, $0x0;
	[sflag:s30] =	ssyncset.done $0x0  }
0x75: {  	[sflag:s30] =	ssyncadd.s32 $0xFFFFC000  }
0x76: {  	_ =	swait.ge [sflag:s31], $0x80  }
0x77: {  	[sflag:s31] =	ssyncset.done $0x0  }
0x78: {  	p1 =	sge.u32 s12, s16;
	[sflag:s31] =	ssyncadd.s32 $0xFFFFFF80  }
0x79: {  	[spmem:s1] =	stream.indirect.scatter.add.f32 [tilespmem:s21], [sflag:$0x7], $0x80, s23, s24, $0xb8;
	[tilespmem:$0x1C200] =	vst v63  }
0x7a: {  	s6 =	sadd.s32 @!p1 $0xFFFFFFF0, s11;
	s14 =	simm.s32 @!p1 $0x0;
	s15 =	simm.s32 @!p1 $0x7  }
0x7b: {  	[tilespmem:s14], [sflag:$0x1] =	stream.linear.gather @!p1 [hbm4b:s6+s14], $0x80, $0x38;
	[tilespmem:$0x1C200] =	vst v63  }
0x7c: {  	_ =	swait.ge @!p1 [sflag:s15], $0x4000  }
0x7d: {  	s6 =	simm.s32 @!p1 $0x1;
	[sflag:s15] =	ssyncset.done @!p1 $0x0  }
0x7e: {  	s7 =	simm.s32 @!p1 $0x100;
	[sflag:s15] =	ssyncadd.s32 @!p1 $0xFFFFC000;
	s15 =	sadd.s32 @!p1 $0xFFFFFFF0, s10  }
0x7f: {  	[tilespmem:s7], [sflag:$0x3] =	stream.linear.gather @!p1 [hbm4b:s15+s14], $0x80, $0x38;
	[tilespmem:$0x1C200] =	vst v63  }
0x80: {  	_ =	swait.ge @!p1 [sflag:s6], $0x80  }
0x81: {  	[sflag:s6] =	ssyncset.done @!p1 $0x0  }
0x82: {  	s7 =	simm.s32 @!p1 $0x200;
	[sflag:s6] =	ssyncadd.s32 @!p1 $0xFFFFFF80;
	s6 =	simm.s32 @!p1 $0x80  }
0x83: {  	[tilespmem:s7], [sflag:$0x5] =	stream.indirect.gather @!p1 [hbm4b:s4+s6], $0x80, s14, s6, $0xb8;
	[tilespmem:$0x1C200] =	vst v63  }
0x84: {  	_ =	swait.ge [sflag:s0], $0x4000  }
0x85: {  	[sflag:s0] =	ssyncset.done $0x0  }
0x86: {  	[sflag:s0] =	ssyncadd.s32 $0xFFFFC000  }
0x87: {  	_ =	swait.ge [sflag:s2], $0x80  }
0x88: {  	[sflag:s2] =	ssyncset.done $0x0  }
0x89: {  	p1 =	sge.u32 s12, s17;
	[sflag:s2] =	ssyncadd.s32 $0xFFFFFF80  }
0x8a: {  	[spmem:s1] =	stream.indirect.scatter.add.f32 [tilespmem:s29], [sflag:$0x8], $0x80, s25, s24, $0xb8;
	[tilespmem:$0x1C200] =	vst v63  }
0x8b: {  	s6 =	simm.s32 @!p1 $0x0;
	s14 =	simm.s32 @!p1 $0x80;
	s7 =	simm.s32 @!p1 $0x8  }
0x8c: {  	[tilespmem:s14], [sflag:$0x2] =	stream.linear.gather @!p1 [hbm4b:s11+s6], $0x80, $0x38;
	[tilespmem:$0x1C200] =	vst v63  }
0x8d: {  	_ =	swait.ge @!p1 [sflag:s7], $0x4000  }
0x8e: {  	s15 =	simm.s32 @!p1 $0x2;
	[sflag:s7] =	ssyncset.done @!p1 $0x0  }
.Ltmp2:
0x8f: {  	[sflag:s7] =	ssyncadd.s32 @!p1 $0xFFFFC000;
	s7 =	simm.s32 @!p1 $0x180;
	(pc) =	sbr.rel @p0 .LBB2_4-.Ltmp2, $4  }
0x90: {  	[tilespmem:s7], [sflag:$0x4] =	stream.linear.gather @!p1 [hbm4b:s10+s6], $0x80, $0x38;
	[tilespmem:$0x1C200] =	vst v63  }
0x91: {  	_ =	swait.ge @!p1 [sflag:s15], $0x80  }
0x92: {  	s11 =	sadd.s32 $0x20, s11;
	s10 =	sadd.s32 $0x20, s10;
	[sflag:s15] =	ssyncset.done @!p1 $0x0  }
0x93: {  	s12 =	sadd.s32 $0x2, s12;
	s6 =	simm.s32 @!p1 $0x4200;
	[sflag:s15] =	ssyncadd.s32 @!p1 $0xFFFFFF80  }
.LBB2_5:
0x94: {  	[tilespmem:s6], [sflag:$0x6] =	stream.indirect.gather @!p1 [hbm4b:s4+s14], $0x80, s14, s14, $0xb8;
	[tilespmem:$0x1C200] =	vst v63  }
0x95: {  	_ =	swait.ge [sflag:s30], $0x4000  }
0x96: {  	[sflag:s30] =	ssyncset.done $0x0  }
0x97: {  	[sflag:s30] =	ssyncadd.s32 $0xFFFFC000  }
0x98: {  	_ =	swait.ge [sflag:s31], $0x80  }
0x99: {  	[sflag:s31] =	ssyncset.done $0x0  }
0x9a: {  	p0 =	sge.u32 s12, s16;
	[sflag:s31] =	ssyncadd.s32 $0xFFFFFF80  }
0x9b: {  	[spmem:s1] =	stream.indirect.scatter.add.f32 [tilespmem:s21], [sflag:$0x7], $0x80, s23, s24, $0xb8;
	[tilespmem:$0x1C200] =	vst v63  }
0x9c: {  	s6 =	sadd.s32 @!p0 $0xFFFFFFF0, s11;
	s7 =	simm.s32 @!p0 $0x0  }
0x9d: {  	[tilespmem:s7], [sflag:$0x1] =	stream.linear.gather @!p0 [hbm4b:s6+s7], $0x80, $0x38;
	[tilespmem:$0x1C200] =	vst v63  }
0x9e: {  	s6 =	simm.s32 @!p0 $0x7  }
0x9f: {  	_ =	swait.ge @!p0 [sflag:s6], $0x4000  }
0xa0: {  	[sflag:s6] =	ssyncset.done @!p0 $0x0  }
0xa1: {  	s13 =	simm.s32 @!p0 $0x100;
	[sflag:s6] =	ssyncadd.s32 @!p0 $0xFFFFC000;
	s6 =	sadd.s32 @!p0 $0xFFFFFFF0, s10  }
0xa2: {  	[tilespmem:s13], [sflag:$0x3] =	stream.linear.gather @!p0 [hbm4b:s6+s7], $0x80, $0x38;
	[tilespmem:$0x1C200] =	vst v63  }
0xa3: {  	s6 =	simm.s32 @!p0 $0x1  }
0xa4: {  	_ =	swait.ge @!p0 [sflag:s6], $0x80  }
0xa5: {  	[sflag:s6] =	ssyncset.done @!p0 $0x0  }
0xa6: {  	s13 =	simm.s32 @!p0 $0x200;
	[sflag:s6] =	ssyncadd.s32 @!p0 $0xFFFFFF80;
	s6 =	simm.s32 @!p0 $0x80  }
0xa7: {  	[tilespmem:s13], [sflag:$0x5] =	stream.indirect.gather @!p0 [hbm4b:s4+s6], $0x80, s7, s6, $0xb8;
	[tilespmem:$0x1C200] =	vst v63  }
0xa8: {  	_ =	swait.ge [sflag:s0], $0x4000  }
0xa9: {  	[sflag:s0] =	ssyncset.done $0x0  }
0xaa: {  	[sflag:s0] =	ssyncadd.s32 $0xFFFFC000  }
0xab: {  	_ =	swait.ge [sflag:s2], $0x80  }
0xac: {  	[sflag:s2] =	ssyncset.done $0x0  }
0xad: {  	p0 =	sge.u32 s12, s17;
	[sflag:s2] =	ssyncadd.s32 $0xFFFFFF80  }
0xae: {  	[spmem:s1] =	stream.indirect.scatter.add.f32 [tilespmem:s29], [sflag:$0x8], $0x80, s25, s24, $0xb8;
	[tilespmem:$0x1C200] =	vst v63  }
0xaf: {  	s6 =	simm.s32 @!p0 $0x0;
	s7 =	simm.s32 @!p0 $0x80  }
0xb0: {  	[tilespmem:s7], [sflag:$0x2] =	stream.linear.gather @!p0 [hbm4b:s11+s6], $0x80, $0x38;
	[tilespmem:$0x1C200] =	vst v63  }
0xb1: {  	s11 =	simm.s32 @!p0 $0x8  }
0xb2: {  	_ =	swait.ge @!p0 [sflag:s11], $0x4000  }
0xb3: {  	[sflag:s11] =	ssyncset.done @!p0 $0x0  }
0xb4: {  	[sflag:s11] =	ssyncadd.s32 @!p0 $0xFFFFC000;
	s11 =	simm.s32 @!p0 $0x180  }
0xb5: {  	[tilespmem:s11], [sflag:$0x4] =	stream.linear.gather @!p0 [hbm4b:s10+s6], $0x80, $0x38;
	[tilespmem:$0x1C200] =	vst v63  }
0xb6: {  	s6 =	simm.s32 @!p0 $0x2  }
0xb7: {  	_ =	swait.ge @!p0 [sflag:s6], $0x80  }
0xb8: {  	[sflag:s6] =	ssyncset.done @!p0 $0x0  }
0xb9: {  	[sflag:s6] =	ssyncadd.s32 @!p0 $0xFFFFFF80;
	s6 =	simm.s32 @!p0 $0x4200  }
0xba: {  	[tilespmem:s6], [sflag:$0x6] =	stream.indirect.gather @!p0 [hbm4b:s4+s7], $0x80, s7, s7, $0xb8;
	[tilespmem:$0x1C200] =	vst v63  }
0xbb: {  	_ =	swait.ge [sflag:s8], $0x4000  }
0xbc: {  	[sflag:s8] =	ssyncset.done $0x0  }
0xbd: {  	[sflag:s8] =	ssyncadd.s32 $0xFFFFC000  }
0xbe: {  	_ =	swait.ge [sflag:s9], $0x4000  }
0xbf: {  	[sflag:s9] =	ssyncset.done $0x0  }
0xc0: {  	s12 =	stileid.u32;
	[sflag:s9] =	ssyncadd.s32 $0xFFFFC000  }
0xc1: {  	s6 =	sshll.u32 s12, $0x6;
	[bflag:$0x0] =	sbarrier.arrive $0xFFFF  }
0xc2: {  	s13 =	sshrl.u32 s5, $0x3;
	s6 =	sor.u32 $0x1C09, s6;
	s14 =	rddreg [dreg:$0x7]  }
0xc3: {  	[hbm:s14], [sflag:s6] =	dma.local [spmem:s13], $0x2800  }
0xc4: {  	_ =	swait.ge [sflag:s22], $0x2800  }
0xc5: {  	s3 =	sadd.s32 $0x1, s3;
	s15 =	rddreg [dreg:$0x8]  }
0xc6: {  	p0 =	sne.s32 s3, s15  }
.Ltmp3:
0xc7: {  	_ = 	snop;
	(pc) =	sbr.rel @p0 .LBB2_1-.Ltmp3, $3  }
0xc8: {  	_ =	sdelay $0x1  }
0xc9: {  	[sflag:s22] =	ssyncset.done $0x0  }
0xca: {  	[sflag:s22] =	ssyncadd.s32 $0xFFFFD800  }
0xcb: {  	_ =	sfence.sel $0x180000  }
0xcc: {  	[bflag:$0x0] =	sbarrier.arrive $0xFFFF  }
0xcd: {  	_ =	strace $0x9000004A  }
0xce: {  	s0 =	stileid.u32;
	[bflag:$0x2] =	sbarrier.arrive $0xFFFF  }
0xcf: {  	p0 =	sne.s32 s0, $0x0;
	s0 =	rddreg [dreg:$0x3]  }
0xd0: {  	s0 =	sadd.s32 @!p0 $0x100000, s0  }
0xd1: {  	[sflag:s0] =	ssyncadd.tile.s32 @!p0 $0x1;
	_ =	shalt  }
.Lfunc_end2:
_tile_overlayer_lowered:
.L_overlay_start_2:
0xd2: {  	(tag) =	ssettag $0x2  }
0xd3: {  	s0 =	rddreg [dreg:$0x0];
	s2 =	stileid.u32  }
0xd4: {  	s1 =	rddreg [dreg:$0x1];
	p0 =	sne.s32 s2, $0x0  }
0xd5: {  	s3 =	rddreg [dreg:$0x2];
	[bflag:$0x3] =	sbarrier.arrive $0xFFFF;
	s2 =	simm.s32 @!p0 $0x1C09  }
0xd6: {  	[timem:s3], [sflag:s2] =	dma.local @!p0 [hbm:s0], s1  }
0xd7: {  	s0 =	simm.s32 @!p0 $0x9  }
0xd8: {  	_ =	swait.ge @!p0 [sflag:s0], s1  }
0xd9: {  	s1 =	ssub.s32 @!p0 $0x0, s1;
	[sflag:s0] =	ssyncset.done @!p0 $0x0  }
0xda: {  	[sflag:s0] =	ssyncadd.s32 @!p0 s1  }
0xdb: {  	[bflag:$0x3] =	sbarrier.arrive $0xFFFF  }
0xdc: {  	_ =	shalt  }

// kernel: kernel.17.cloned.1.call-start
scs
__scs_entry_jumppad:
0x0: {  	(pc) =	sbr.rel $0x88, $3  }
0x1: {  	(tag) =	ssettag $0x0;
	lr =	simm.s32 $0x1  }
0x2: {  	[smem:$0x3F99] =	sst lr;
	_ =	strace $0xD0000000  }
0x3: {  	_ = 	snop  }
0x4: {  	_ = 	snop  }
0x5: {  	_ = 	snop  }
0x6: {  	_ = 	snop  }
0x7: {  	_ = 	snop  }
__scs_overlays_trampoline_lowered:
0x8: {  	[smem:$0x3FA8] =	sst s0  }
0x9: {  	[smem:$0x3FA9] =	sst s1  }
0xa: {  	[smem:$0x3FAA] =	sst s2  }
0xb: {  	[smem:$0x3FAB] =	sst s3  }
0xc: {  	[smem:$0x3FAC] =	sst s4  }
0xd: {  	[smem:$0x3FAD] =	sst s5  }
0xe: {  	[smem:$0x3FAE] =	sst s6  }
0xf: {  	[smem:$0x3FAF] =	sst s7  }
0x10: {  	[smem:$0x3FB0] =	sst s8  }
0x11: {  	[smem:$0x3FB1] =	sst s9;
	s0 =	simm.s32 @!p0 $0x0  }
0x12: {  	s1 =	sld [smem:$0x3F97];
	s0 =	simm.s32 @p0 $0x1  }
0x13: {  	[smem:$0x3FB2] =	sst s0;
	s0 =	simm.s32 @!p1 $0x0  }
0x14: {  	s2 =	sld [smem:$0x3F96];
	s0 =	simm.s32 @p1 $0x1  }
0x15: {  	[smem:$0x3FB3] =	sst s0;
	s0 =	simm.s32 @!p2 $0x0  }
0x16: {  	s3 =	sld [smem:$0x3FDB];
	s0 =	simm.s32 @p2 $0x1  }
0x17: {  	s4 =	simm.s32 $0x1BF5;
	[smem:$0x3FB5] =	sst s0  }
0x18: {  	s0 =	sld [smem:$0x3F98];
	_ =	swait.ge [sflag:s4], $0x0  }
0x19: {  	s7 =	sld [smem:$0x3F99]  }
0x1a: {  	s8 =	sadd.s32 $0xFFFFE003, lr  }
0x1b: {  	s9 =	sadd.s32 $0xFFFFFEF7, lr;
	s5 =	simm.s32 $0xFFFFFFFF;
	p2 =	slt.u32 s8, $0xFFFFF086  }
0x1c: {  	p1 =	slt.u32 s9, $0xF7A;
	s5 =	simm.s32 @!p2 $0x0  }
0x1d: {  	s5 =	simm.s32 @p1 $0x1;
	p0 =	seq.s32 s7, s2  }
0x1e: {  	s7 =	smul.u32 @!p0 $0xF7A, s2;
	p2 =	seq.s32 @!p0 s5, $0x0  }
0x1f: {  	s9 =	smul.u32 $0xF7A, s1;
	s8 =	simm.s32 @!p0 $0x1BF5;
	p2 =	por !p2, p0  }
0x20: {  	[sflag:s8] =	ssyncset.s32 @!p0 $0xFFFFF086;
	s6 =	sadd.s32 @!p0 s3, s7;
	s7 =	simm.s32 @!p0 $0x108  }
0x21: {  	s3 =	sadd.s32 s3, s9;
	s6 =	sadd.s32 @!p0 $0x88, s6;
	s7 =	simm.s32 @p2 $0x1082  }
0x22: {  	[simem:s7], [sflag:s8] =	dma.local @!p0 [hbm:s6], $0xF7A  }
0x23: {  	s9 =	sor.u32 $0xD0000000, s2;
	s6 =	simm.s32 $0x108;
	_ =	swait.ge @!p0 [sflag:s8], $0x0  }
0x24: {  	s3 =	sadd.s32 $0x88, s3;
	s6 =	simm.s32 @!p1 $0x1082;
	[sflag:s4] =	ssyncset.s32 $0xFFFFF086  }
0x25: {  	[simem:s6], [sflag:s4] =	dma.local [hbm:s3], $0xF7A  }
0x26: {  	[smem:$0x3F99] =	sst s1;
	(tag) =	ssettag s2;
	_ =	strace s9  }
0x27: {  	s1 =	sld [smem:$0x3FA9]  }
0x28: {  	s2 =	sld [smem:$0x3FAA]  }
0x29: {  	s4 =	sld [smem:$0x3FAC]  }
0x2a: {  	p0 =	seq.s32 s5, $0x0;
	s5 =	sld [smem:$0x3FAD]  }
0x2b: {  	s6 =	sld [smem:$0x3FAE]  }
0x2c: {  	s7 =	sld [smem:$0x3FAF]  }
0x2d: {  	s3 =	simm.s32 $0x108;
	s8 =	sld [smem:$0x3FB0]  }
0x2e: {  	s3 =	simm.s32 @!p0 $0x1082;
	s9 =	sld [smem:$0x3FB1]  }
0x2f: {  	lr =	sadd.s32 s0, s3;
	s0 =	sld [smem:$0x3FA8]  }
0x30: {  	s3 =	sld [smem:$0x3FAB]  }
0x31: {  	[smem:$0x3FB4] =	sst s10  }
0x32: {  	s10 =	sld [smem:$0x3FB2];
	_ =	sdelay $0x3  }
0x33: {  	p0 =	seq.s32 s10, $0x1;
	s10 =	sld [smem:$0x3FB4];
	_ =	sdelay $0x3  }
0x34: {  	[smem:$0x3FB4] =	sst s10  }
0x35: {  	s10 =	sld [smem:$0x3FB3];
	_ =	sdelay $0x3  }
0x36: {  	p1 =	seq.s32 s10, $0x1;
	s10 =	sld [smem:$0x3FB4];
	_ =	sdelay $0x3  }
0x37: {  	[smem:$0x3FB4] =	sst s10  }
0x38: {  	s10 =	sld [smem:$0x3FB5]  }
0x39: {  	_ = 	snop;
	(pc) =	sbr.ind lr, $3  }
0x3a: {  	_ = 	snop  }
0x3b: {  	_ = 	snop  }
0x3c: {  	p2 =	seq.s32 s10, $0x1;
	s10 =	sld [smem:$0x3FB4]  }
0x3d: {  	_ =	shalt  }
0x3e: {  	_ =	shalt  }
0x3f: {  	_ =	shalt  }
0x40: {  	_ =	shalt  }
0x41: {  	_ =	shalt  }
0x42: {  	_ =	shalt  }
0x43: {  	_ =	shalt  }
0x44: {  	_ =	shalt  }
0x45: {  	_ =	shalt  }
0x46: {  	_ =	shalt  }
0x47: {  	_ =	shalt  }
0x48: {  	_ =	shalt  }
0x49: {  	_ =	shalt  }
0x4a: {  	_ =	shalt  }
0x4b: {  	_ =	shalt  }
0x4c: {  	_ =	shalt  }
0x4d: {  	_ =	shalt  }
0x4e: {  	_ =	shalt  }
0x4f: {  	_ =	shalt  }
0x50: {  	_ =	shalt  }
0x51: {  	_ =	shalt  }
0x52: {  	_ =	shalt  }
0x53: {  	_ =	shalt  }
0x54: {  	_ =	shalt  }
0x55: {  	_ =	shalt  }
0x56: {  	_ =	shalt  }
0x57: {  	_ =	shalt  }
0x58: {  	_ =	shalt  }
0x59: {  	_ =	shalt  }
0x5a: {  	_ =	shalt  }
0x5b: {  	_ =	shalt  }
0x5c: {  	_ =	shalt  }
0x5d: {  	_ =	shalt  }
0x5e: {  	_ =	shalt  }
0x5f: {  	_ =	shalt  }
0x60: {  	_ =	shalt  }
0x61: {  	_ =	shalt  }
0x62: {  	_ =	shalt  }
0x63: {  	_ =	shalt  }
0x64: {  	_ =	shalt  }
0x65: {  	_ =	shalt  }
0x66: {  	_ =	shalt  }
0x67: {  	_ =	shalt  }
0x68: {  	_ =	shalt  }
0x69: {  	_ =	shalt  }
0x6a: {  	_ =	shalt  }
0x6b: {  	_ =	shalt  }
0x6c: {  	_ =	shalt  }
0x6d: {  	_ =	shalt  }
0x6e: {  	_ =	shalt  }
0x6f: {  	_ =	shalt  }
0x70: {  	_ =	shalt  }
0x71: {  	_ =	shalt  }
0x72: {  	_ =	shalt  }
0x73: {  	_ =	shalt  }
0x74: {  	_ =	shalt  }
0x75: {  	_ =	shalt  }
0x76: {  	_ =	shalt  }
0x77: {  	_ =	shalt  }
0x78: {  	_ =	shalt  }
0x79: {  	_ =	shalt  }
0x7a: {  	_ =	shalt  }
0x7b: {  	_ =	shalt  }
0x7c: {  	_ =	shalt  }
0x7d: {  	_ =	shalt  }
0x7e: {  	_ =	shalt  }
0x7f: {  	_ =	shalt  }
0x80: {  	_ =	shalt  }
0x81: {  	_ =	shalt  }
0x82: {  	_ =	shalt  }
0x83: {  	_ =	shalt  }
0x84: {  	_ =	shalt  }
0x85: {  	_ =	shalt  }
0x86: {  	_ =	shalt  }
0x87: {  	_ =	shalt  }
.Lfunc_end0:
.L_simem_size_0:
called_computation.2_lowered:
.L_overlay_start_0:
0x88: {  	s2 =	sld [smem:$0x3FD9]  }
0x89: {  	s3 =	sld [smem:$0x3FFE];
	_ =	sdelay $0x1  }
0x8a: {  	s1 =	srdreg.scid  }
0x8b: {  	s0 =	sand.u32 $0x1, s1  }
0x8c: {  	s17 =	sshll.u32 s0, $0xA;
	s2 =	sadd.s32 s3, s2  }
0x8d: {  	s2 =	sadd.s32 s2, s17  }
0x8e: {  	[smem:$0x3FC0] =	sst s2  }
0x8f: {  	_ = 	snop  }
0x90: {  	s2 =	sld [smem:$0x3FD0];
	(tm) =	ssettm $0x1  }
0x91: {  	s18 =	sld [smem:$0x3FFB];
	_ =	sdelay $0x3  }
0x92: {  	_ =	strace s18  }
0x93: {  	s3 =	sld [smem:$0x3FFC];
	_ =	sdelay $0x3  }
0x94: {  	_ =	strace s3  }
0x95: {  	s3 =	sld [smem:$0x3FFD];
	_ =	sdelay $0x3  }
0x96: {  	_ =	strace s3  }
0x97: {  	_ =	strace $0x8FFFFFFF  }
0x98: {  	s19 =	sld [smem:$0x3FDB];
	_ =	sdelay $0x1  }
0x99: {  	s4 =	simm.s32 $_scs_section_size  }
0x9a: {  	s5 =	simm.s32 $_size__tile_overlayer_lowered;
	s6 =	simm.s32 $_tile_overlayer_lowered  }
0x9b: {  	s22 =	simm.s32 $0x1BFF;
	s21 =	sshll.u32 s6, $0x1;
	s3 =	sadd.s32 s4, s19  }
0x9c: {  	s7 =	simm.s32 $0x0;
	s20 =	sshll.u32 s5, $0x1;
	s5 =	sadd.s32 s21, s3  }
0x9d: {  	[timem:s7], [sflag:s22] =	dma.local [hbm:s5], s20  }
0x9e: {  	_ =	swait.ge [sflag:s22], s20  }
0x9f: {  	s4 =	ssub.s32 $0x0, s20;
	[sflag:s22] =	ssyncset.done $0x0  }
0xa0: {  	[sflag:s22] =	ssyncadd.s32 s4;
	_ =	sdelay $0x1  }
0xa1: {  	s23 =	simm.s32 $0x1B8B  }
0xa2: {  	_ =	swait.ge [sflag:s23], $0x1  }
0xa3: {  	[sflag:s23] =	ssyncset.done $0x0  }
0xa4: {  	s25 =	simm.s32 $0x1B8E;
	s24 =	sld [smem:$0x3FFE];
	[sflag:s23] =	ssyncadd.s32 $0xFFFFFFFF  }
0xa5: {  	s26 =	simm.s32 $execute0_lowered;
	[smem:$0x3FD2] =	sst s25  }
0xa6: {  	s5 =	sshll.u32 s26, $0x1;
	_ =	strace $0x8000004C;
	[dreg:$0x1] =	wrdreg $0xFFFFFFFF  }
0xa7: {  	s28 =	simm.s32 $_size_execute0_lowered;
	s3 =	sadd.s32 s3, s5;
	[dreg:$0x0] =	wrdreg $0x0  }
0xa8: {  	s5 =	sshll.u32 s28, $0x1;
	[dreg:$0x2] =	wrdreg s3  }
0xa9: {  	[dreg:$0x3] =	wrdreg s5  }
0xaa: {  	[dreg:$0x4] =	wrdreg $0xC0  }
0xab: {  	_ =	task [dreg:s7], $0x5FFFF  }
0xac: {  	[dreg:$0x1] =	wrdreg $0xFFFFFFFF  }
0xad: {  	[dreg:$0x0] =	wrdreg $0x60  }
0xae: {  	[dreg:$0x2] =	wrdreg s24  }
0xaf: {  	[dreg:$0x3] =	wrdreg s2  }
0xb0: {  	[dreg:$0x4] =	wrdreg $0x82000  }
0xb1: {  	[dreg:$0x5] =	wrdreg $0x9  }
0xb2: {  	_ =	task.clear_ibuf [dreg:s7], $0x6FFFF;
	_ =	strace $0x9000004C  }
0xb3: {  	s29 =	simm.s32 $0x9;
	_ =	strace $0x8000004E  }
0xb4: {  	_ =	swait.ge [sflag:s29], $0x1  }
0xb5: {  	[sflag:s29] =	ssyncadd.s32 $0xFFFFFFFF  }
0xb6: {  	_ =	strace $0x9000004E  }
0xb7: {  	_ =	sfence  }
0xb8: {  	s30 =	sld [smem:$0x0];
	_ =	sdelay $0x2  }
0xb9: {  	s31 =	sshll.u32 s1, $0xD;
	s1 =	sshrl.u32 s1, $0x2  }
0xba: {  	s3 =	sand.u32 $0x4000, s31;
	s1 =	sadd.s32 s1, s30  }
0xbb: {  	s0 =	sor.u32 s3, s0;
	s1 =	sshll.u32 s1, $0x11  }
0xbc: {  	s0 =	sor.u32 s1, s0  }
0xbd: {  	s0 =	sadd.s32 $0x8F2B, s0  }
0xbe: {  	[sflag:s0] =	ssyncadd.remote.s32 $0x1  }
0xbf: {  	_ =	sfence.sel $0xFFFF  }
0xc0: {  	[dreg:$0x0] =	wrdreg $0xFFFFFFFF;
	(pc) =	sbr.abs _section_cstart, $3  }
0xc1: {  	[dreg:$0x1] =	wrdreg $0xFFFFFFFF  }
0xc2: {  	_ =	task.clear_ibuf [dreg:s7], $0x2FFFF;
	_ =	strace $0x9FFFFFFF  }
0xc3: {  	(tm) =	ssettm $0x7FFFFFFF  }
tec
execute0_lowered:
.L_overlay_start_1:
0x0: {  	(tag) =	ssettag $0x1  }
0x1: {  	s0 =	rddreg [dreg:$0x0]  }
0x2: {  	s2 =	rddreg [dreg:$0x1]  }
0x3: {  	s1 =	rddreg [dreg:$0x2];
	s4 =	srdreg.scid;
	s3 =	simm.s32 $0x0  }
0x4: {  	s12 =	stileid.u32;
	s28 =	simm.s32 $0x2;
	s29 =	simm.s32 $0x4200  }
0x5: {  	s30 =	simm.s32 $0x5;
	s31 =	simm.s32 $0x3;
	s5 =	sand.u32 $0x1, s4  }
0x6: {  	[smem:$0x7FF] =	sst s3;
	s4 =	sadd.s32 $0x49A00, s0;
	s10 =	smul.u32 $0x98, s12  }
0x7: {  	s8 =	sadd.s32 $0x17A00, s0;
	s11 =	sshll.u32 s12, $0x3;
	s26 =	smul.u32 $0x50000, s12  }
0x8: {  	s6 =	sshll.u32 s5, $0x4;
	_ =	strace $0x8000004D;
	s7 =	ssub.s32 $0x2, s5  }
0x9: {  	p0 =	seq.s32 s5, $0x0;
	s5 =	sor.u32 $0x980, s11;
	s6 =	sor.u32 s12, s6  }
0xa: {  	s9 =	sshrl.u32 s7, $0x1;
	s5 =	smov.u32 @p0 s10;
	s13 =	sshrl.u32 s26, $0x2  }
0xb: {  	s6 =	smul.u32 $0x2800, s6;
	s12 =	ssub.s32 s7, s9;
	s9 =	simm.s32 $0x98  }
0xc: {  	s10 =	sshll.u32 s5, $0x4;
	s5 =	sadd.s32 s13, s1;
	s9 =	simm.s32 @!p0 $0x8  }
0xd: {  	s14 =	sor.u32 $0x10, s10;
	s15 =	sadd.s32 s8, s10;
	s21 =	smax.u32 s12, $0x1  }
0xe: {  	s10 =	sadd.s32 s2, s10;
	s22 =	sadd.s32 $0x4000, s5;
	[dreg:$0x8] =	wrdreg s21  }
0xf: {  	s23 =	sadd.s32 $0x8000, s5;
	s24 =	sadd.s32 $0xC000, s5;
	[dreg:$0x9] =	wrdreg s22  }
0x10: {  	s25 =	sadd.s32 $0x10000, s5;
	s0 =	sadd.s32 s6, s0;
	[dreg:$0xa] =	wrdreg s23  }
0x11: {  	s8 =	sadd.s32 s8, s14;
	s2 =	sadd.s32 s2, s14;
	[dreg:$0xb] =	wrdreg s24  }
0x12: {  	s20 =	sshrl.u32 s9, $0x1;
	[dreg:$0xc] =	wrdreg s25;
	s16 =	sadd.s32 $0xFFFFFFFE, s9  }
0x13: {  	s17 =	sadd.s32 $0xFFFFFFFD, s9;
	[dreg:$0x4] =	wrdreg s10;
	s19 =	sadd.s32 $0x30, s10  }
0x14: {  	s18 =	smov.u32 s15;
	s21 =	simm.s32 $0x200;
	s22 =	simm.s32 $0x9  }
0x15: {  	s23 =	simm.s32 $0x100;
	s24 =	simm.s32 $0x80;
	[dreg:$0x5] =	wrdreg s8  }
0x16: {  	s25 =	simm.s32 $0x180;
	s9 =	simm.s32 $0x8;
	[dreg:$0x6] =	wrdreg s2  }
0x17: {  	s0 =	sadd.s32 $0x99A00, s0;
	s26 =	sadd.s32 $0xFFFFFFFF, s20;
	s20 =	sadd.s32 $0x30, s15  }
0x18: {  	s2 =	simm.s32 $0x4;
	s8 =	simm.s32 $0x7;
	[dreg:$0x7] =	wrdreg s0  }
0x19: {  	v0 =	vimm.f32 $0.0e+00;
	[dreg:$0xd] =	wrdreg s26;
	s26 =	simm.s32 $0x1;
	s0 =	simm.s32 $0x6  }
.LBB2_1:
0x1a: {  	s10 =	simm.s32 $0x0;
	s11 =	simm.s32 $0x200  }
.LBB2_2:
0x1b: {  	p0 =	sne.s32 s11, $0xFE00;
	[tilespmem:s10+$0x270] =	vst v0  }
0x1c: {  	[tilespmem:s10+$0x200] =	vst v0  }
0x1d: {  	[tilespmem:s10+$0x210] =	vst v0  }
.Ltmp0:
0x1e: {  	[tilespmem:s10+$0x220] =	vst v0;
	(pc) =	sbr.rel @p0 .LBB2_2-.Ltmp0, $4  }
0x1f: {  	[tilespmem:s10+$0x230] =	vst v0  }
0x20: {  	[tilespmem:s10+$0x240] =	vst v0  }
0x21: {  	[tilespmem:s10+$0x250] =	vst v0  }
0x22: {  	[tilespmem:s10+$0x260] =	vst v0;
	s10 =	sshra.s32 s11, $0x2;
	s11 =	sadd.s32 $0x200, s11  }
0x23: {  	[tilespmem:s10+$0x270] =	vst v0  }
0x24: {  	[tilespmem:s10+$0x200] =	vst v0  }
0x25: {  	[tilespmem:s10+$0x210] =	vst v0  }
0x26: {  	[tilespmem:s10+$0x220] =	vst v0  }
0x27: {  	[tilespmem:s10+$0x230] =	vst v0  }
0x28: {  	[tilespmem:s10+$0x240] =	vst v0  }
0x29: {  	[tilespmem:s10+$0x250] =	vst v0  }
0x2a: {  	[tilespmem:s10+$0x260] =	vst v0  }
0x2b: {  	[spmem:s5] =	stream.linear.scatter [tilespmem:s21], [sflag:$0x9], $0x4000, $0x38;
	[tilespmem:$0x1C200] =	vst v63  }
0x2c: {  	_ =	swait.ge [sflag:s22], $0x4000  }
0x2d: {  	[sflag:s22] =	ssyncset.done $0x0  }
0x2e: {  	s6 =	rddreg [dreg:$0x9];
	[sflag:s22] =	ssyncadd.s32 $0xFFFFC000  }
0x2f: {  	[spmem:s6] =	stream.linear.scatter [tilespmem:s21], [sflag:$0x9], $0x4000, $0x38;
	[tilespmem:$0x1C200] =	vst v63  }
0x30: {  	_ =	swait.ge [sflag:s22], $0x4000  }
0x31: {  	[sflag:s22] =	ssyncset.done $0x0  }
0x32: {  	s7 =	rddreg [dreg:$0xa];
	[sflag:s22] =	ssyncadd.s32 $0xFFFFC000  }
0x33: {  	[spmem:s7] =	stream.linear.scatter [tilespmem:s21], [sflag:$0x9], $0x4000, $0x38;
	[tilespmem:$0x1C200] =	vst v63  }
0x34: {  	_ =	swait.ge [sflag:s22], $0x4000  }
0x35: {  	[sflag:s22] =	ssyncset.done $0x0  }
0x36: {  	s10 =	rddreg [dreg:$0xb];
	[sflag:s22] =	ssyncadd.s32 $0xFFFFC000  }
0x37: {  	[spmem:s10] =	stream.linear.scatter [tilespmem:s21], [sflag:$0x9], $0x4000, $0x38;
	[tilespmem:$0x1C200] =	vst v63  }
0x38: {  	_ =	swait.ge [sflag:s22], $0x4000  }
0x39: {  	[sflag:s22] =	ssyncset.done $0x0  }
0x3a: {  	s11 =	rddreg [dreg:$0xc];
	[sflag:s22] =	ssyncadd.s32 $0xFFFFC000  }
0x3b: {  	[spmem:s11] =	stream.linear.scatter [tilespmem:s21], [sflag:$0x9], $0x4000, $0x38;
	[tilespmem:$0x1C200] =	vst v63  }
0x3c: {  	_ =	swait.ge [sflag:s22], $0x4000  }
0x3d: {  	[sflag:s22] =	ssyncset.done $0x0  }
0x3e: {  	[sflag:s22] =	ssyncadd.s32 $0xFFFFC000  }
0x3f: {  	s12 =	simm.s32 $0x0;
	[bflag:$0x0] =	sbarrier.arrive $0xFFFF  }
0x40: {  	[tilespmem:s12], [sflag:$0x1] =	stream.linear.gather [hbm4b:s18+s12], $0x80, $0x38;
	[tilespmem:$0x1C200] =	vst v63  }
0x41: {  	s7 =	rddreg [dreg:$0x4]  }
0x42: {  	[tilespmem:s23], [sflag:$0x3] =	stream.linear.gather [hbm4b:s7+s12], $0x80, $0x38;
	[tilespmem:$0x1C200] =	vst v63  }
0x43: {  	s13 =	rddreg [dreg:$0x5]  }
0x44: {  	[tilespmem:s24], [sflag:$0x2] =	stream.linear.gather [hbm4b:s13+s12], $0x80, $0x38;
	[tilespmem:$0x1C200] =	vst v63  }
0x45: {  	s14 =	rddreg [dreg:$0x6]  }
0x46: {  	[tilespmem:s25], [sflag:$0x4] =	stream.linear.gather [hbm4b:s14+s12], $0x80, $0x38;
	[tilespmem:$0x1C200] =	vst v63  }
0x47: {  	_ =	swait.ge [sflag:s26], $0x80  }
0x48: {  	[sflag:s26] =	ssyncset.done $0x0  }
0x49: {  	[sflag:s26] =	ssyncadd.s32 $0xFFFFFF80  }
0x4a: {  	[tilespmem:s21], [sflag:$0x5] =	stream.indirect.gather [hbm4b:s4+s24], $0x80, s12, s24, $0xb8;
	[tilespmem:$0x1C200] =	vst v63  }
0x4b: {  	_ =	swait.ge [sflag:s28], $0x80  }
0x4c: {  	[sflag:s28] =	ssyncset.done $0x0  }
0x4d: {  	[sflag:s28] =	ssyncadd.s32 $0xFFFFFF80  }
0x4e: {  	[tilespmem:s29], [sflag:$0x6] =	stream.indirect.gather [hbm4b:s4+s24], $0x80, s24, s24, $0xb8;
	[tilespmem:$0x1C200] =	vst v63  }
0x4f: {  	_ =	swait.ge [sflag:s30], $0x4000  }
0x50: {  	[sflag:s30] =	ssyncset.done $0x0  }
0x51: {  	[sflag:s30] =	ssyncadd.s32 $0xFFFFC000  }
0x52: {  	_ =	swait.ge [sflag:s31], $0x80  }
0x53: {  	[sflag:s31] =	ssyncset.done $0x0  }
0x54: {  	p0 =	sle.u32 s16, $0x0;
	[sflag:s31] =	ssyncadd.s32 $0xFFFFFF80  }
0x55: {  	[spmem:s1] =	stream.indirect.scatter.add.f32 [tilespmem:s21], [sflag:$0x7], $0x80, s23, s24, $0xb8;
	[tilespmem:$0x1C200] =	vst v63  }
0x56: {  	s6 =	sadd.s32 @!p0 $0xFFFFFFF0, s20;
	s10 =	simm.s32 @!p0 $0x0;
	s11 =	simm.s32 @!p0 $0x7  }
0x57: {  	[tilespmem:s10], [sflag:$0x1] =	stream.linear.gather @!p0 [hbm4b:s6+s10], $0x80, $0x38;
	[tilespmem:$0x1C200] =	vst v63  }
0x58: {  	_ =	swait.ge @!p0 [sflag:s11], $0x4000  }
0x59: {  	s12 =	simm.s32 @!p0 $0x100;
	[sflag:s11] =	ssyncset.done @!p0 $0x0  }
0x5a: {  	s6 =	simm.s32 @!p0 $0x1;
	[sflag:s11] =	ssyncadd.s32 @!p0 $0xFFFFC000;
	s11 =	sadd.s32 @!p0 $0xFFFFFFF0, s19  }
0x5b: {  	[tilespmem:s12], [sflag:$0x3] =	stream.linear.gather @!p0 [hbm4b:s11+s10], $0x80, $0x38;
	[tilespmem:$0x1C200] =	vst v63  }
0x5c: {  	_ =	swait.ge @!p0 [sflag:s6], $0x80  }
0x5d: {  	[sflag:s6] =	ssyncset.done @!p0 $0x0  }
0x5e: {  	s11 =	simm.s32 @!p0 $0x200;
	[sflag:s6] =	ssyncadd.s32 @!p0 $0xFFFFFF80;
	s6 =	simm.s32 @!p0 $0x80  }
0x5f: {  	[tilespmem:s11], [sflag:$0x5] =	stream.indirect.gather @!p0 [hbm4b:s4+s6], $0x80, s10, s6, $0xb8;
	[tilespmem:$0x1C200] =	vst v63  }
0x60: {  	_ =	swait.ge [sflag:s0], $0x4000  }
0x61: {  	[sflag:s0] =	ssyncset.done $0x0  }
0x62: {  	[sflag:s0] =	ssyncadd.s32 $0xFFFFC000  }
0x63: {  	_ =	swait.ge [sflag:s2], $0x80  }
0x64: {  	[sflag:s2] =	ssyncset.done $0x0  }
0x65: {  	p1 =	sle.u32 s17, $0x0;
	[sflag:s2] =	ssyncadd.s32 $0xFFFFFF80  }
0x66: {  	[spmem:s1] =	stream.indirect.scatter.add.f32 [tilespmem:s29], [sflag:$0x8], $0x80, s25, s24, $0xb8;
	[tilespmem:$0x1C200] =	vst v63  }
0x67: {  	s14 =	simm.s32 @!p1 $0x80;
	s6 =	simm.s32 @!p1 $0x0;
	s10 =	simm.s32 @!p1 $0x8  }
0x68: {  	[tilespmem:s14], [sflag:$0x2] =	stream.linear.gather @!p1 [hbm4b:s20+s6], $0x80, $0x38;
	[tilespmem:$0x1C200] =	vst v63  }
0x69: {  	_ =	swait.ge @!p1 [sflag:s10], $0x4000  }
0x6a: {  	s15 =	rddreg [dreg:$0xd]  }
0x6b: {  	s13 =	sadd.s32 $0xFFFFFFFF, s15  }
0x6c: {  	s12 =	simm.s32 @!p1 $0x2;
	[sflag:s10] =	ssyncset.done @!p1 $0x0;
	p0 =	sne.s32 s13, $0x0  }
.Ltmp1:
0x6d: {  	[sflag:s10] =	ssyncadd.s32 @!p1 $0xFFFFC000;
	s10 =	simm.s32 @!p1 $0x180;
	(pc) =	sbr.rel @!p0 .LBB2_5-.Ltmp1, $4  }
0x6e: {  	[tilespmem:s10], [sflag:$0x4] =	stream.linear.gather @!p1 [hbm4b:s19+s6], $0x80, $0x38;
	[tilespmem:$0x1C200] =	vst v63  }
0x6f: {  	_ =	swait.ge @!p1 [sflag:s12], $0x80  }
0x70: {  	s11 =	sadd.s32 $0x20, s20;
	s10 =	sadd.s32 $0x20, s19;
	[sflag:s12] =	ssyncset.done @!p1 $0x0  }
0x71: {  	s6 =	simm.s32 @!p1 $0x4200;
	[sflag:s12] =	ssyncadd.s32 @!p1 $0xFFFFFF80;
	s12 =	simm.s32 $0x2  }
.LBB2_4:
0x72: {  	[tilespmem:s6], [sflag:$0x6] =	stream.indirect.gather @!p1 [hbm4b:s4+s14], $0x80, s14, s14, $0xb8;
	[tilespmem:$0x1C200] =	vst v63  }
0x73: {  	s13 =	sadd.s32 $0xFFFFFFFF, s13;
	_ =	swait.ge [sflag:s30], $0x4000  }
0x74: {  	p0 =	sne.s32 s13, $0x0;
	[sflag:s30] =	ssyncset.done $0x0  }
0x75: {  	[sflag:s30] =	ssyncadd.s32 $0xFFFFC000  }
0x76: {  	_ =	swait.ge [sflag:s31], $0x80  }
0x77: {  	[sflag:s31] =	ssyncset.done $0x0  }
0x78: {  	p1 =	sge.u32 s12, s16;
	[sflag:s31] =	ssyncadd.s32 $0xFFFFFF80  }
0x79: {  	[spmem:s1] =	stream.indirect.scatter.add.f32 [tilespmem:s21], [sflag:$0x7], $0x80, s23, s24, $0xb8;
	[tilespmem:$0x1C200] =	vst v63  }
0x7a: {  	s6 =	sadd.s32 @!p1 $0xFFFFFFF0, s11;
	s14 =	simm.s32 @!p1 $0x0;
	s15 =	simm.s32 @!p1 $0x7  }
0x7b: {  	[tilespmem:s14], [sflag:$0x1] =	stream.linear.gather @!p1 [hbm4b:s6+s14], $0x80, $0x38;
	[tilespmem:$0x1C200] =	vst v63  }
0x7c: {  	_ =	swait.ge @!p1 [sflag:s15], $0x4000  }
0x7d: {  	s6 =	simm.s32 @!p1 $0x1;
	[sflag:s15] =	ssyncset.done @!p1 $0x0  }
0x7e: {  	s7 =	simm.s32 @!p1 $0x100;
	[sflag:s15] =	ssyncadd.s32 @!p1 $0xFFFFC000;
	s15 =	sadd.s32 @!p1 $0xFFFFFFF0, s10  }
0x7f: {  	[tilespmem:s7], [sflag:$0x3] =	stream.linear.gather @!p1 [hbm4b:s15+s14], $0x80, $0x38;
	[tilespmem:$0x1C200] =	vst v63  }
0x80: {  	_ =	swait.ge @!p1 [sflag:s6], $0x80  }
0x81: {  	[sflag:s6] =	ssyncset.done @!p1 $0x0  }
0x82: {  	s7 =	simm.s32 @!p1 $0x200;
	[sflag:s6] =	ssyncadd.s32 @!p1 $0xFFFFFF80;
	s6 =	simm.s32 @!p1 $0x80  }
0x83: {  	[tilespmem:s7], [sflag:$0x5] =	stream.indirect.gather @!p1 [hbm4b:s4+s6], $0x80, s14, s6, $0xb8;
	[tilespmem:$0x1C200] =	vst v63  }
0x84: {  	_ =	swait.ge [sflag:s0], $0x4000  }
0x85: {  	[sflag:s0] =	ssyncset.done $0x0  }
0x86: {  	[sflag:s0] =	ssyncadd.s32 $0xFFFFC000  }
0x87: {  	_ =	swait.ge [sflag:s2], $0x80  }
0x88: {  	[sflag:s2] =	ssyncset.done $0x0  }
0x89: {  	p1 =	sge.u32 s12, s17;
	[sflag:s2] =	ssyncadd.s32 $0xFFFFFF80  }
0x8a: {  	[spmem:s1] =	stream.indirect.scatter.add.f32 [tilespmem:s29], [sflag:$0x8], $0x80, s25, s24, $0xb8;
	[tilespmem:$0x1C200] =	vst v63  }
0x8b: {  	s6 =	simm.s32 @!p1 $0x0;
	s14 =	simm.s32 @!p1 $0x80;
	s7 =	simm.s32 @!p1 $0x8  }
0x8c: {  	[tilespmem:s14], [sflag:$0x2] =	stream.linear.gather @!p1 [hbm4b:s11+s6], $0x80, $0x38;
	[tilespmem:$0x1C200] =	vst v63  }
0x8d: {  	_ =	swait.ge @!p1 [sflag:s7], $0x4000  }
0x8e: {  	s15 =	simm.s32 @!p1 $0x2;
	[sflag:s7] =	ssyncset.done @!p1 $0x0  }
.Ltmp2:
0x8f: {  	[sflag:s7] =	ssyncadd.s32 @!p1 $0xFFFFC000;
	s7 =	simm.s32 @!p1 $0x180;
	(pc) =	sbr.rel @p0 .LBB2_4-.Ltmp2, $4  }
0x90: {  	[tilespmem:s7], [sflag:$0x4] =	stream.linear.gather @!p1 [hbm4b:s10+s6], $0x80, $0x38;
	[tilespmem:$0x1C200] =	vst v63  }
0x91: {  	_ =	swait.ge @!p1 [sflag:s15], $0x80  }
0x92: {  	s11 =	sadd.s32 $0x20, s11;
	s10 =	sadd.s32 $0x20, s10;
	[sflag:s15] =	ssyncset.done @!p1 $0x0  }
0x93: {  	s12 =	sadd.s32 $0x2, s12;
	s6 =	simm.s32 @!p1 $0x4200;
	[sflag:s15] =	ssyncadd.s32 @!p1 $0xFFFFFF80  }
.LBB2_5:
0x94: {  	[tilespmem:s6], [sflag:$0x6] =	stream.indirect.gather @!p1 [hbm4b:s4+s14], $0x80, s14, s14, $0xb8;
	[tilespmem:$0x1C200] =	vst v63  }
0x95: {  	_ =	swait.ge [sflag:s30], $0x4000  }
0x96: {  	[sflag:s30] =	ssyncset.done $0x0  }
0x97: {  	[sflag:s30] =	ssyncadd.s32 $0xFFFFC000  }
0x98: {  	_ =	swait.ge [sflag:s31], $0x80  }
0x99: {  	[sflag:s31] =	ssyncset.done $0x0  }
0x9a: {  	p0 =	sge.u32 s12, s16;
	[sflag:s31] =	ssyncadd.s32 $0xFFFFFF80  }
0x9b: {  	[spmem:s1] =	stream.indirect.scatter.add.f32 [tilespmem:s21], [sflag:$0x7], $0x80, s23, s24, $0xb8;
	[tilespmem:$0x1C200] =	vst v63  }
0x9c: {  	s6 =	sadd.s32 @!p0 $0xFFFFFFF0, s11;
	s7 =	simm.s32 @!p0 $0x0  }
0x9d: {  	[tilespmem:s7], [sflag:$0x1] =	stream.linear.gather @!p0 [hbm4b:s6+s7], $0x80, $0x38;
	[tilespmem:$0x1C200] =	vst v63  }
0x9e: {  	s6 =	simm.s32 @!p0 $0x7  }
0x9f: {  	_ =	swait.ge @!p0 [sflag:s6], $0x4000  }
0xa0: {  	[sflag:s6] =	ssyncset.done @!p0 $0x0  }
0xa1: {  	s13 =	simm.s32 @!p0 $0x100;
	[sflag:s6] =	ssyncadd.s32 @!p0 $0xFFFFC000;
	s6 =	sadd.s32 @!p0 $0xFFFFFFF0, s10  }
0xa2: {  	[tilespmem:s13], [sflag:$0x3] =	stream.linear.gather @!p0 [hbm4b:s6+s7], $0x80, $0x38;
	[tilespmem:$0x1C200] =	vst v63  }
0xa3: {  	s6 =	simm.s32 @!p0 $0x1  }
0xa4: {  	_ =	swait.ge @!p0 [sflag:s6], $0x80  }
0xa5: {  	[sflag:s6] =	ssyncset.done @!p0 $0x0  }
0xa6: {  	s13 =	simm.s32 @!p0 $0x200;
	[sflag:s6] =	ssyncadd.s32 @!p0 $0xFFFFFF80;
	s6 =	simm.s32 @!p0 $0x80  }
0xa7: {  	[tilespmem:s13], [sflag:$0x5] =	stream.indirect.gather @!p0 [hbm4b:s4+s6], $0x80, s7, s6, $0xb8;
	[tilespmem:$0x1C200] =	vst v63  }
0xa8: {  	_ =	swait.ge [sflag:s0], $0x4000  }
0xa9: {  	[sflag:s0] =	ssyncset.done $0x0  }
0xaa: {  	[sflag:s0] =	ssyncadd.s32 $0xFFFFC000  }
0xab: {  	_ =	swait.ge [sflag:s2], $0x80  }
0xac: {  	[sflag:s2] =	ssyncset.done $0x0  }
0xad: {  	p0 =	sge.u32 s12, s17;
	[sflag:s2] =	ssyncadd.s32 $0xFFFFFF80  }
0xae: {  	[spmem:s1] =	stream.indirect.scatter.add.f32 [tilespmem:s29], [sflag:$0x8], $0x80, s25, s24, $0xb8;
	[tilespmem:$0x1C200] =	vst v63  }
0xaf: {  	s6 =	simm.s32 @!p0 $0x0;
	s7 =	simm.s32 @!p0 $0x80  }
0xb0: {  	[tilespmem:s7], [sflag:$0x2] =	stream.linear.gather @!p0 [hbm4b:s11+s6], $0x80, $0x38;
	[tilespmem:$0x1C200] =	vst v63  }
0xb1: {  	s11 =	simm.s32 @!p0 $0x8  }
0xb2: {  	_ =	swait.ge @!p0 [sflag:s11], $0x4000  }
0xb3: {  	[sflag:s11] =	ssyncset.done @!p0 $0x0  }
0xb4: {  	[sflag:s11] =	ssyncadd.s32 @!p0 $0xFFFFC000;
	s11 =	simm.s32 @!p0 $0x180  }
0xb5: {  	[tilespmem:s11], [sflag:$0x4] =	stream.linear.gather @!p0 [hbm4b:s10+s6], $0x80, $0x38;
	[tilespmem:$0x1C200] =	vst v63  }
0xb6: {  	s6 =	simm.s32 @!p0 $0x2  }
0xb7: {  	_ =	swait.ge @!p0 [sflag:s6], $0x80  }
0xb8: {  	[sflag:s6] =	ssyncset.done @!p0 $0x0  }
0xb9: {  	[sflag:s6] =	ssyncadd.s32 @!p0 $0xFFFFFF80;
	s6 =	simm.s32 @!p0 $0x4200  }
0xba: {  	[tilespmem:s6], [sflag:$0x6] =	stream.indirect.gather @!p0 [hbm4b:s4+s7], $0x80, s7, s7, $0xb8;
	[tilespmem:$0x1C200] =	vst v63  }
0xbb: {  	_ =	swait.ge [sflag:s8], $0x4000  }
0xbc: {  	[sflag:s8] =	ssyncset.done $0x0  }
0xbd: {  	[sflag:s8] =	ssyncadd.s32 $0xFFFFC000  }
0xbe: {  	_ =	swait.ge [sflag:s9], $0x4000  }
0xbf: {  	[sflag:s9] =	ssyncset.done $0x0  }
0xc0: {  	s12 =	stileid.u32;
	[sflag:s9] =	ssyncadd.s32 $0xFFFFC000  }
0xc1: {  	s6 =	sshll.u32 s12, $0x6;
	[bflag:$0x0] =	sbarrier.arrive $0xFFFF  }
0xc2: {  	s13 =	sshrl.u32 s5, $0x3;
	s6 =	sor.u32 $0x1C09, s6;
	s14 =	rddreg [dreg:$0x7]  }
0xc3: {  	[hbm:s14], [sflag:s6] =	dma.local [spmem:s13], $0x2800  }
0xc4: {  	_ =	swait.ge [sflag:s22], $0x2800  }
0xc5: {  	s3 =	sadd.s32 $0x1, s3;
	s15 =	rddreg [dreg:$0x8]  }
0xc6: {  	p0 =	sne.s32 s3, s15  }
.Ltmp3:
0xc7: {  	_ = 	snop;
	(pc) =	sbr.rel @p0 .LBB2_1-.Ltmp3, $3  }
0xc8: {  	_ =	sdelay $0x1  }
0xc9: {  	[sflag:s22] =	ssyncset.done $0x0  }
0xca: {  	[sflag:s22] =	ssyncadd.s32 $0xFFFFD800  }
0xcb: {  	_ =	sfence.sel $0x180000  }
0xcc: {  	[bflag:$0x0] =	sbarrier.arrive $0xFFFF  }
0xcd: {  	_ =	strace $0x9000004D  }
0xce: {  	s0 =	stileid.u32;
	[bflag:$0x2] =	sbarrier.arrive $0xFFFF  }
0xcf: {  	p0 =	sne.s32 s0, $0x0;
	s0 =	rddreg [dreg:$0x3]  }
0xd0: {  	s0 =	sadd.s32 @!p0 $0x100000, s0  }
0xd1: {  	[sflag:s0] =	ssyncadd.tile.s32 @!p0 $0x1;
	_ =	shalt  }
.Lfunc_end2:
_tile_overlayer_lowered:
.L_overlay_start_2:
0xd2: {  	(tag) =	ssettag $0x2  }
0xd3: {  	s0 =	rddreg [dreg:$0x0];
	s2 =	stileid.u32  }
0xd4: {  	s1 =	rddreg [dreg:$0x1];
	p0 =	sne.s32 s2, $0x0  }
0xd5: {  	s3 =	rddreg [dreg:$0x2];
	[bflag:$0x3] =	sbarrier.arrive $0xFFFF;
	s2 =	simm.s32 @!p0 $0x1C09  }
0xd6: {  	[timem:s3], [sflag:s2] =	dma.local @!p0 [hbm:s0], s1  }
0xd7: {  	s0 =	simm.s32 @!p0 $0x9  }
0xd8: {  	_ =	swait.ge @!p0 [sflag:s0], s1  }
0xd9: {  	s1 =	ssub.s32 @!p0 $0x0, s1;
	[sflag:s0] =	ssyncset.done @!p0 $0x0  }
0xda: {  	[sflag:s0] =	ssyncadd.s32 @!p0 s1  }
0xdb: {  	[bflag:$0x3] =	sbarrier.arrive $0xFFFF  }
0xdc: {  	_ =	shalt  }

// kernel: kernel.20.cloned.1.call-start
scs
__scs_entry_jumppad:
0x0: {  	(pc) =	sbr.rel $0x88, $3  }
0x1: {  	(tag) =	ssettag $0x0;
	lr =	simm.s32 $0x1  }
0x2: {  	[smem:$0x3F99] =	sst lr;
	_ =	strace $0xD0000000  }
0x3: {  	_ = 	snop  }
0x4: {  	_ = 	snop  }
0x5: {  	_ = 	snop  }
0x6: {  	_ = 	snop  }
0x7: {  	_ = 	snop  }
__scs_overlays_trampoline_lowered:
0x8: {  	[smem:$0x3FA8] =	sst s0  }
0x9: {  	[smem:$0x3FA9] =	sst s1  }
0xa: {  	[smem:$0x3FAA] =	sst s2  }
0xb: {  	[smem:$0x3FAB] =	sst s3  }
0xc: {  	[smem:$0x3FAC] =	sst s4  }
0xd: {  	[smem:$0x3FAD] =	sst s5  }
0xe: {  	[smem:$0x3FAE] =	sst s6  }
0xf: {  	[smem:$0x3FAF] =	sst s7  }
0x10: {  	[smem:$0x3FB0] =	sst s8  }
0x11: {  	[smem:$0x3FB1] =	sst s9;
	s0 =	simm.s32 @!p0 $0x0  }
0x12: {  	s1 =	sld [smem:$0x3F97];
	s0 =	simm.s32 @p0 $0x1  }
0x13: {  	[smem:$0x3FB2] =	sst s0;
	s0 =	simm.s32 @!p1 $0x0  }
0x14: {  	s2 =	sld [smem:$0x3F96];
	s0 =	simm.s32 @p1 $0x1  }
0x15: {  	[smem:$0x3FB3] =	sst s0;
	s0 =	simm.s32 @!p2 $0x0  }
0x16: {  	s3 =	sld [smem:$0x3FDB];
	s0 =	simm.s32 @p2 $0x1  }
0x17: {  	s4 =	simm.s32 $0x1BF5;
	[smem:$0x3FB5] =	sst s0  }
0x18: {  	s0 =	sld [smem:$0x3F98];
	_ =	swait.ge [sflag:s4], $0x0  }
0x19: {  	s7 =	sld [smem:$0x3F99]  }
0x1a: {  	s8 =	sadd.s32 $0xFFFFE003, lr  }
0x1b: {  	s9 =	sadd.s32 $0xFFFFFEF7, lr;
	s5 =	simm.s32 $0xFFFFFFFF;
	p2 =	slt.u32 s8, $0xFFFFF086  }
0x1c: {  	p1 =	slt.u32 s9, $0xF7A;
	s5 =	simm.s32 @!p2 $0x0  }
0x1d: {  	s5 =	simm.s32 @p1 $0x1;
	p0 =	seq.s32 s7, s2  }
0x1e: {  	s7 =	smul.u32 @!p0 $0xF7A, s2;
	p2 =	seq.s32 @!p0 s5, $0x0  }
0x1f: {  	s9 =	smul.u32 $0xF7A, s1;
	s8 =	simm.s32 @!p0 $0x1BF5;
	p2 =	por !p2, p0  }
0x20: {  	[sflag:s8] =	ssyncset.s32 @!p0 $0xFFFFF086;
	s6 =	sadd.s32 @!p0 s3, s7;
	s7 =	simm.s32 @!p0 $0x108  }
0x21: {  	s3 =	sadd.s32 s3, s9;
	s6 =	sadd.s32 @!p0 $0x88, s6;
	s7 =	simm.s32 @p2 $0x1082  }
0x22: {  	[simem:s7], [sflag:s8] =	dma.local @!p0 [hbm:s6], $0xF7A  }
0x23: {  	s9 =	sor.u32 $0xD0000000, s2;
	s6 =	simm.s32 $0x108;
	_ =	swait.ge @!p0 [sflag:s8], $0x0  }
0x24: {  	s3 =	sadd.s32 $0x88, s3;
	s6 =	simm.s32 @!p1 $0x1082;
	[sflag:s4] =	ssyncset.s32 $0xFFFFF086  }
0x25: {  	[simem:s6], [sflag:s4] =	dma.local [hbm:s3], $0xF7A  }
0x26: {  	[smem:$0x3F99] =	sst s1;
	(tag) =	ssettag s2;
	_ =	strace s9  }
0x27: {  	s1 =	sld [smem:$0x3FA9]  }
0x28: {  	s2 =	sld [smem:$0x3FAA]  }
0x29: {  	s4 =	sld [smem:$0x3FAC]  }
0x2a: {  	p0 =	seq.s32 s5, $0x0;
	s5 =	sld [smem:$0x3FAD]  }
0x2b: {  	s6 =	sld [smem:$0x3FAE]  }
0x2c: {  	s7 =	sld [smem:$0x3FAF]  }
0x2d: {  	s3 =	simm.s32 $0x108;
	s8 =	sld [smem:$0x3FB0]  }
0x2e: {  	s3 =	simm.s32 @!p0 $0x1082;
	s9 =	sld [smem:$0x3FB1]  }
0x2f: {  	lr =	sadd.s32 s0, s3;
	s0 =	sld [smem:$0x3FA8]  }
0x30: {  	s3 =	sld [smem:$0x3FAB]  }
0x31: {  	[smem:$0x3FB4] =	sst s10  }
0x32: {  	s10 =	sld [smem:$0x3FB2];
	_ =	sdelay $0x3  }
0x33: {  	p0 =	seq.s32 s10, $0x1;
	s10 =	sld [smem:$0x3FB4];
	_ =	sdelay $0x3  }
0x34: {  	[smem:$0x3FB4] =	sst s10  }
0x35: {  	s10 =	sld [smem:$0x3FB3];
	_ =	sdelay $0x3  }
0x36: {  	p1 =	seq.s32 s10, $0x1;
	s10 =	sld [smem:$0x3FB4];
	_ =	sdelay $0x3  }
0x37: {  	[smem:$0x3FB4] =	sst s10  }
0x38: {  	s10 =	sld [smem:$0x3FB5]  }
0x39: {  	_ = 	snop;
	(pc) =	sbr.ind lr, $3  }
0x3a: {  	_ = 	snop  }
0x3b: {  	_ = 	snop  }
0x3c: {  	p2 =	seq.s32 s10, $0x1;
	s10 =	sld [smem:$0x3FB4]  }
0x3d: {  	_ =	shalt  }
0x3e: {  	_ =	shalt  }
0x3f: {  	_ =	shalt  }
0x40: {  	_ =	shalt  }
0x41: {  	_ =	shalt  }
0x42: {  	_ =	shalt  }
0x43: {  	_ =	shalt  }
0x44: {  	_ =	shalt  }
0x45: {  	_ =	shalt  }
0x46: {  	_ =	shalt  }
0x47: {  	_ =	shalt  }
0x48: {  	_ =	shalt  }
0x49: {  	_ =	shalt  }
0x4a: {  	_ =	shalt  }
0x4b: {  	_ =	shalt  }
0x4c: {  	_ =	shalt  }
0x4d: {  	_ =	shalt  }
0x4e: {  	_ =	shalt  }
0x4f: {  	_ =	shalt  }
0x50: {  	_ =	shalt  }
0x51: {  	_ =	shalt  }
0x52: {  	_ =	shalt  }
0x53: {  	_ =	shalt  }
0x54: {  	_ =	shalt  }
0x55: {  	_ =	shalt  }
0x56: {  	_ =	shalt  }
0x57: {  	_ =	shalt  }
0x58: {  	_ =	shalt  }
0x59: {  	_ =	shalt  }
0x5a: {  	_ =	shalt  }
0x5b: {  	_ =	shalt  }
0x5c: {  	_ =	shalt  }
0x5d: {  	_ =	shalt  }
0x5e: {  	_ =	shalt  }
0x5f: {  	_ =	shalt  }
0x60: {  	_ =	shalt  }
0x61: {  	_ =	shalt  }
0x62: {  	_ =	shalt  }
0x63: {  	_ =	shalt  }
0x64: {  	_ =	shalt  }
0x65: {  	_ =	shalt  }
0x66: {  	_ =	shalt  }
0x67: {  	_ =	shalt  }
0x68: {  	_ =	shalt  }
0x69: {  	_ =	shalt  }
0x6a: {  	_ =	shalt  }
0x6b: {  	_ =	shalt  }
0x6c: {  	_ =	shalt  }
0x6d: {  	_ =	shalt  }
0x6e: {  	_ =	shalt  }
0x6f: {  	_ =	shalt  }
0x70: {  	_ =	shalt  }
0x71: {  	_ =	shalt  }
0x72: {  	_ =	shalt  }
0x73: {  	_ =	shalt  }
0x74: {  	_ =	shalt  }
0x75: {  	_ =	shalt  }
0x76: {  	_ =	shalt  }
0x77: {  	_ =	shalt  }
0x78: {  	_ =	shalt  }
0x79: {  	_ =	shalt  }
0x7a: {  	_ =	shalt  }
0x7b: {  	_ =	shalt  }
0x7c: {  	_ =	shalt  }
0x7d: {  	_ =	shalt  }
0x7e: {  	_ =	shalt  }
0x7f: {  	_ =	shalt  }
0x80: {  	_ =	shalt  }
0x81: {  	_ =	shalt  }
0x82: {  	_ =	shalt  }
0x83: {  	_ =	shalt  }
0x84: {  	_ =	shalt  }
0x85: {  	_ =	shalt  }
0x86: {  	_ =	shalt  }
0x87: {  	_ =	shalt  }
.Lfunc_end0:
.L_simem_size_0:
called_computation.3_lowered:
.L_overlay_start_0:
0x88: {  	s2 =	sld [smem:$0x3FD9]  }
0x89: {  	s3 =	sld [smem:$0x3FFE];
	_ =	sdelay $0x1  }
0x8a: {  	s1 =	srdreg.scid  }
0x8b: {  	s0 =	sand.u32 $0x1, s1  }
0x8c: {  	s17 =	sshll.u32 s0, $0xA;
	s2 =	sadd.s32 s3, s2  }
0x8d: {  	s2 =	sadd.s32 s2, s17  }
0x8e: {  	[smem:$0x3FC0] =	sst s2  }
0x8f: {  	_ = 	snop  }
0x90: {  	s2 =	sld [smem:$0x3FD0];
	(tm) =	ssettm $0x1  }
0x91: {  	s18 =	sld [smem:$0x3FFB];
	_ =	sdelay $0x3  }
0x92: {  	_ =	strace s18  }
0x93: {  	s3 =	sld [smem:$0x3FFC];
	_ =	sdelay $0x3  }
0x94: {  	_ =	strace s3  }
0x95: {  	s3 =	sld [smem:$0x3FFD];
	_ =	sdelay $0x3  }
0x96: {  	_ =	strace s3  }
0x97: {  	_ =	strace $0x8FFFFFFF  }
0x98: {  	s19 =	sld [smem:$0x3FDB];
	_ =	sdelay $0x1  }
0x99: {  	s4 =	simm.s32 $_scs_section_size  }
0x9a: {  	s5 =	simm.s32 $_size__tile_overlayer_lowered;
	s6 =	simm.s32 $_tile_overlayer_lowered  }
0x9b: {  	s22 =	simm.s32 $0x1BFF;
	s21 =	sshll.u32 s6, $0x1;
	s3 =	sadd.s32 s4, s19  }
0x9c: {  	s7 =	simm.s32 $0x0;
	s20 =	sshll.u32 s5, $0x1;
	s5 =	sadd.s32 s21, s3  }
0x9d: {  	[timem:s7], [sflag:s22] =	dma.local [hbm:s5], s20  }
0x9e: {  	_ =	swait.ge [sflag:s22], s20  }
0x9f: {  	s4 =	ssub.s32 $0x0, s20;
	[sflag:s22] =	ssyncset.done $0x0  }
0xa0: {  	[sflag:s22] =	ssyncadd.s32 s4;
	_ =	sdelay $0x1  }
0xa1: {  	s23 =	simm.s32 $0x1B8B  }
0xa2: {  	_ =	swait.ge [sflag:s23], $0x1  }
0xa3: {  	[sflag:s23] =	ssyncset.done $0x0  }
0xa4: {  	s25 =	simm.s32 $0x1B8E;
	s24 =	sld [smem:$0x3FFE];
	[sflag:s23] =	ssyncadd.s32 $0xFFFFFFFF  }
0xa5: {  	s26 =	simm.s32 $execute0_lowered;
	[smem:$0x3FD2] =	sst s25  }
0xa6: {  	s5 =	sshll.u32 s26, $0x1;
	_ =	strace $0x8000004F;
	[dreg:$0x1] =	wrdreg $0xFFFFFFFF  }
0xa7: {  	s28 =	simm.s32 $_size_execute0_lowered;
	s3 =	sadd.s32 s3, s5;
	[dreg:$0x0] =	wrdreg $0x0  }
0xa8: {  	s5 =	sshll.u32 s28, $0x1;
	[dreg:$0x2] =	wrdreg s3  }
0xa9: {  	[dreg:$0x3] =	wrdreg s5  }
0xaa: {  	[dreg:$0x4] =	wrdreg $0xC0  }
0xab: {  	_ =	task [dreg:s7], $0x5FFFF  }
0xac: {  	[dreg:$0x1] =	wrdreg $0xFFFFFFFF  }
0xad: {  	[dreg:$0x0] =	wrdreg $0x60  }
0xae: {  	[dreg:$0x2] =	wrdreg s24  }
0xaf: {  	[dreg:$0x3] =	wrdreg s2  }
0xb0: {  	[dreg:$0x4] =	wrdreg $0x82000  }
0xb1: {  	[dreg:$0x5] =	wrdreg $0x9  }
0xb2: {  	_ =	task.clear_ibuf [dreg:s7], $0x6FFFF;
	_ =	strace $0x9000004F  }
0xb3: {  	s29 =	simm.s32 $0x9;
	_ =	strace $0x80000051  }
0xb4: {  	_ =	swait.ge [sflag:s29], $0x1  }
0xb5: {  	[sflag:s29] =	ssyncadd.s32 $0xFFFFFFFF  }
0xb6: {  	_ =	strace $0x90000051  }
0xb7: {  	_ =	sfence  }
0xb8: {  	s30 =	sld [smem:$0x0];
	_ =	sdelay $0x2  }
0xb9: {  	s31 =	sshll.u32 s1, $0xD;
	s1 =	sshrl.u32 s1, $0x2  }
0xba: {  	s3 =	sand.u32 $0x4000, s31;
	s1 =	sadd.s32 s1, s30  }
0xbb: {  	s0 =	sor.u32 s3, s0;
	s1 =	sshll.u32 s1, $0x11  }
0xbc: {  	s0 =	sor.u32 s1, s0  }
0xbd: {  	s0 =	sadd.s32 $0x8F2B, s0  }
0xbe: {  	[sflag:s0] =	ssyncadd.remote.s32 $0x1  }
0xbf: {  	_ =	sfence.sel $0xFFFF  }
0xc0: {  	[dreg:$0x0] =	wrdreg $0xFFFFFFFF;
	(pc) =	sbr.abs _section_cstart, $3  }
0xc1: {  	[dreg:$0x1] =	wrdreg $0xFFFFFFFF  }
0xc2: {  	_ =	task.clear_ibuf [dreg:s7], $0x2FFFF;
	_ =	strace $0x9FFFFFFF  }
0xc3: {  	(tm) =	ssettm $0x7FFFFFFF  }
tec
execute0_lowered:
.L_overlay_start_1:
0x0: {  	(tag) =	ssettag $0x1  }
0x1: {  	s0 =	rddreg [dreg:$0x0]  }
0x2: {  	s2 =	rddreg [dreg:$0x1]  }
0x3: {  	s1 =	rddreg [dreg:$0x2];
	s4 =	srdreg.scid;
	s3 =	simm.s32 $0x0  }
0x4: {  	s12 =	stileid.u32;
	s28 =	simm.s32 $0x2;
	s29 =	simm.s32 $0x4200  }
0x5: {  	s30 =	simm.s32 $0x5;
	s31 =	simm.s32 $0x3;
	s5 =	sand.u32 $0x1, s4  }
0x6: {  	[smem:$0x7FF] =	sst s3;
	s4 =	sadd.s32 $0x49A00, s0;
	s10 =	smul.u32 $0x98, s12  }
0x7: {  	s8 =	sadd.s32 $0x17A00, s0;
	s11 =	sshll.u32 s12, $0x3;
	s26 =	smul.u32 $0x50000, s12  }
0x8: {  	s6 =	sshll.u32 s5, $0x4;
	_ =	strace $0x80000050;
	s7 =	ssub.s32 $0x2, s5  }
0x9: {  	p0 =	seq.s32 s5, $0x0;
	s5 =	sor.u32 $0x980, s11;
	s6 =	sor.u32 s12, s6  }
0xa: {  	s9 =	sshrl.u32 s7, $0x1;
	s5 =	smov.u32 @p0 s10;
	s13 =	sshrl.u32 s26, $0x2  }
0xb: {  	s6 =	smul.u32 $0x2800, s6;
	s12 =	ssub.s32 s7, s9;
	s9 =	simm.s32 $0x98  }
0xc: {  	s10 =	sshll.u32 s5, $0x4;
	s5 =	sadd.s32 s13, s1;
	s9 =	simm.s32 @!p0 $0x8  }
0xd: {  	s14 =	sor.u32 $0x10, s10;
	s15 =	sadd.s32 s8, s10;
	s21 =	smax.u32 s12, $0x1  }
0xe: {  	s10 =	sadd.s32 s2, s10;
	s22 =	sadd.s32 $0x4000, s5;
	[dreg:$0x8] =	wrdreg s21  }
0xf: {  	s23 =	sadd.s32 $0x8000, s5;
	s24 =	sadd.s32 $0xC000, s5;
	[dreg:$0x9] =	wrdreg s22  }
0x10: {  	s25 =	sadd.s32 $0x10000, s5;
	s0 =	sadd.s32 s6, s0;
	[dreg:$0xa] =	wrdreg s23  }
0x11: {  	s8 =	sadd.s32 s8, s14;
	s2 =	sadd.s32 s2, s14;
	[dreg:$0xb] =	wrdreg s24  }
0x12: {  	s20 =	sshrl.u32 s9, $0x1;
	[dreg:$0xc] =	wrdreg s25;
	s16 =	sadd.s32 $0xFFFFFFFE, s9  }
0x13: {  	s17 =	sadd.s32 $0xFFFFFFFD, s9;
	[dreg:$0x4] =	wrdreg s10;
	s19 =	sadd.s32 $0x30, s10  }
0x14: {  	s18 =	smov.u32 s15;
	s21 =	simm.s32 $0x200;
	s22 =	simm.s32 $0x9  }
0x15: {  	s23 =	simm.s32 $0x100;
	s24 =	simm.s32 $0x80;
	[dreg:$0x5] =	wrdreg s8  }
0x16: {  	s25 =	simm.s32 $0x180;
	s9 =	simm.s32 $0x8;
	[dreg:$0x6] =	wrdreg s2  }
0x17: {  	s0 =	sadd.s32 $0x71A00, s0;
	s26 =	sadd.s32 $0xFFFFFFFF, s20;
	s20 =	sadd.s32 $0x30, s15  }
0x18: {  	s2 =	simm.s32 $0x4;
	s8 =	simm.s32 $0x7;
	[dreg:$0x7] =	wrdreg s0  }
0x19: {  	v0 =	vimm.f32 $0.0e+00;
	[dreg:$0xd] =	wrdreg s26;
	s26 =	simm.s32 $0x1;
	s0 =	simm.s32 $0x6  }
.LBB2_1:
0x1a: {  	s10 =	simm.s32 $0x0;
	s11 =	simm.s32 $0x200  }
.LBB2_2:
0x1b: {  	p0 =	sne.s32 s11, $0xFE00;
	[tilespmem:s10+$0x270] =	vst v0  }
0x1c: {  	[tilespmem:s10+$0x200] =	vst v0  }
0x1d: {  	[tilespmem:s10+$0x210] =	vst v0  }
.Ltmp0:
0x1e: {  	[tilespmem:s10+$0x220] =	vst v0;
	(pc) =	sbr.rel @p0 .LBB2_2-.Ltmp0, $4  }
0x1f: {  	[tilespmem:s10+$0x230] =	vst v0  }
0x20: {  	[tilespmem:s10+$0x240] =	vst v0  }
0x21: {  	[tilespmem:s10+$0x250] =	vst v0  }
0x22: {  	[tilespmem:s10+$0x260] =	vst v0;
	s10 =	sshra.s32 s11, $0x2;
	s11 =	sadd.s32 $0x200, s11  }
0x23: {  	[tilespmem:s10+$0x270] =	vst v0  }
0x24: {  	[tilespmem:s10+$0x200] =	vst v0  }
0x25: {  	[tilespmem:s10+$0x210] =	vst v0  }
0x26: {  	[tilespmem:s10+$0x220] =	vst v0  }
0x27: {  	[tilespmem:s10+$0x230] =	vst v0  }
0x28: {  	[tilespmem:s10+$0x240] =	vst v0  }
0x29: {  	[tilespmem:s10+$0x250] =	vst v0  }
0x2a: {  	[tilespmem:s10+$0x260] =	vst v0  }
0x2b: {  	[spmem:s5] =	stream.linear.scatter [tilespmem:s21], [sflag:$0x9], $0x4000, $0x38;
	[tilespmem:$0x1C200] =	vst v63  }
0x2c: {  	_ =	swait.ge [sflag:s22], $0x4000  }
0x2d: {  	[sflag:s22] =	ssyncset.done $0x0  }
0x2e: {  	s6 =	rddreg [dreg:$0x9];
	[sflag:s22] =	ssyncadd.s32 $0xFFFFC000  }
0x2f: {  	[spmem:s6] =	stream.linear.scatter [tilespmem:s21], [sflag:$0x9], $0x4000, $0x38;
	[tilespmem:$0x1C200] =	vst v63  }
0x30: {  	_ =	swait.ge [sflag:s22], $0x4000  }
0x31: {  	[sflag:s22] =	ssyncset.done $0x0  }
0x32: {  	s7 =	rddreg [dreg:$0xa];
	[sflag:s22] =	ssyncadd.s32 $0xFFFFC000  }
0x33: {  	[spmem:s7] =	stream.linear.scatter [tilespmem:s21], [sflag:$0x9], $0x4000, $0x38;
	[tilespmem:$0x1C200] =	vst v63  }
0x34: {  	_ =	swait.ge [sflag:s22], $0x4000  }
0x35: {  	[sflag:s22] =	ssyncset.done $0x0  }
0x36: {  	s10 =	rddreg [dreg:$0xb];
	[sflag:s22] =	ssyncadd.s32 $0xFFFFC000  }
0x37: {  	[spmem:s10] =	stream.linear.scatter [tilespmem:s21], [sflag:$0x9], $0x4000, $0x38;
	[tilespmem:$0x1C200] =	vst v63  }
0x38: {  	_ =	swait.ge [sflag:s22], $0x4000  }
0x39: {  	[sflag:s22] =	ssyncset.done $0x0  }
0x3a: {  	s11 =	rddreg [dreg:$0xc];
	[sflag:s22] =	ssyncadd.s32 $0xFFFFC000  }
0x3b: {  	[spmem:s11] =	stream.linear.scatter [tilespmem:s21], [sflag:$0x9], $0x4000, $0x38;
	[tilespmem:$0x1C200] =	vst v63  }
0x3c: {  	_ =	swait.ge [sflag:s22], $0x4000  }
0x3d: {  	[sflag:s22] =	ssyncset.done $0x0  }
0x3e: {  	[sflag:s22] =	ssyncadd.s32 $0xFFFFC000  }
0x3f: {  	s12 =	simm.s32 $0x0;
	[bflag:$0x0] =	sbarrier.arrive $0xFFFF  }
0x40: {  	[tilespmem:s12], [sflag:$0x1] =	stream.linear.gather [hbm4b:s18+s12], $0x80, $0x38;
	[tilespmem:$0x1C200] =	vst v63  }
0x41: {  	s7 =	rddreg [dreg:$0x4]  }
0x42: {  	[tilespmem:s23], [sflag:$0x3] =	stream.linear.gather [hbm4b:s7+s12], $0x80, $0x38;
	[tilespmem:$0x1C200] =	vst v63  }
0x43: {  	s13 =	rddreg [dreg:$0x5]  }
0x44: {  	[tilespmem:s24], [sflag:$0x2] =	stream.linear.gather [hbm4b:s13+s12], $0x80, $0x38;
	[tilespmem:$0x1C200] =	vst v63  }
0x45: {  	s14 =	rddreg [dreg:$0x6]  }
0x46: {  	[tilespmem:s25], [sflag:$0x4] =	stream.linear.gather [hbm4b:s14+s12], $0x80, $0x38;
	[tilespmem:$0x1C200] =	vst v63  }
0x47: {  	_ =	swait.ge [sflag:s26], $0x80  }
0x48: {  	[sflag:s26] =	ssyncset.done $0x0  }
0x49: {  	[sflag:s26] =	ssyncadd.s32 $0xFFFFFF80  }
0x4a: {  	[tilespmem:s21], [sflag:$0x5] =	stream.indirect.gather [hbm4b:s4+s24], $0x80, s12, s24, $0xb8;
	[tilespmem:$0x1C200] =	vst v63  }
0x4b: {  	_ =	swait.ge [sflag:s28], $0x80  }
0x4c: {  	[sflag:s28] =	ssyncset.done $0x0  }
0x4d: {  	[sflag:s28] =	ssyncadd.s32 $0xFFFFFF80  }
0x4e: {  	[tilespmem:s29], [sflag:$0x6] =	stream.indirect.gather [hbm4b:s4+s24], $0x80, s24, s24, $0xb8;
	[tilespmem:$0x1C200] =	vst v63  }
0x4f: {  	_ =	swait.ge [sflag:s30], $0x4000  }
0x50: {  	[sflag:s30] =	ssyncset.done $0x0  }
0x51: {  	[sflag:s30] =	ssyncadd.s32 $0xFFFFC000  }
0x52: {  	_ =	swait.ge [sflag:s31], $0x80  }
0x53: {  	[sflag:s31] =	ssyncset.done $0x0  }
0x54: {  	p0 =	sle.u32 s16, $0x0;
	[sflag:s31] =	ssyncadd.s32 $0xFFFFFF80  }
0x55: {  	[spmem:s1] =	stream.indirect.scatter.add.f32 [tilespmem:s21], [sflag:$0x7], $0x80, s23, s24, $0xb8;
	[tilespmem:$0x1C200] =	vst v63  }
0x56: {  	s6 =	sadd.s32 @!p0 $0xFFFFFFF0, s20;
	s10 =	simm.s32 @!p0 $0x0;
	s11 =	simm.s32 @!p0 $0x7  }
0x57: {  	[tilespmem:s10], [sflag:$0x1] =	stream.linear.gather @!p0 [hbm4b:s6+s10], $0x80, $0x38;
	[tilespmem:$0x1C200] =	vst v63  }
0x58: {  	_ =	swait.ge @!p0 [sflag:s11], $0x4000  }
0x59: {  	s12 =	simm.s32 @!p0 $0x100;
	[sflag:s11] =	ssyncset.done @!p0 $0x0  }
0x5a: {  	s6 =	simm.s32 @!p0 $0x1;
	[sflag:s11] =	ssyncadd.s32 @!p0 $0xFFFFC000;
	s11 =	sadd.s32 @!p0 $0xFFFFFFF0, s19  }
0x5b: {  	[tilespmem:s12], [sflag:$0x3] =	stream.linear.gather @!p0 [hbm4b:s11+s10], $0x80, $0x38;
	[tilespmem:$0x1C200] =	vst v63  }
0x5c: {  	_ =	swait.ge @!p0 [sflag:s6], $0x80  }
0x5d: {  	[sflag:s6] =	ssyncset.done @!p0 $0x0  }
0x5e: {  	s11 =	simm.s32 @!p0 $0x200;
	[sflag:s6] =	ssyncadd.s32 @!p0 $0xFFFFFF80;
	s6 =	simm.s32 @!p0 $0x80  }
0x5f: {  	[tilespmem:s11], [sflag:$0x5] =	stream.indirect.gather @!p0 [hbm4b:s4+s6], $0x80, s10, s6, $0xb8;
	[tilespmem:$0x1C200] =	vst v63  }
0x60: {  	_ =	swait.ge [sflag:s0], $0x4000  }
0x61: {  	[sflag:s0] =	ssyncset.done $0x0  }
0x62: {  	[sflag:s0] =	ssyncadd.s32 $0xFFFFC000  }
0x63: {  	_ =	swait.ge [sflag:s2], $0x80  }
0x64: {  	[sflag:s2] =	ssyncset.done $0x0  }
0x65: {  	p1 =	sle.u32 s17, $0x0;
	[sflag:s2] =	ssyncadd.s32 $0xFFFFFF80  }
0x66: {  	[spmem:s1] =	stream.indirect.scatter.add.f32 [tilespmem:s29], [sflag:$0x8], $0x80, s25, s24, $0xb8;
	[tilespmem:$0x1C200] =	vst v63  }
0x67: {  	s14 =	simm.s32 @!p1 $0x80;
	s6 =	simm.s32 @!p1 $0x0;
	s10 =	simm.s32 @!p1 $0x8  }
0x68: {  	[tilespmem:s14], [sflag:$0x2] =	stream.linear.gather @!p1 [hbm4b:s20+s6], $0x80, $0x38;
	[tilespmem:$0x1C200] =	vst v63  }
0x69: {  	_ =	swait.ge @!p1 [sflag:s10], $0x4000  }
0x6a: {  	s15 =	rddreg [dreg:$0xd]  }
0x6b: {  	s13 =	sadd.s32 $0xFFFFFFFF, s15  }
0x6c: {  	s12 =	simm.s32 @!p1 $0x2;
	[sflag:s10] =	ssyncset.done @!p1 $0x0;
	p0 =	sne.s32 s13, $0x0  }
.Ltmp1:
0x6d: {  	[sflag:s10] =	ssyncadd.s32 @!p1 $0xFFFFC000;
	s10 =	simm.s32 @!p1 $0x180;
	(pc) =	sbr.rel @!p0 .LBB2_5-.Ltmp1, $4  }
0x6e: {  	[tilespmem:s10], [sflag:$0x4] =	stream.linear.gather @!p1 [hbm4b:s19+s6], $0x80, $0x38;
	[tilespmem:$0x1C200] =	vst v63  }
0x6f: {  	_ =	swait.ge @!p1 [sflag:s12], $0x80  }
0x70: {  	s11 =	sadd.s32 $0x20, s20;
	s10 =	sadd.s32 $0x20, s19;
	[sflag:s12] =	ssyncset.done @!p1 $0x0  }
0x71: {  	s6 =	simm.s32 @!p1 $0x4200;
	[sflag:s12] =	ssyncadd.s32 @!p1 $0xFFFFFF80;
	s12 =	simm.s32 $0x2  }
.LBB2_4:
0x72: {  	[tilespmem:s6], [sflag:$0x6] =	stream.indirect.gather @!p1 [hbm4b:s4+s14], $0x80, s14, s14, $0xb8;
	[tilespmem:$0x1C200] =	vst v63  }
0x73: {  	s13 =	sadd.s32 $0xFFFFFFFF, s13;
	_ =	swait.ge [sflag:s30], $0x4000  }
0x74: {  	p0 =	sne.s32 s13, $0x0;
	[sflag:s30] =	ssyncset.done $0x0  }
0x75: {  	[sflag:s30] =	ssyncadd.s32 $0xFFFFC000  }
0x76: {  	_ =	swait.ge [sflag:s31], $0x80  }
0x77: {  	[sflag:s31] =	ssyncset.done $0x0  }
0x78: {  	p1 =	sge.u32 s12, s16;
	[sflag:s31] =	ssyncadd.s32 $0xFFFFFF80  }
0x79: {  	[spmem:s1] =	stream.indirect.scatter.add.f32 [tilespmem:s21], [sflag:$0x7], $0x80, s23, s24, $0xb8;
	[tilespmem:$0x1C200] =	vst v63  }
0x7a: {  	s6 =	sadd.s32 @!p1 $0xFFFFFFF0, s11;
	s14 =	simm.s32 @!p1 $0x0;
	s15 =	simm.s32 @!p1 $0x7  }
0x7b: {  	[tilespmem:s14], [sflag:$0x1] =	stream.linear.gather @!p1 [hbm4b:s6+s14], $0x80, $0x38;
	[tilespmem:$0x1C200] =	vst v63  }
0x7c: {  	_ =	swait.ge @!p1 [sflag:s15], $0x4000  }
0x7d: {  	s6 =	simm.s32 @!p1 $0x1;
	[sflag:s15] =	ssyncset.done @!p1 $0x0  }
0x7e: {  	s7 =	simm.s32 @!p1 $0x100;
	[sflag:s15] =	ssyncadd.s32 @!p1 $0xFFFFC000;
	s15 =	sadd.s32 @!p1 $0xFFFFFFF0, s10  }
0x7f: {  	[tilespmem:s7], [sflag:$0x3] =	stream.linear.gather @!p1 [hbm4b:s15+s14], $0x80, $0x38;
	[tilespmem:$0x1C200] =	vst v63  }
0x80: {  	_ =	swait.ge @!p1 [sflag:s6], $0x80  }
0x81: {  	[sflag:s6] =	ssyncset.done @!p1 $0x0  }
0x82: {  	s7 =	simm.s32 @!p1 $0x200;
	[sflag:s6] =	ssyncadd.s32 @!p1 $0xFFFFFF80;
	s6 =	simm.s32 @!p1 $0x80  }
0x83: {  	[tilespmem:s7], [sflag:$0x5] =	stream.indirect.gather @!p1 [hbm4b:s4+s6], $0x80, s14, s6, $0xb8;
	[tilespmem:$0x1C200] =	vst v63  }
0x84: {  	_ =	swait.ge [sflag:s0], $0x4000  }
0x85: {  	[sflag:s0] =	ssyncset.done $0x0  }
0x86: {  	[sflag:s0] =	ssyncadd.s32 $0xFFFFC000  }
0x87: {  	_ =	swait.ge [sflag:s2], $0x80  }
0x88: {  	[sflag:s2] =	ssyncset.done $0x0  }
0x89: {  	p1 =	sge.u32 s12, s17;
	[sflag:s2] =	ssyncadd.s32 $0xFFFFFF80  }
0x8a: {  	[spmem:s1] =	stream.indirect.scatter.add.f32 [tilespmem:s29], [sflag:$0x8], $0x80, s25, s24, $0xb8;
	[tilespmem:$0x1C200] =	vst v63  }
0x8b: {  	s6 =	simm.s32 @!p1 $0x0;
	s14 =	simm.s32 @!p1 $0x80;
	s7 =	simm.s32 @!p1 $0x8  }
0x8c: {  	[tilespmem:s14], [sflag:$0x2] =	stream.linear.gather @!p1 [hbm4b:s11+s6], $0x80, $0x38;
	[tilespmem:$0x1C200] =	vst v63  }
0x8d: {  	_ =	swait.ge @!p1 [sflag:s7], $0x4000  }
0x8e: {  	s15 =	simm.s32 @!p1 $0x2;
	[sflag:s7] =	ssyncset.done @!p1 $0x0  }
.Ltmp2:
0x8f: {  	[sflag:s7] =	ssyncadd.s32 @!p1 $0xFFFFC000;
	s7 =	simm.s32 @!p1 $0x180;
	(pc) =	sbr.rel @p0 .LBB2_4-.Ltmp2, $4  }
0x90: {  	[tilespmem:s7], [sflag:$0x4] =	stream.linear.gather @!p1 [hbm4b:s10+s6], $0x80, $0x38;
	[tilespmem:$0x1C200] =	vst v63  }
0x91: {  	_ =	swait.ge @!p1 [sflag:s15], $0x80  }
0x92: {  	s11 =	sadd.s32 $0x20, s11;
	s10 =	sadd.s32 $0x20, s10;
	[sflag:s15] =	ssyncset.done @!p1 $0x0  }
0x93: {  	s12 =	sadd.s32 $0x2, s12;
	s6 =	simm.s32 @!p1 $0x4200;
	[sflag:s15] =	ssyncadd.s32 @!p1 $0xFFFFFF80  }
.LBB2_5:
0x94: {  	[tilespmem:s6], [sflag:$0x6] =	stream.indirect.gather @!p1 [hbm4b:s4+s14], $0x80, s14, s14, $0xb8;
	[tilespmem:$0x1C200] =	vst v63  }
0x95: {  	_ =	swait.ge [sflag:s30], $0x4000  }
0x96: {  	[sflag:s30] =	ssyncset.done $0x0  }
0x97: {  	[sflag:s30] =	ssyncadd.s32 $0xFFFFC000  }
0x98: {  	_ =	swait.ge [sflag:s31], $0x80  }
0x99: {  	[sflag:s31] =	ssyncset.done $0x0  }
0x9a: {  	p0 =	sge.u32 s12, s16;
	[sflag:s31] =	ssyncadd.s32 $0xFFFFFF80  }
0x9b: {  	[spmem:s1] =	stream.indirect.scatter.add.f32 [tilespmem:s21], [sflag:$0x7], $0x80, s23, s24, $0xb8;
	[tilespmem:$0x1C200] =	vst v63  }
0x9c: {  	s6 =	sadd.s32 @!p0 $0xFFFFFFF0, s11;
	s7 =	simm.s32 @!p0 $0x0  }
0x9d: {  	[tilespmem:s7], [sflag:$0x1] =	stream.linear.gather @!p0 [hbm4b:s6+s7], $0x80, $0x38;
	[tilespmem:$0x1C200] =	vst v63  }
0x9e: {  	s6 =	simm.s32 @!p0 $0x7  }
0x9f: {  	_ =	swait.ge @!p0 [sflag:s6], $0x4000  }
0xa0: {  	[sflag:s6] =	ssyncset.done @!p0 $0x0  }
0xa1: {  	s13 =	simm.s32 @!p0 $0x100;
	[sflag:s6] =	ssyncadd.s32 @!p0 $0xFFFFC000;
	s6 =	sadd.s32 @!p0 $0xFFFFFFF0, s10  }
0xa2: {  	[tilespmem:s13], [sflag:$0x3] =	stream.linear.gather @!p0 [hbm4b:s6+s7], $0x80, $0x38;
	[tilespmem:$0x1C200] =	vst v63  }
0xa3: {  	s6 =	simm.s32 @!p0 $0x1  }
0xa4: {  	_ =	swait.ge @!p0 [sflag:s6], $0x80  }
0xa5: {  	[sflag:s6] =	ssyncset.done @!p0 $0x0  }
0xa6: {  	s13 =	simm.s32 @!p0 $0x200;
	[sflag:s6] =	ssyncadd.s32 @!p0 $0xFFFFFF80;
	s6 =	simm.s32 @!p0 $0x80  }
0xa7: {  	[tilespmem:s13], [sflag:$0x5] =	stream.indirect.gather @!p0 [hbm4b:s4+s6], $0x80, s7, s6, $0xb8;
	[tilespmem:$0x1C200] =	vst v63  }
0xa8: {  	_ =	swait.ge [sflag:s0], $0x4000  }
0xa9: {  	[sflag:s0] =	ssyncset.done $0x0  }
0xaa: {  	[sflag:s0] =	ssyncadd.s32 $0xFFFFC000  }
0xab: {  	_ =	swait.ge [sflag:s2], $0x80  }
0xac: {  	[sflag:s2] =	ssyncset.done $0x0  }
0xad: {  	p0 =	sge.u32 s12, s17;
	[sflag:s2] =	ssyncadd.s32 $0xFFFFFF80  }
0xae: {  	[spmem:s1] =	stream.indirect.scatter.add.f32 [tilespmem:s29], [sflag:$0x8], $0x80, s25, s24, $0xb8;
	[tilespmem:$0x1C200] =	vst v63  }
0xaf: {  	s6 =	simm.s32 @!p0 $0x0;
	s7 =	simm.s32 @!p0 $0x80  }
0xb0: {  	[tilespmem:s7], [sflag:$0x2] =	stream.linear.gather @!p0 [hbm4b:s11+s6], $0x80, $0x38;
	[tilespmem:$0x1C200] =	vst v63  }
0xb1: {  	s11 =	simm.s32 @!p0 $0x8  }
0xb2: {  	_ =	swait.ge @!p0 [sflag:s11], $0x4000  }
0xb3: {  	[sflag:s11] =	ssyncset.done @!p0 $0x0  }
0xb4: {  	[sflag:s11] =	ssyncadd.s32 @!p0 $0xFFFFC000;
	s11 =	simm.s32 @!p0 $0x180  }
0xb5: {  	[tilespmem:s11], [sflag:$0x4] =	stream.linear.gather @!p0 [hbm4b:s10+s6], $0x80, $0x38;
	[tilespmem:$0x1C200] =	vst v63  }
0xb6: {  	s6 =	simm.s32 @!p0 $0x2  }
0xb7: {  	_ =	swait.ge @!p0 [sflag:s6], $0x80  }
0xb8: {  	[sflag:s6] =	ssyncset.done @!p0 $0x0  }
0xb9: {  	[sflag:s6] =	ssyncadd.s32 @!p0 $0xFFFFFF80;
	s6 =	simm.s32 @!p0 $0x4200  }
0xba: {  	[tilespmem:s6], [sflag:$0x6] =	stream.indirect.gather @!p0 [hbm4b:s4+s7], $0x80, s7, s7, $0xb8;
	[tilespmem:$0x1C200] =	vst v63  }
0xbb: {  	_ =	swait.ge [sflag:s8], $0x4000  }
0xbc: {  	[sflag:s8] =	ssyncset.done $0x0  }
0xbd: {  	[sflag:s8] =	ssyncadd.s32 $0xFFFFC000  }
0xbe: {  	_ =	swait.ge [sflag:s9], $0x4000  }
0xbf: {  	[sflag:s9] =	ssyncset.done $0x0  }
0xc0: {  	s12 =	stileid.u32;
	[sflag:s9] =	ssyncadd.s32 $0xFFFFC000  }
0xc1: {  	s6 =	sshll.u32 s12, $0x6;
	[bflag:$0x0] =	sbarrier.arrive $0xFFFF  }
0xc2: {  	s13 =	sshrl.u32 s5, $0x3;
	s6 =	sor.u32 $0x1C09, s6;
	s14 =	rddreg [dreg:$0x7]  }
0xc3: {  	[hbm:s14], [sflag:s6] =	dma.local [spmem:s13], $0x2800  }
0xc4: {  	_ =	swait.ge [sflag:s22], $0x2800  }
0xc5: {  	s3 =	sadd.s32 $0x1, s3;
	s15 =	rddreg [dreg:$0x8]  }
0xc6: {  	p0 =	sne.s32 s3, s15  }
.Ltmp3:
0xc7: {  	_ = 	snop;
	(pc) =	sbr.rel @p0 .LBB2_1-.Ltmp3, $3  }
0xc8: {  	_ =	sdelay $0x1  }
0xc9: {  	[sflag:s22] =	ssyncset.done $0x0  }
0xca: {  	[sflag:s22] =	ssyncadd.s32 $0xFFFFD800  }
0xcb: {  	_ =	sfence.sel $0x180000  }
0xcc: {  	[bflag:$0x0] =	sbarrier.arrive $0xFFFF  }
0xcd: {  	_ =	strace $0x90000050  }
0xce: {  	s0 =	stileid.u32;
	[bflag:$0x2] =	sbarrier.arrive $0xFFFF  }
0xcf: {  	p0 =	sne.s32 s0, $0x0;
	s0 =	rddreg [dreg:$0x3]  }
0xd0: {  	s0 =	sadd.s32 @!p0 $0x100000, s0  }
0xd1: {  	[sflag:s0] =	ssyncadd.tile.s32 @!p0 $0x1;
	_ =	shalt  }
.Lfunc_end2:
_tile_overlayer_lowered:
.L_overlay_start_2:
0xd2: {  	(tag) =	ssettag $0x2  }
0xd3: {  	s0 =	rddreg [dreg:$0x0];
	s2 =	stileid.u32  }
0xd4: {  	s1 =	rddreg [dreg:$0x1];
	p0 =	sne.s32 s2, $0x0  }
0xd5: {  	s3 =	rddreg [dreg:$0x2];
	[bflag:$0x3] =	sbarrier.arrive $0xFFFF;
	s2 =	simm.s32 @!p0 $0x1C09  }
0xd6: {  	[timem:s3], [sflag:s2] =	dma.local @!p0 [hbm:s0], s1  }
0xd7: {  	s0 =	simm.s32 @!p0 $0x9  }
0xd8: {  	_ =	swait.ge @!p0 [sflag:s0], s1  }
0xd9: {  	s1 =	ssub.s32 @!p0 $0x0, s1;
	[sflag:s0] =	ssyncset.done @!p0 $0x0  }
0xda: {  	[sflag:s0] =	ssyncadd.s32 @!p0 s1  }
0xdb: {  	[bflag:$0x3] =	sbarrier.arrive $0xFFFF  }
0xdc: {  	_ =	shalt  }

</sc_bundles>
